<compile_context>
chip_gen: v7x
topology: tpu7x:2x2x1
jax: 0.10.2.dev20260603
libtpu: 0.0.44.dev20260713+nightly
codegen_flags: <defaults>
</compile_context>

<pallas_src>
import functools

import jax
import jax.numpy as jnp
from jax import lax
from jax.experimental import pallas as pl
from jax.experimental.pallas import tpu as pltpu
from jax.experimental.pallas import tpu_sc as plsc

N = 10000
E = 160000
D = 256
DH = 128
NSC = 16
N_PAD = 10240
R = N_PAD // NSC
EPT = E // NSC
B = 80
NCHUNK = EPT // B

BM = 400



def _mm_y_body(x_ref, wn_ref, ya_ref, yb_ref):
    y = jnp.dot(x_ref[...], wn_ref[...], preferred_element_type=jnp.float32)
    ya_ref[...] = y[:, :DH]
    yb_ref[...] = y[:, DH:]


def _mm_y(x, wn):
    return pl.pallas_call(
        _mm_y_body,
        grid=(N // BM,),
        in_specs=[
            pl.BlockSpec((BM, D), lambda i: (i, 0)),
            pl.BlockSpec((D, D), lambda i: (0, 0)),
        ],
        out_specs=[
            pl.BlockSpec((BM, DH), lambda i: (i, 0)),
            pl.BlockSpec((BM, DH), lambda i: (i, 0)),
        ],
        out_shape=[
            jax.ShapeDtypeStruct((N_PAD, DH), jnp.float32),
            jax.ShapeDtypeStruct((N_PAD, DH), jnp.float32),
        ],
    )(x, wn)


def _mm_s_body(x_ref, ws_ref, b_ref, s_ref):
    s_ref[...] = jnp.dot(x_ref[...], ws_ref[...], preferred_element_type=jnp.float32) + b_ref[...]


def _mm_s(x, ws, b):
    return pl.pallas_call(
        _mm_s_body,
        grid=(N // BM,),
        in_specs=[
            pl.BlockSpec((BM, D), lambda i: (i, 0)),
            pl.BlockSpec((D, D), lambda i: (0, 0)),
            pl.BlockSpec((1, D), lambda i: (0, 0)),
        ],
        out_specs=pl.BlockSpec((BM, D), lambda i: (i, 0)),
        out_shape=jax.ShapeDtypeStruct((N_PAD, D), jnp.float32),
    )(x, ws, b.reshape(1, D))


def _h_of(s1_ref, aa_ref, ab_ref, c0_ref, c1_ref):
    inv = 1.0 / jnp.maximum(c0_ref[...] + c1_ref[...], 1.0)
    agg = jnp.concatenate([aa_ref[...], ab_ref[...]], axis=1) * inv
    return jnp.maximum(s1_ref[...] + agg, 0.0)


def _mid_y_body(s1_ref, aa_ref, ab_ref, c0_ref, c1_ref, wn_ref, ya_ref, yb_ref):
    h = _h_of(s1_ref, aa_ref, ab_ref, c0_ref, c1_ref)
    y = jnp.dot(h, wn_ref[...], preferred_element_type=jnp.float32)
    ya_ref[...] = y[:, :DH]
    yb_ref[...] = y[:, DH:]


def _mid_s_body(s1_ref, aa_ref, ab_ref, c0_ref, c1_ref, ws_ref, b_ref, s2_ref):
    h = _h_of(s1_ref, aa_ref, ab_ref, c0_ref, c1_ref)
    s2_ref[...] = jnp.dot(h, ws_ref[...], preferred_element_type=jnp.float32) + b_ref[...]


_MID_IN = [
    pl.BlockSpec((BM, D), lambda i: (i, 0)),
    pl.BlockSpec((BM, DH), lambda i: (i, 0)),
    pl.BlockSpec((BM, DH), lambda i: (i, 0)),
    pl.BlockSpec((BM, 1), lambda i: (i, 0)),
    pl.BlockSpec((BM, 1), lambda i: (i, 0)),
    pl.BlockSpec((D, D), lambda i: (0, 0)),
]


def _mid_y(s1, aa, ab, c0, c1, wn):
    return pl.pallas_call(
        _mid_y_body,
        grid=(N // BM,),
        in_specs=_MID_IN,
        out_specs=[
            pl.BlockSpec((BM, DH), lambda i: (i, 0)),
            pl.BlockSpec((BM, DH), lambda i: (i, 0)),
        ],
        out_shape=[
            jax.ShapeDtypeStruct((N_PAD, DH), jnp.float32),
            jax.ShapeDtypeStruct((N_PAD, DH), jnp.float32),
        ],
    )(s1, aa, ab, c0, c1, wn)


def _mid_s(s1, aa, ab, c0, c1, ws, b):
    return pl.pallas_call(
        _mid_s_body,
        grid=(N // BM,),
        in_specs=_MID_IN + [pl.BlockSpec((1, D), lambda i: (0, 0))],
        out_specs=pl.BlockSpec((BM, D), lambda i: (i, 0)),
        out_shape=jax.ShapeDtypeStruct((N_PAD, D), jnp.float32),
    )(s1, aa, ab, c0, c1, ws, b.reshape(1, D))


def _fin_body(s2_ref, aa_ref, ab_ref, c0_ref, c1_ref, o_ref):
    inv = 1.0 / jnp.maximum(c0_ref[...] + c1_ref[...], 1.0)
    o_ref[...] = s2_ref[...] + jnp.concatenate([aa_ref[...], ab_ref[...]], axis=1) * inv


def _fin(s2, aa, ab, c0, c1):
    return pl.pallas_call(
        _fin_body,
        grid=(N // BM,),
        in_specs=[
            pl.BlockSpec((BM, D), lambda i: (i, 0)),
            pl.BlockSpec((BM, DH), lambda i: (i, 0)),
            pl.BlockSpec((BM, DH), lambda i: (i, 0)),
            pl.BlockSpec((BM, 1), lambda i: (i, 0)),
            pl.BlockSpec((BM, 1), lambda i: (i, 0)),
        ],
        out_specs=pl.BlockSpec((BM, D), lambda i: (i, 0)),
        out_shape=jax.ShapeDtypeStruct((N, D), jnp.float32),
    )(s2, aa, ab, c0, c1)



ECNT = E // 32


@functools.lru_cache(maxsize=None)
def _make_segsum():
    mesh = plsc.VectorSubcoreMesh(
        core_axis_name="c", subcore_axis_name="s", num_cores=2, num_subcores=NSC)

    DP = 4
    IP = 6

    out_type = [
        jax.ShapeDtypeStruct((N_PAD, DH), jnp.float32),
        jax.ShapeDtypeStruct((N_PAD, DH), jnp.float32),
    ]
    scratch = [
        pltpu.VMEM((IP, B), jnp.int32),
        pltpu.VMEM((IP, B), jnp.int32),
        pltpu.VMEM((DP, B, DH), jnp.float32),
        pltpu.VMEM_SHARED((N_PAD, DH), jnp.float32),
        pltpu.SemaphoreType.DMA,
        pltpu.SemaphoreType.DMA,
        pltpu.SemaphoreType.DMA,
        pltpu.SemaphoreType.DMA,
    ]

    def body(ya, yb, ei, agg_a, agg_b,
             sidx, didx, rows, accum, sisem, disem, gsem, ssem):
        c = lax.axis_index("c")
        s = lax.axis_index("s")
        row0 = s * R
        ebase = s * EPT

        def _zr(r, carry):
            for k in range(DH // 16):
                rows[0, r, pl.ds(k * 16, 16)] = jnp.zeros((16,), jnp.float32)
            return carry
        lax.fori_loop(0, B, _zr, 0)
        for q in range(R // B):
            pltpu.sync_copy(rows.at[0], accum.at[pl.ds(row0 + q * B, B)])
        plsc.subcore_barrier()

        def load_idx(i):
            buf = lax.rem(i, IP)
            off = ebase + i * B
            pltpu.async_copy(ei.at[pl.ds(off, B)], sidx.at[buf], sisem)
            pltpu.async_copy(ei.at[pl.ds(E + off, B)], didx.at[buf], disem)

        def gather(i):
            buf = lax.rem(i, DP)

            @pl.when(c == 0)
            def _():
                pltpu.async_copy(ya.at[sidx.at[lax.rem(i, IP)]], rows.at[buf], gsem)

            @pl.when(c == 1)
            def _():
                pltpu.async_copy(yb.at[sidx.at[lax.rem(i, IP)]], rows.at[buf], gsem)

        def wait_idx(sem):
            pltpu.make_async_copy(ei.at[pl.ds(0, B)], sidx.at[0], sem).wait()

        def wait_gather():
            pltpu.make_async_copy(ya.at[sidx.at[0]], rows.at[0], gsem).wait()

        def wait_scatter():
            pltpu.make_async_copy(rows.at[0], accum.at[didx.at[0]], ssem).wait()

        for k in range(4):
            load_idx(k)
        wait_idx(sisem)
        gather(0)
        wait_idx(sisem)
        gather(1)

        def step(i, carry):
            @pl.when(i >= 2)
            def _():
                wait_scatter()

            @pl.when(i + 4 < NCHUNK)
            def _():
                load_idx(i + 4)

            @pl.when(i + 2 < NCHUNK)
            def _():
                wait_idx(sisem)
                gather(i + 2)

            wait_gather()
            wait_idx(disem)
            pltpu.async_copy(rows.at[lax.rem(i, DP)],
                             accum.at[didx.at[lax.rem(i, IP)]], ssem, add=True)
            return carry

        lax.fori_loop(0, NCHUNK, step, 0)
        wait_scatter()
        wait_scatter()
        plsc.subcore_barrier()

        @pl.when(c == 0)
        def _():
            pltpu.sync_copy(accum.at[pl.ds(row0, R)], agg_a.at[pl.ds(row0, R)])

        @pl.when(c == 1)
        def _():
            pltpu.sync_copy(accum.at[pl.ds(row0, R)], agg_b.at[pl.ds(row0, R)])

    return pl.kernel(
        body, out_type=out_type, mesh=mesh, scratch_types=scratch,
        compiler_params=pltpu.CompilerParams(needs_layout_passes=False))


@functools.lru_cache(maxsize=None)
def _make_cnt():
    mesh = plsc.VectorSubcoreMesh(
        core_axis_name="c", subcore_axis_name="s", num_cores=2, num_subcores=NSC)

    out_type = [
        jax.ShapeDtypeStruct((N_PAD,), jnp.float32),
        jax.ShapeDtypeStruct((N_PAD,), jnp.float32),
    ]
    scratch = [
        pltpu.VMEM((ECNT,), jnp.int32),
        pltpu.VMEM((N_PAD,), jnp.float32),
        pltpu.VMEM((NSC, R), jnp.float32),
        pltpu.VMEM((R,), jnp.float32),
        pltpu.VMEM_SHARED((NSC, N_PAD), jnp.float32),
    ]

    def body(ei, c0_out, c1_out, didx, cntp, cred, cout, cnt_all):
        c = lax.axis_index("c")
        s = lax.axis_index("s")
        w = c * NSC + s
        row0 = s * R

        pltpu.sync_copy(ei.at[pl.ds(E + w * ECNT, ECNT)], didx)

        def _zc(i, carry):
            cntp[pl.ds(i * 16, 16)] = jnp.zeros((16,), jnp.float32)
            return carry
        lax.fori_loop(0, N_PAD // 16, _zc, 0)

        ones16 = jnp.ones((16,), jnp.float32)

        def _cc(i, carry):
            d16 = didx[pl.ds(i * 16, 16)]
            plsc.addupdate_scatter(cntp, [d16], ones16)
            return carry
        lax.fori_loop(0, ECNT // 16, _cc, 0)
        d16 = didx[pl.ds(ECNT - 16, 16)]
        lanes = lax.broadcasted_iota(jnp.int32, (16,), 0)
        plsc.addupdate_scatter(cntp, [d16], ones16, mask=lanes >= 8)

        pltpu.sync_copy(cntp, cnt_all.at[s])
        plsc.subcore_barrier()
        pltpu.sync_copy(cnt_all.at[:, pl.ds(row0, R)], cred)

        def red(j, carry):
            acc = jnp.zeros((16,), jnp.float32)
            for r in range(NSC):
                acc = acc + cred[r, pl.ds(j * 16, 16)]
            cout[pl.ds(j * 16, 16)] = acc
            return carry
        lax.fori_loop(0, R // 16, red, 0)

        @pl.when(c == 0)
        def _():
            pltpu.sync_copy(cout, c0_out.at[pl.ds(row0, R)])

        @pl.when(c == 1)
        def _():
            pltpu.sync_copy(cout, c1_out.at[pl.ds(row0, R)])

    return pl.kernel(
        body, out_type=out_type, mesh=mesh, scratch_types=scratch,
        compiler_params=pltpu.CompilerParams(needs_layout_passes=False))



@jax.jit
def kernel(x, edge_index, W1_self, W1_neigh, b1, W2_self, W2_neigh, b2):
    ei = edge_index.reshape(2 * E)
    cnt0, cnt1 = _make_cnt()(ei)
    c0 = cnt0.reshape(N_PAD, 1)
    c1 = cnt1.reshape(N_PAD, 1)
    y1a, y1b = _mm_y(x, W1_neigh)
    agg_a, agg_b = _make_segsum()(y1a, y1b, ei)
    s1 = _mm_s(x, W1_self, b1)
    y2a, y2b = _mid_y(s1, agg_a, agg_b, c0, c1, W2_neigh)
    agg_a2, agg_b2 = _make_segsum()(y2a, y2b, ei)
    s2 = _mid_s(s1, agg_a, agg_b, c0, c1, W2_self, b2)
    return _fin(s2, agg_a2, agg_b2, c0, c1)

# --- scband reference (transcript-rebuilt; emitter-appended) ---
"""Pipeline reference for scband-sage-26336739459550 (READ-ONLY COPY).

The authoritative reference and input builder live on the scoring server;
editing this copy changes nothing except your own understanding.
"""

import jax, jax.numpy as jnp
import numpy as np

N = 10000
E = 160000
D_IN = 256
D_HID = 256
D_OUT = 256


def setup_inputs(seed: int = 0) -> dict:
    key = jax.random.key(seed)
    ks = jax.random.split(key, 9)
    x = jax.random.normal(ks[0], (N, D_IN), dtype=jnp.float32)
    edge_index = jax.random.randint(ks[1], (2, E), 0, N, dtype=jnp.int32)
    s = 0.05
    W1_self = jax.random.normal(ks[2], (D_IN, D_HID), dtype=jnp.float32) * s
    W1_neigh = jax.random.normal(ks[3], (D_IN, D_HID), dtype=jnp.float32) * s
    b1 = jnp.zeros((D_HID,), dtype=jnp.float32)
    W2_self = jax.random.normal(ks[4], (D_HID, D_OUT), dtype=jnp.float32) * s
    W2_neigh = jax.random.normal(ks[5], (D_HID, D_OUT), dtype=jnp.float32) * s
    b2 = jnp.zeros((D_OUT,), dtype=jnp.float32)
    return {
        "x": x,
        "edge_index": edge_index,
        "W1_self": W1_self,
        "W1_neigh": W1_neigh,
        "b1": b1,
        "W2_self": W2_self,
        "W2_neigh": W2_neigh,
        "b2": b2,
    }


def _sage_conv(x, edge_index, W_self, W_neigh, b):
    # GraphSAGE mean aggregation: gather src features, scatter-mean to dst
    src = edge_index[0]
    dst = edge_index[1]
    msg = jnp.take(x, src, axis=0)                                   # gather [E, d]
    agg = jax.ops.segment_sum(msg, dst, num_segments=x.shape[0])     # scatter-add [N, d]
    cnt = jax.ops.segment_sum(jnp.ones((edge_index.shape[1],), dtype=x.dtype), dst,
                              num_segments=x.shape[0])
    agg = agg / jnp.clip(cnt, 1.0, None)[:, None]                    # mean
    return x @ W_self + agg @ W_neigh + b


def reference(x, edge_index, W1_self, W1_neigh, b1, W2_self, W2_neigh, b2):
    # layer 1 + relu (dropout is identity in eval mode)
    h = _sage_conv(x, edge_index, W1_self, W1_neigh, b1)
    h = jax.nn.relu(h)
    # layer 2
    out = _sage_conv(h, edge_index, W2_self, W2_neigh, b2)
    return out

if __name__ == "__main__":
    import jax
    _d = setup_inputs()
    print(jax.jit(kernel)(*tuple(_d.values())))

</pallas_src>

<mosaic_0001>
#map = affine_map<(d0, d1) -> (0)>
module attributes {stable_mosaic.version = 14 : i64} {
  func.func @body(%arg0: i32, %arg1: i32, %arg2: memref<320000xi32, #tpu.memory_space<hbm>>, %arg3: memref<10240xf32, #tpu.memory_space<hbm>>, %arg4: memref<10240xf32, #tpu.memory_space<hbm>>, %arg5: memref<5000xi32, #tpu.memory_space<vmem>>, %arg6: memref<10240xf32, #tpu.memory_space<vmem>>, %arg7: memref<16x640xf32, #tpu.memory_space<vmem>>, %arg8: memref<640xf32, #tpu.memory_space<vmem>>, %arg9: memref<16x10240xf32, #tpu.memory_space<vmem_shared>>) attributes {dimension_semantics = [#tpu.dimension_semantics<core_parallel>, #tpu.dimension_semantics<subcore_parallel>], iteration_bounds = array<i64: 2, 16>, scalar_prefetch = 0 : i64, scratch_operands = 5 : i64, tpu.core_type = #tpu.core_type<sc_vector_subcore>, window_params = [{transform_indices = #map}, {transform_indices = #map}, {transform_indices = #map}]} {
    %mul3A = arith.constant 16 : i32
    %mul3A_0 = arith.muli %arg0, %mul3A : i32
    %add3A = arith.addi %mul3A_0, %arg1 : i32
    %mul3A_1 = arith.constant 640 : i32
    %mul3A_2 = arith.muli %arg1, %mul3A_1 : i32
    %mul3A_3 = arith.constant 5000 : i32
    %mul3A_4 = arith.muli %add3A, %mul3A_3 : i32
    %add3A_5 = arith.constant 160000 : i32
    %add3A_6 = arith.addi %add3A_5, %mul3A_4 : i32
    "tpu.region"() ({
      %run_scoped3A = tpu.sem_alloc : memref<!tpu.dma_semaphore, #tpu.memory_space<semaphore_mem>>
      %dma_start3A = tpu.memref_slice %arg2[%add3A_6] : memref<320000xi32, #tpu.memory_space<hbm>> -> memref<5000xi32, #tpu.memory_space<hbm>>
      %dma_start3A_35 = tpu.memref_slice %arg2[%add3A_6] : memref<320000xi32, #tpu.memory_space<hbm>> -> memref<5000xi32, #tpu.memory_space<hbm>>
      tpu.enqueue_dma source(%dma_start3A_35 : memref<5000xi32, #tpu.memory_space<hbm>>) target(%arg5 : memref<5000xi32, #tpu.memory_space<vmem>>) target_semaphore(%run_scoped3A : memref<!tpu.dma_semaphore, #tpu.memory_space<semaphore_mem>>)
      %dma_wait3A = tpu.memref_slice %arg2[%add3A_6] : memref<320000xi32, #tpu.memory_space<hbm>> -> memref<5000xi32, #tpu.memory_space<hbm>>
      %dma_wait3A_36 = tpu.memref_slice %arg2[%add3A_6] : memref<320000xi32, #tpu.memory_space<hbm>> -> memref<5000xi32, #tpu.memory_space<hbm>>
      tpu.wait_dma2 semaphore(%run_scoped3A : memref<!tpu.dma_semaphore, #tpu.memory_space<semaphore_mem>>) src(%dma_wait3A_36 : memref<5000xi32, #tpu.memory_space<hbm>>) dst(%arg5 : memref<5000xi32, #tpu.memory_space<vmem>>)
      tpu.yield
    }) : () -> ()
    %scan3A = arith.constant 0 : i32
    %scan3A_7 = arith.constant 0 : i32
    %scan3A_8 = arith.constant 640 : i32
    %scan3A_9 = arith.addi %scan3A_7, %scan3A_8 : i32
    %scan3A_10 = arith.constant 1 : i32
    scf.for %scan3A_35 = %scan3A_7 to %scan3A_9 step %scan3A_10  : i32 {
      %broadcast_in_dim3A_36 = arith.constant 0.000000e+00 : f32
      %broadcast_in_dim3A_37 = vector.broadcast %broadcast_in_dim3A_36 : f32 to vector<16xf32>
      %mul3A_38 = arith.constant 16 : i32
      %mul3A_39 = arith.muli %scan3A_35, %mul3A_38 : i32
      %swap3A = arith.index_cast %mul3A_39 : i32 to index
      %swap3A_40 = tpu.vector_load %arg6[%swap3A] {strides = array<i32>} : memref<10240xf32, #tpu.memory_space<vmem>>, vector<16xf32>,
      tpu.vector_store %arg6[%swap3A], %broadcast_in_dim3A_37 {strides = array<i32>} : memref<10240xf32, #tpu.memory_space<vmem>>, vector<16xf32>,
    }
    %scan3A_11 = arith.constant 640 : i32
    %broadcast_in_dim3A = arith.constant 1.000000e+00 : f32
    %broadcast_in_dim3A_12 = vector.broadcast %broadcast_in_dim3A : f32 to vector<16xf32>
    %scan3A_13 = arith.constant 0 : i32
    %scan3A_14 = arith.constant 0 : i32
    %scan3A_15 = arith.constant 312 : i32
    %scan3A_16 = arith.addi %scan3A_14, %scan3A_15 : i32
    %scan3A_17 = arith.constant 1 : i32
    scf.for %scan3A_35 = %scan3A_14 to %scan3A_16 step %scan3A_17  : i32 {
      %mul3A_36 = arith.constant 16 : i32
      %mul3A_37 = arith.muli %scan3A_35, %mul3A_36 : i32
      %get3A_38 = arith.index_cast %mul3A_37 : i32 to index
      %get3A_39 = tpu.vector_load %arg5[%get3A_38] {strides = array<i32>} : memref<5000xi32, #tpu.memory_space<vmem>>, vector<16xi32>,
      tpu.vector_store_idx %arg6[%get3A_39], %broadcast_in_dim3A_12 {add = true} : memref<10240xf32, #tpu.memory_space<vmem>>[vector<16xi32>], vector<16xf32>,
    }
    %scan3A_18 = arith.constant 312 : i32
    %get3A = arith.constant 4984 : index
    %get3A_19 = tpu.vector_load %arg5[%get3A] {strides = array<i32>} : memref<5000xi32, #tpu.memory_space<vmem>>, vector<16xi32>,
    %iota3A = tpu.iota {dimensions = array<i32: 0>} : vector<16xi32>
    %ge3A = arith.constant 8 : i32
    %ge3A_20 = vector.broadcast %ge3A : i32 to vector<16xi32>
    %ge3A_21 = arith.cmpi sge, %iota3A, %ge3A_20 : vector<16xi32>
    tpu.vector_store_idx %arg6[%get3A_19], %broadcast_in_dim3A_12 masked %ge3A_21 {add = true} : memref<10240xf32, #tpu.memory_space<vmem>>[vector<16xi32>], vector<16xf32>, vector<16xi1>
    "tpu.region"() ({
      %run_scoped3A = tpu.sem_alloc : memref<!tpu.dma_semaphore, #tpu.memory_space<semaphore_mem>>
      %dma_start3A = arith.constant 0 : i32
      %dma_start3A_35 = tpu.memref_slice %arg9[%arg1, %dma_start3A] : memref<16x10240xf32, #tpu.memory_space<vmem_shared>> -> memref<1x10240xf32, #tpu.memory_space<vmem_shared>>
      %dma_start3A_36 = tpu.memref_squeeze %dma_start3A_35 : memref<1x10240xf32, #tpu.memory_space<vmem_shared>> -> memref<10240xf32, #tpu.memory_space<vmem_shared>>
      %dma_start3A_37 = arith.constant 0 : i32
      %dma_start3A_38 = tpu.memref_slice %arg9[%arg1, %dma_start3A_37] : memref<16x10240xf32, #tpu.memory_space<vmem_shared>> -> memref<1x10240xf32, #tpu.memory_space<vmem_shared>>
      %dma_start3A_39 = tpu.memref_squeeze %dma_start3A_38 : memref<1x10240xf32, #tpu.memory_space<vmem_shared>> -> memref<10240xf32, #tpu.memory_space<vmem_shared>>
      tpu.enqueue_dma source(%arg6 : memref<10240xf32, #tpu.memory_space<vmem>>) target(%dma_start3A_39 : memref<10240xf32, #tpu.memory_space<vmem_shared>>) target_semaphore(%run_scoped3A : memref<!tpu.dma_semaphore, #tpu.memory_space<semaphore_mem>>)
      %dma_wait3A = arith.constant 0 : i32
      %dma_wait3A_40 = tpu.memref_slice %arg9[%arg1, %dma_wait3A] : memref<16x10240xf32, #tpu.memory_space<vmem_shared>> -> memref<1x10240xf32, #tpu.memory_space<vmem_shared>>
      %dma_wait3A_41 = tpu.memref_squeeze %dma_wait3A_40 : memref<1x10240xf32, #tpu.memory_space<vmem_shared>> -> memref<10240xf32, #tpu.memory_space<vmem_shared>>
      %dma_wait3A_42 = arith.constant 0 : i32
      %dma_wait3A_43 = tpu.memref_slice %arg9[%arg1, %dma_wait3A_42] : memref<16x10240xf32, #tpu.memory_space<vmem_shared>> -> memref<1x10240xf32, #tpu.memory_space<vmem_shared>>
      %dma_wait3A_44 = tpu.memref_squeeze %dma_wait3A_43 : memref<1x10240xf32, #tpu.memory_space<vmem_shared>> -> memref<10240xf32, #tpu.memory_space<vmem_shared>>
      tpu.wait_dma2 semaphore(%run_scoped3A : memref<!tpu.dma_semaphore, #tpu.memory_space<semaphore_mem>>) src(%arg6 : memref<10240xf32, #tpu.memory_space<vmem>>) dst(%dma_wait3A_44 : memref<10240xf32, #tpu.memory_space<vmem_shared>>)
      tpu.yield
    }) : () -> ()
    %barrier3A = arith.constant 0 : index
    tpu.barrier barrier_id(%barrier3A)
    "tpu.region"() ({
      %run_scoped3A = tpu.sem_alloc : memref<!tpu.dma_semaphore, #tpu.memory_space<semaphore_mem>>
      %dma_start3A = arith.constant 0 : i32
      %dma_start3A_35 = tpu.memref_slice %arg9[%dma_start3A, %mul3A_2] : memref<16x10240xf32, #tpu.memory_space<vmem_shared>> -> memref<16x640xf32, #tpu.memory_space<vmem_shared>>
      %dma_start3A_36 = arith.constant 0 : i32
      %dma_start3A_37 = tpu.memref_slice %arg9[%dma_start3A_36, %mul3A_2] : memref<16x10240xf32, #tpu.memory_space<vmem_shared>> -> memref<16x640xf32, #tpu.memory_space<vmem_shared>>
      tpu.enqueue_dma source(%dma_start3A_37 : memref<16x640xf32, #tpu.memory_space<vmem_shared>>) target(%arg7 : memref<16x640xf32, #tpu.memory_space<vmem>>) target_semaphore(%run_scoped3A : memref<!tpu.dma_semaphore, #tpu.memory_space<semaphore_mem>>)
      %dma_wait3A = arith.constant 0 : i32
      %dma_wait3A_38 = tpu.memref_slice %arg9[%dma_wait3A, %mul3A_2] : memref<16x10240xf32, #tpu.memory_space<vmem_shared>> -> memref<16x640xf32, #tpu.memory_space<vmem_shared>>
      %dma_wait3A_39 = arith.constant 0 : i32
      %dma_wait3A_40 = tpu.memref_slice %arg9[%dma_wait3A_39, %mul3A_2] : memref<16x10240xf32, #tpu.memory_space<vmem_shared>> -> memref<16x640xf32, #tpu.memory_space<vmem_shared>>
      tpu.wait_dma2 semaphore(%run_scoped3A : memref<!tpu.dma_semaphore, #tpu.memory_space<semaphore_mem>>) src(%dma_wait3A_40 : memref<16x640xf32, #tpu.memory_space<vmem_shared>>) dst(%arg7 : memref<16x640xf32, #tpu.memory_space<vmem>>)
      tpu.yield
    }) : () -> ()
    %scan3A_22 = arith.constant 0 : i32
    %scan3A_23 = arith.constant 0 : i32
    %scan3A_24 = arith.constant 40 : i32
    %scan3A_25 = arith.addi %scan3A_23, %scan3A_24 : i32
    %scan3A_26 = arith.constant 1 : i32
    scf.for %scan3A_35 = %scan3A_23 to %scan3A_25 step %scan3A_26  : i32 {
      %broadcast_in_dim3A_36 = arith.constant 0.000000e+00 : f32
      %broadcast_in_dim3A_37 = vector.broadcast %broadcast_in_dim3A_36 : f32 to vector<16xf32>
      %mul3A_38 = arith.constant 16 : i32
      %mul3A_39 = arith.muli %scan3A_35, %mul3A_38 : i32
      %get3A_40 = arith.constant 0 : i32
      %get3A_41 = arith.index_cast %get3A_40 : i32 to index
      %get3A_42 = arith.index_cast %mul3A_39 : i32 to index
      %get3A_43 = tpu.vector_load %arg7[%get3A_41, %get3A_42] {strides = array<i32>} : memref<16x640xf32, #tpu.memory_space<vmem>>, vector<16xf32>,
      %add3A_44 = arith.addf %broadcast_in_dim3A_37, %get3A_43 : vector<16xf32>
      %mul3A_45 = arith.constant 16 : i32
      %mul3A_46 = arith.muli %scan3A_35, %mul3A_45 : i32
      %get3A_47 = arith.constant 1 : i32
      %get3A_48 = arith.index_cast %get3A_47 : i32 to index
      %get3A_49 = arith.index_cast %mul3A_46 : i32 to index
      %get3A_50 = tpu.vector_load %arg7[%get3A_48, %get3A_49] {strides = array<i32>} : memref<16x640xf32, #tpu.memory_space<vmem>>, vector<16xf32>,
      %add3A_51 = arith.addf %add3A_44, %get3A_50 : vector<16xf32>
      %mul3A_52 = arith.constant 16 : i32
      %mul3A_53 = arith.muli %scan3A_35, %mul3A_52 : i32
      %get3A_54 = arith.constant 2 : i32
      %get3A_55 = arith.index_cast %get3A_54 : i32 to index
      %get3A_56 = arith.index_cast %mul3A_53 : i32 to index
      %get3A_57 = tpu.vector_load %arg7[%get3A_55, %get3A_56] {strides = array<i32>} : memref<16x640xf32, #tpu.memory_space<vmem>>, vector<16xf32>,
      %add3A_58 = arith.addf %add3A_51, %get3A_57 : vector<16xf32>
      %mul3A_59 = arith.constant 16 : i32
      %mul3A_60 = arith.muli %scan3A_35, %mul3A_59 : i32
      %get3A_61 = arith.constant 3 : i32
      %get3A_62 = arith.index_cast %get3A_61 : i32 to index
      %get3A_63 = arith.index_cast %mul3A_60 : i32 to index
      %get3A_64 = tpu.vector_load %arg7[%get3A_62, %get3A_63] {strides = array<i32>} : memref<16x640xf32, #tpu.memory_space<vmem>>, vector<16xf32>,
      %add3A_65 = arith.addf %add3A_58, %get3A_64 : vector<16xf32>
      %mul3A_66 = arith.constant 16 : i32
      %mul3A_67 = arith.muli %scan3A_35, %mul3A_66 : i32
      %get3A_68 = arith.constant 4 : i32
      %get3A_69 = arith.index_cast %get3A_68 : i32 to index
      %get3A_70 = arith.index_cast %mul3A_67 : i32 to index
      %get3A_71 = tpu.vector_load %arg7[%get3A_69, %get3A_70] {strides = array<i32>} : memref<16x640xf32, #tpu.memory_space<vmem>>, vector<16xf32>,
      %add3A_72 = arith.addf %add3A_65, %get3A_71 : vector<16xf32>
      %mul3A_73 = arith.constant 16 : i32
      %mul3A_74 = arith.muli %scan3A_35, %mul3A_73 : i32
      %get3A_75 = arith.constant 5 : i32
      %get3A_76 = arith.index_cast %get3A_75 : i32 to index
      %get3A_77 = arith.index_cast %mul3A_74 : i32 to index
      %get3A_78 = tpu.vector_load %arg7[%get3A_76, %get3A_77] {strides = array<i32>} : memref<16x640xf32, #tpu.memory_space<vmem>>, vector<16xf32>,
      %add3A_79 = arith.addf %add3A_72, %get3A_78 : vector<16xf32>
      %mul3A_80 = arith.constant 16 : i32
      %mul3A_81 = arith.muli %scan3A_35, %mul3A_80 : i32
      %get3A_82 = arith.constant 6 : i32
      %get3A_83 = arith.index_cast %get3A_82 : i32 to index
      %get3A_84 = arith.index_cast %mul3A_81 : i32 to index
      %get3A_85 = tpu.vector_load %arg7[%get3A_83, %get3A_84] {strides = array<i32>} : memref<16x640xf32, #tpu.memory_space<vmem>>, vector<16xf32>,
      %add3A_86 = arith.addf %add3A_79, %get3A_85 : vector<16xf32>
      %mul3A_87 = arith.constant 16 : i32
      %mul3A_88 = arith.muli %scan3A_35, %mul3A_87 : i32
      %get3A_89 = arith.constant 7 : i32
      %get3A_90 = arith.index_cast %get3A_89 : i32 to index
      %get3A_91 = arith.index_cast %mul3A_88 : i32 to index
      %get3A_92 = tpu.vector_load %arg7[%get3A_90, %get3A_91] {strides = array<i32>} : memref<16x640xf32, #tpu.memory_space<vmem>>, vector<16xf32>,
      %add3A_93 = arith.addf %add3A_86, %get3A_92 : vector<16xf32>
      %mul3A_94 = arith.constant 16 : i32
      %mul3A_95 = arith.muli %scan3A_35, %mul3A_94 : i32
      %get3A_96 = arith.constant 8 : i32
      %get3A_97 = arith.index_cast %get3A_96 : i32 to index
      %get3A_98 = arith.index_cast %mul3A_95 : i32 to index
      %get3A_99 = tpu.vector_load %arg7[%get3A_97, %get3A_98] {strides = array<i32>} : memref<16x640xf32, #tpu.memory_space<vmem>>, vector<16xf32>,
      %add3A_100 = arith.addf %add3A_93, %get3A_99 : vector<16xf32>
      %mul3A_101 = arith.constant 16 : i32
      %mul3A_102 = arith.muli %scan3A_35, %mul3A_101 : i32
      %get3A_103 = arith.constant 9 : i32
      %get3A_104 = arith.index_cast %get3A_103 : i32 to index
      %get3A_105 = arith.index_cast %mul3A_102 : i32 to index
      %get3A_106 = tpu.vector_load %arg7[%get3A_104, %get3A_105] {strides = array<i32>} : memref<16x640xf32, #tpu.memory_space<vmem>>, vector<16xf32>,
      %add3A_107 = arith.addf %add3A_100, %get3A_106 : vector<16xf32>
      %mul3A_108 = arith.constant 16 : i32
      %mul3A_109 = arith.muli %scan3A_35, %mul3A_108 : i32
      %get3A_110 = arith.constant 10 : i32
      %get3A_111 = arith.index_cast %get3A_110 : i32 to index
      %get3A_112 = arith.index_cast %mul3A_109 : i32 to index
      %get3A_113 = tpu.vector_load %arg7[%get3A_111, %get3A_112] {strides = array<i32>} : memref<16x640xf32, #tpu.memory_space<vmem>>, vector<16xf32>,
      %add3A_114 = arith.addf %add3A_107, %get3A_113 : vector<16xf32>
      %mul3A_115 = arith.constant 16 : i32
      %mul3A_116 = arith.muli %scan3A_35, %mul3A_115 : i32
      %get3A_117 = arith.constant 11 : i32
      %get3A_118 = arith.index_cast %get3A_117 : i32 to index
      %get3A_119 = arith.index_cast %mul3A_116 : i32 to index
      %get3A_120 = tpu.vector_load %arg7[%get3A_118, %get3A_119] {strides = array<i32>} : memref<16x640xf32, #tpu.memory_space<vmem>>, vector<16xf32>,
      %add3A_121 = arith.addf %add3A_114, %get3A_120 : vector<16xf32>
      %mul3A_122 = arith.constant 16 : i32
      %mul3A_123 = arith.muli %scan3A_35, %mul3A_122 : i32
      %get3A_124 = arith.constant 12 : i32
      %get3A_125 = arith.index_cast %get3A_124 : i32 to index
      %get3A_126 = arith.index_cast %mul3A_123 : i32 to index
      %get3A_127 = tpu.vector_load %arg7[%get3A_125, %get3A_126] {strides = array<i32>} : memref<16x640xf32, #tpu.memory_space<vmem>>, vector<16xf32>,
      %add3A_128 = arith.addf %add3A_121, %get3A_127 : vector<16xf32>
      %mul3A_129 = arith.constant 16 : i32
      %mul3A_130 = arith.muli %scan3A_35, %mul3A_129 : i32
      %get3A_131 = arith.constant 13 : i32
      %get3A_132 = arith.index_cast %get3A_131 : i32 to index
      %get3A_133 = arith.index_cast %mul3A_130 : i32 to index
      %get3A_134 = tpu.vector_load %arg7[%get3A_132, %get3A_133] {strides = array<i32>} : memref<16x640xf32, #tpu.memory_space<vmem>>, vector<16xf32>,
      %add3A_135 = arith.addf %add3A_128, %get3A_134 : vector<16xf32>
      %mul3A_136 = arith.constant 16 : i32
      %mul3A_137 = arith.muli %scan3A_35, %mul3A_136 : i32
      %get3A_138 = arith.constant 14 : i32
      %get3A_139 = arith.index_cast %get3A_138 : i32 to index
      %get3A_140 = arith.index_cast %mul3A_137 : i32 to index
      %get3A_141 = tpu.vector_load %arg7[%get3A_139, %get3A_140] {strides = array<i32>} : memref<16x640xf32, #tpu.memory_space<vmem>>, vector<16xf32>,
      %add3A_142 = arith.addf %add3A_135, %get3A_141 : vector<16xf32>
      %mul3A_143 = arith.constant 16 : i32
      %mul3A_144 = arith.muli %scan3A_35, %mul3A_143 : i32
      %get3A_145 = arith.constant 15 : i32
      %get3A_146 = arith.index_cast %get3A_145 : i32 to index
      %get3A_147 = arith.index_cast %mul3A_144 : i32 to index
      %get3A_148 = tpu.vector_load %arg7[%get3A_146, %get3A_147] {strides = array<i32>} : memref<16x640xf32, #tpu.memory_space<vmem>>, vector<16xf32>,
      %add3A_149 = arith.addf %add3A_142, %get3A_148 : vector<16xf32>
      %mul3A_150 = arith.constant 16 : i32
      %mul3A_151 = arith.muli %scan3A_35, %mul3A_150 : i32
      %swap3A = arith.index_cast %mul3A_151 : i32 to index
      %swap3A_152 = tpu.vector_load %arg8[%swap3A] {strides = array<i32>} : memref<640xf32, #tpu.memory_space<vmem>>, vector<16xf32>,
      tpu.vector_store %arg8[%swap3A], %add3A_149 {strides = array<i32>} : memref<640xf32, #tpu.memory_space<vmem>>, vector<16xf32>,
    }
    %scan3A_27 = arith.constant 40 : i32
    %eq3A = arith.constant 0 : i32
    %eq3A_28 = arith.cmpi eq, %arg0, %eq3A : i32
    %convert_element_type3A = arith.extui %eq3A_28 : i1 to i32
    %cond3A = arith.constant 0 : i32
    %cond3A_29 = arith.cmpi ne, %convert_element_type3A, %cond3A : i32
    scf.if %cond3A_29 {
      "tpu.region"() ({
        %run_scoped3A = tpu.sem_alloc : memref<!tpu.dma_semaphore, #tpu.memory_space<semaphore_mem>>
        %dma_start3A = tpu.memref_slice %arg3[%mul3A_2] : memref<10240xf32, #tpu.memory_space<hbm>> -> memref<640xf32, #tpu.memory_space<hbm>>
        %dma_start3A_35 = tpu.memref_slice %arg3[%mul3A_2] : memref<10240xf32, #tpu.memory_space<hbm>> -> memref<640xf32, #tpu.memory_space<hbm>>
        tpu.enqueue_dma source(%arg8 : memref<640xf32, #tpu.memory_space<vmem>>) target(%dma_start3A_35 : memref<640xf32, #tpu.memory_space<hbm>>) target_semaphore(%run_scoped3A : memref<!tpu.dma_semaphore, #tpu.memory_space<semaphore_mem>>)
        %dma_wait3A = tpu.memref_slice %arg3[%mul3A_2] : memref<10240xf32, #tpu.memory_space<hbm>> -> memref<640xf32, #tpu.memory_space<hbm>>
        %dma_wait3A_36 = tpu.memref_slice %arg3[%mul3A_2] : memref<10240xf32, #tpu.memory_space<hbm>> -> memref<640xf32, #tpu.memory_space<hbm>>
        tpu.wait_dma2 semaphore(%run_scoped3A : memref<!tpu.dma_semaphore, #tpu.memory_space<semaphore_mem>>) src(%arg8 : memref<640xf32, #tpu.memory_space<vmem>>) dst(%dma_wait3A_36 : memref<640xf32, #tpu.memory_space<hbm>>)
        tpu.yield
      }) : () -> ()
    } else {
    }
    %eq3A_30 = arith.constant 1 : i32
    %eq3A_31 = arith.cmpi eq, %arg0, %eq3A_30 : i32
    %convert_element_type3A_32 = arith.extui %eq3A_31 : i1 to i32
    %cond3A_33 = arith.constant 0 : i32
    %cond3A_34 = arith.cmpi ne, %convert_element_type3A_32, %cond3A_33 : i32
    scf.if %cond3A_34 {
      "tpu.region"() ({
        %run_scoped3A = tpu.sem_alloc : memref<!tpu.dma_semaphore, #tpu.memory_space<semaphore_mem>>
        %dma_start3A = tpu.memref_slice %arg4[%mul3A_2] : memref<10240xf32, #tpu.memory_space<hbm>> -> memref<640xf32, #tpu.memory_space<hbm>>
        %dma_start3A_35 = tpu.memref_slice %arg4[%mul3A_2] : memref<10240xf32, #tpu.memory_space<hbm>> -> memref<640xf32, #tpu.memory_space<hbm>>
        tpu.enqueue_dma source(%arg8 : memref<640xf32, #tpu.memory_space<vmem>>) target(%dma_start3A_35 : memref<640xf32, #tpu.memory_space<hbm>>) target_semaphore(%run_scoped3A : memref<!tpu.dma_semaphore, #tpu.memory_space<semaphore_mem>>)
        %dma_wait3A = tpu.memref_slice %arg4[%mul3A_2] : memref<10240xf32, #tpu.memory_space<hbm>> -> memref<640xf32, #tpu.memory_space<hbm>>
        %dma_wait3A_36 = tpu.memref_slice %arg4[%mul3A_2] : memref<10240xf32, #tpu.memory_space<hbm>> -> memref<640xf32, #tpu.memory_space<hbm>>
        tpu.wait_dma2 semaphore(%run_scoped3A : memref<!tpu.dma_semaphore, #tpu.memory_space<semaphore_mem>>) src(%arg8 : memref<640xf32, #tpu.memory_space<vmem>>) dst(%dma_wait3A_36 : memref<640xf32, #tpu.memory_space<hbm>>)
        tpu.yield
      }) : () -> ()
    } else {
    }
    return
  }
}

#map = affine_map<(d0, d1) -> (0, 0)>
#map1 = affine_map<(d0, d1) -> (0)>
module attributes {stable_mosaic.version = 14 : i64} {
  func.func @body(%arg0: i32, %arg1: i32, %arg2: memref<10240x128xf32, #tpu.memory_space<hbm>>, %arg3: memref<10240x128xf32, #tpu.memory_space<hbm>>, %arg4: memref<320000xi32, #tpu.memory_space<hbm>>, %arg5: memref<10240x128xf32, #tpu.memory_space<hbm>>, %arg6: memref<10240x128xf32, #tpu.memory_space<hbm>>, %arg7: memref<6x80xi32, #tpu.memory_space<vmem>>, %arg8: memref<6x80xi32, #tpu.memory_space<vmem>>, %arg9: memref<4x80x128xf32, #tpu.memory_space<vmem>>, %arg10: memref<10240x128xf32, #tpu.memory_space<vmem_shared>>, %arg11: memref<!tpu.dma_semaphore, #tpu.memory_space<semaphore_mem>>, %arg12: memref<!tpu.dma_semaphore, #tpu.memory_space<semaphore_mem>>, %arg13: memref<!tpu.dma_semaphore, #tpu.memory_space<semaphore_mem>>, %arg14: memref<!tpu.dma_semaphore, #tpu.memory_space<semaphore_mem>>) attributes {dimension_semantics = [#tpu.dimension_semantics<core_parallel>, #tpu.dimension_semantics<subcore_parallel>], iteration_bounds = array<i64: 2, 16>, scalar_prefetch = 0 : i64, scratch_operands = 8 : i64, tpu.core_type = #tpu.core_type<sc_vector_subcore>, window_params = [{transform_indices = #map}, {transform_indices = #map}, {transform_indices = #map1}, {transform_indices = #map}, {transform_indices = #map}]} {
    %mul3A = arith.constant 640 : i32
    %mul3A_0 = arith.muli %arg1, %mul3A : i32
    %mul3A_1 = arith.constant 10000 : i32
    %mul3A_2 = arith.muli %arg1, %mul3A_1 : i32
    %scan3A = arith.constant 0 : i32
    %scan3A_3 = arith.constant 0 : i32
    %scan3A_4 = arith.constant 80 : i32
    %scan3A_5 = arith.addi %scan3A_3, %scan3A_4 : i32
    %scan3A_6 = arith.constant 1 : i32
    scf.for %scan3A_205 = %scan3A_3 to %scan3A_5 step %scan3A_6  : i32 {
      %broadcast_in_dim3A = arith.constant 0.000000e+00 : f32
      %broadcast_in_dim3A_206 = vector.broadcast %broadcast_in_dim3A : f32 to vector<16xf32>
      %swap3A = arith.constant 0 : i32
      %swap3A_207 = arith.index_cast %swap3A : i32 to index
      %swap3A_208 = arith.index_cast %scan3A_205 : i32 to index
      %swap3A_209 = arith.constant 0 : index
      %swap3A_210 = tpu.vector_load %arg9[%swap3A_207, %swap3A_208, %swap3A_209] {strides = array<i32>} : memref<4x80x128xf32, #tpu.memory_space<vmem>>, vector<16xf32>,
      tpu.vector_store %arg9[%swap3A_207, %swap3A_208, %swap3A_209], %broadcast_in_dim3A_206 {strides = array<i32>} : memref<4x80x128xf32, #tpu.memory_space<vmem>>, vector<16xf32>,
      %broadcast_in_dim3A_211 = arith.constant 0.000000e+00 : f32
      %broadcast_in_dim3A_212 = vector.broadcast %broadcast_in_dim3A_211 : f32 to vector<16xf32>
      %swap3A_213 = arith.constant 0 : i32
      %swap3A_214 = arith.index_cast %swap3A_213 : i32 to index
      %swap3A_215 = arith.index_cast %scan3A_205 : i32 to index
      %swap3A_216 = arith.constant 16 : index
      %swap3A_217 = tpu.vector_load %arg9[%swap3A_214, %swap3A_215, %swap3A_216] {strides = array<i32>} : memref<4x80x128xf32, #tpu.memory_space<vmem>>, vector<16xf32>,
      tpu.vector_store %arg9[%swap3A_214, %swap3A_215, %swap3A_216], %broadcast_in_dim3A_212 {strides = array<i32>} : memref<4x80x128xf32, #tpu.memory_space<vmem>>, vector<16xf32>,
      %broadcast_in_dim3A_218 = arith.constant 0.000000e+00 : f32
      %broadcast_in_dim3A_219 = vector.broadcast %broadcast_in_dim3A_218 : f32 to vector<16xf32>
      %swap3A_220 = arith.constant 0 : i32
      %swap3A_221 = arith.index_cast %swap3A_220 : i32 to index
      %swap3A_222 = arith.index_cast %scan3A_205 : i32 to index
      %swap3A_223 = arith.constant 32 : index
      %swap3A_224 = tpu.vector_load %arg9[%swap3A_221, %swap3A_222, %swap3A_223] {strides = array<i32>} : memref<4x80x128xf32, #tpu.memory_space<vmem>>, vector<16xf32>,
      tpu.vector_store %arg9[%swap3A_221, %swap3A_222, %swap3A_223], %broadcast_in_dim3A_219 {strides = array<i32>} : memref<4x80x128xf32, #tpu.memory_space<vmem>>, vector<16xf32>,
      %broadcast_in_dim3A_225 = arith.constant 0.000000e+00 : f32
      %broadcast_in_dim3A_226 = vector.broadcast %broadcast_in_dim3A_225 : f32 to vector<16xf32>
      %swap3A_227 = arith.constant 0 : i32
      %swap3A_228 = arith.index_cast %swap3A_227 : i32 to index
      %swap3A_229 = arith.index_cast %scan3A_205 : i32 to index
      %swap3A_230 = arith.constant 48 : index
      %swap3A_231 = tpu.vector_load %arg9[%swap3A_228, %swap3A_229, %swap3A_230] {strides = array<i32>} : memref<4x80x128xf32, #tpu.memory_space<vmem>>, vector<16xf32>,
      tpu.vector_store %arg9[%swap3A_228, %swap3A_229, %swap3A_230], %broadcast_in_dim3A_226 {strides = array<i32>} : memref<4x80x128xf32, #tpu.memory_space<vmem>>, vector<16xf32>,
      %broadcast_in_dim3A_232 = arith.constant 0.000000e+00 : f32
      %broadcast_in_dim3A_233 = vector.broadcast %broadcast_in_dim3A_232 : f32 to vector<16xf32>
      %swap3A_234 = arith.constant 0 : i32
      %swap3A_235 = arith.index_cast %swap3A_234 : i32 to index
      %swap3A_236 = arith.index_cast %scan3A_205 : i32 to index
      %swap3A_237 = arith.constant 64 : index
      %swap3A_238 = tpu.vector_load %arg9[%swap3A_235, %swap3A_236, %swap3A_237] {strides = array<i32>} : memref<4x80x128xf32, #tpu.memory_space<vmem>>, vector<16xf32>,
      tpu.vector_store %arg9[%swap3A_235, %swap3A_236, %swap3A_237], %broadcast_in_dim3A_233 {strides = array<i32>} : memref<4x80x128xf32, #tpu.memory_space<vmem>>, vector<16xf32>,
      %broadcast_in_dim3A_239 = arith.constant 0.000000e+00 : f32
      %broadcast_in_dim3A_240 = vector.broadcast %broadcast_in_dim3A_239 : f32 to vector<16xf32>
      %swap3A_241 = arith.constant 0 : i32
      %swap3A_242 = arith.index_cast %swap3A_241 : i32 to index
      %swap3A_243 = arith.index_cast %scan3A_205 : i32 to index
      %swap3A_244 = arith.constant 80 : index
      %swap3A_245 = tpu.vector_load %arg9[%swap3A_242, %swap3A_243, %swap3A_244] {strides = array<i32>} : memref<4x80x128xf32, #tpu.memory_space<vmem>>, vector<16xf32>,
      tpu.vector_store %arg9[%swap3A_242, %swap3A_243, %swap3A_244], %broadcast_in_dim3A_240 {strides = array<i32>} : memref<4x80x128xf32, #tpu.memory_space<vmem>>, vector<16xf32>,
      %broadcast_in_dim3A_246 = arith.constant 0.000000e+00 : f32
      %broadcast_in_dim3A_247 = vector.broadcast %broadcast_in_dim3A_246 : f32 to vector<16xf32>
      %swap3A_248 = arith.constant 0 : i32
      %swap3A_249 = arith.index_cast %swap3A_248 : i32 to index
      %swap3A_250 = arith.index_cast %scan3A_205 : i32 to index
      %swap3A_251 = arith.constant 96 : index
      %swap3A_252 = tpu.vector_load %arg9[%swap3A_249, %swap3A_250, %swap3A_251] {strides = array<i32>} : memref<4x80x128xf32, #tpu.memory_space<vmem>>, vector<16xf32>,
      tpu.vector_store %arg9[%swap3A_249, %swap3A_250, %swap3A_251], %broadcast_in_dim3A_247 {strides = array<i32>} : memref<4x80x128xf32, #tpu.memory_space<vmem>>, vector<16xf32>,
      %broadcast_in_dim3A_253 = arith.constant 0.000000e+00 : f32
      %broadcast_in_dim3A_254 = vector.broadcast %broadcast_in_dim3A_253 : f32 to vector<16xf32>
      %swap3A_255 = arith.constant 0 : i32
      %swap3A_256 = arith.index_cast %swap3A_255 : i32 to index
      %swap3A_257 = arith.index_cast %scan3A_205 : i32 to index
      %swap3A_258 = arith.constant 112 : index
      %swap3A_259 = tpu.vector_load %arg9[%swap3A_256, %swap3A_257, %swap3A_258] {strides = array<i32>} : memref<4x80x128xf32, #tpu.memory_space<vmem>>, vector<16xf32>,
      tpu.vector_store %arg9[%swap3A_256, %swap3A_257, %swap3A_258], %broadcast_in_dim3A_254 {strides = array<i32>} : memref<4x80x128xf32, #tpu.memory_space<vmem>>, vector<16xf32>,
    }
    %scan3A_7 = arith.constant 80 : i32
    %add3A = arith.constant 0 : i32
    %add3A_8 = arith.addi %mul3A_0, %add3A : i32
    %run_scoped3A = arith.constant 0 : i32
    "tpu.region"() ({
      %run_scoped3A_205 = tpu.sem_alloc : memref<!tpu.dma_semaphore, #tpu.memory_space<semaphore_mem>>
      %dma_start3A_206 = arith.constant 0 : i32
      %dma_start3A_207 = arith.constant 0 : i32
      %dma_start3A_208 = tpu.memref_slice %arg9[%run_scoped3A, %dma_start3A_206, %dma_start3A_207] : memref<4x80x128xf32, #tpu.memory_space<vmem>> -> memref<1x80x128xf32, #tpu.memory_space<vmem>>
      %dma_start3A_209 = tpu.memref_squeeze %dma_start3A_208 : memref<1x80x128xf32, #tpu.memory_space<vmem>> -> memref<80x128xf32, #tpu.memory_space<vmem>>
      %dma_start3A_210 = arith.constant 0 : i32
      %dma_start3A_211 = tpu.memref_slice %arg10[%add3A_8, %dma_start3A_210] : memref<10240x128xf32, #tpu.memory_space<vmem_shared>> -> memref<80x128xf32, #tpu.memory_space<vmem_shared>>
      %dma_start3A_212 = arith.constant 0 : i32
      %dma_start3A_213 = tpu.memref_slice %arg10[%add3A_8, %dma_start3A_212] : memref<10240x128xf32, #tpu.memory_space<vmem_shared>> -> memref<80x128xf32, #tpu.memory_space<vmem_shared>>
      %dma_start3A_214 = arith.constant 0 : i32
      %dma_start3A_215 = arith.constant 0 : i32
      %dma_start3A_216 = tpu.memref_slice %arg9[%run_scoped3A, %dma_start3A_214, %dma_start3A_215] : memref<4x80x128xf32, #tpu.memory_space<vmem>> -> memref<1x80x128xf32, #tpu.memory_space<vmem>>
      %dma_start3A_217 = tpu.memref_squeeze %dma_start3A_216 : memref<1x80x128xf32, #tpu.memory_space<vmem>> -> memref<80x128xf32, #tpu.memory_space<vmem>>
      tpu.enqueue_dma source(%dma_start3A_217 : memref<80x128xf32, #tpu.memory_space<vmem>>) target(%dma_start3A_213 : memref<80x128xf32, #tpu.memory_space<vmem_shared>>) target_semaphore(%run_scoped3A_205 : memref<!tpu.dma_semaphore, #tpu.memory_space<semaphore_mem>>)
      %dma_wait3A_218 = arith.constant 0 : i32
      %dma_wait3A_219 = arith.constant 0 : i32
      %dma_wait3A_220 = tpu.memref_slice %arg9[%run_scoped3A, %dma_wait3A_218, %dma_wait3A_219] : memref<4x80x128xf32, #tpu.memory_space<vmem>> -> memref<1x80x128xf32, #tpu.memory_space<vmem>>
      %dma_wait3A_221 = tpu.memref_squeeze %dma_wait3A_220 : memref<1x80x128xf32, #tpu.memory_space<vmem>> -> memref<80x128xf32, #tpu.memory_space<vmem>>
      %dma_wait3A_222 = arith.constant 0 : i32
      %dma_wait3A_223 = tpu.memref_slice %arg10[%add3A_8, %dma_wait3A_222] : memref<10240x128xf32, #tpu.memory_space<vmem_shared>> -> memref<80x128xf32, #tpu.memory_space<vmem_shared>>
      %dma_wait3A_224 = arith.constant 0 : i32
      %dma_wait3A_225 = tpu.memref_slice %arg10[%add3A_8, %dma_wait3A_224] : memref<10240x128xf32, #tpu.memory_space<vmem_shared>> -> memref<80x128xf32, #tpu.memory_space<vmem_shared>>
      %dma_wait3A_226 = arith.constant 0 : i32
      %dma_wait3A_227 = arith.constant 0 : i32
      %dma_wait3A_228 = tpu.memref_slice %arg9[%run_scoped3A, %dma_wait3A_226, %dma_wait3A_227] : memref<4x80x128xf32, #tpu.memory_space<vmem>> -> memref<1x80x128xf32, #tpu.memory_space<vmem>>
      %dma_wait3A_229 = tpu.memref_squeeze %dma_wait3A_228 : memref<1x80x128xf32, #tpu.memory_space<vmem>> -> memref<80x128xf32, #tpu.memory_space<vmem>>
      tpu.wait_dma2 semaphore(%run_scoped3A_205 : memref<!tpu.dma_semaphore, #tpu.memory_space<semaphore_mem>>) src(%dma_wait3A_229 : memref<80x128xf32, #tpu.memory_space<vmem>>) dst(%dma_wait3A_225 : memref<80x128xf32, #tpu.memory_space<vmem_shared>>)
      tpu.yield
    }) : () -> ()
    %add3A_9 = arith.constant 80 : i32
    %add3A_10 = arith.addi %mul3A_0, %add3A_9 : i32
    %run_scoped3A_11 = arith.constant 0 : i32
    "tpu.region"() ({
      %run_scoped3A_205 = tpu.sem_alloc : memref<!tpu.dma_semaphore, #tpu.memory_space<semaphore_mem>>
      %dma_start3A_206 = arith.constant 0 : i32
      %dma_start3A_207 = arith.constant 0 : i32
      %dma_start3A_208 = tpu.memref_slice %arg9[%run_scoped3A_11, %dma_start3A_206, %dma_start3A_207] : memref<4x80x128xf32, #tpu.memory_space<vmem>> -> memref<1x80x128xf32, #tpu.memory_space<vmem>>
      %dma_start3A_209 = tpu.memref_squeeze %dma_start3A_208 : memref<1x80x128xf32, #tpu.memory_space<vmem>> -> memref<80x128xf32, #tpu.memory_space<vmem>>
      %dma_start3A_210 = arith.constant 0 : i32
      %dma_start3A_211 = tpu.memref_slice %arg10[%add3A_10, %dma_start3A_210] : memref<10240x128xf32, #tpu.memory_space<vmem_shared>> -> memref<80x128xf32, #tpu.memory_space<vmem_shared>>
      %dma_start3A_212 = arith.constant 0 : i32
      %dma_start3A_213 = tpu.memref_slice %arg10[%add3A_10, %dma_start3A_212] : memref<10240x128xf32, #tpu.memory_space<vmem_shared>> -> memref<80x128xf32, #tpu.memory_space<vmem_shared>>
      %dma_start3A_214 = arith.constant 0 : i32
      %dma_start3A_215 = arith.constant 0 : i32
      %dma_start3A_216 = tpu.memref_slice %arg9[%run_scoped3A_11, %dma_start3A_214, %dma_start3A_215] : memref<4x80x128xf32, #tpu.memory_space<vmem>> -> memref<1x80x128xf32, #tpu.memory_space<vmem>>
      %dma_start3A_217 = tpu.memref_squeeze %dma_start3A_216 : memref<1x80x128xf32, #tpu.memory_space<vmem>> -> memref<80x128xf32, #tpu.memory_space<vmem>>
      tpu.enqueue_dma source(%dma_start3A_217 : memref<80x128xf32, #tpu.memory_space<vmem>>) target(%dma_start3A_213 : memref<80x128xf32, #tpu.memory_space<vmem_shared>>) target_semaphore(%run_scoped3A_205 : memref<!tpu.dma_semaphore, #tpu.memory_space<semaphore_mem>>)
      %dma_wait3A_218 = arith.constant 0 : i32
      %dma_wait3A_219 = arith.constant 0 : i32
      %dma_wait3A_220 = tpu.memref_slice %arg9[%run_scoped3A_11, %dma_wait3A_218, %dma_wait3A_219] : memref<4x80x128xf32, #tpu.memory_space<vmem>> -> memref<1x80x128xf32, #tpu.memory_space<vmem>>
      %dma_wait3A_221 = tpu.memref_squeeze %dma_wait3A_220 : memref<1x80x128xf32, #tpu.memory_space<vmem>> -> memref<80x128xf32, #tpu.memory_space<vmem>>
      %dma_wait3A_222 = arith.constant 0 : i32
      %dma_wait3A_223 = tpu.memref_slice %arg10[%add3A_10, %dma_wait3A_222] : memref<10240x128xf32, #tpu.memory_space<vmem_shared>> -> memref<80x128xf32, #tpu.memory_space<vmem_shared>>
      %dma_wait3A_224 = arith.constant 0 : i32
      %dma_wait3A_225 = tpu.memref_slice %arg10[%add3A_10, %dma_wait3A_224] : memref<10240x128xf32, #tpu.memory_space<vmem_shared>> -> memref<80x128xf32, #tpu.memory_space<vmem_shared>>
      %dma_wait3A_226 = arith.constant 0 : i32
      %dma_wait3A_227 = arith.constant 0 : i32
      %dma_wait3A_228 = tpu.memref_slice %arg9[%run_scoped3A_11, %dma_wait3A_226, %dma_wait3A_227] : memref<4x80x128xf32, #tpu.memory_space<vmem>> -> memref<1x80x128xf32, #tpu.memory_space<vmem>>
      %dma_wait3A_229 = tpu.memref_squeeze %dma_wait3A_228 : memref<1x80x128xf32, #tpu.memory_space<vmem>> -> memref<80x128xf32, #tpu.memory_space<vmem>>
      tpu.wait_dma2 semaphore(%run_scoped3A_205 : memref<!tpu.dma_semaphore, #tpu.memory_space<semaphore_mem>>) src(%dma_wait3A_229 : memref<80x128xf32, #tpu.memory_space<vmem>>) dst(%dma_wait3A_225 : memref<80x128xf32, #tpu.memory_space<vmem_shared>>)
      tpu.yield
    }) : () -> ()
    %add3A_12 = arith.constant 160 : i32
    %add3A_13 = arith.addi %mul3A_0, %add3A_12 : i32
    %run_scoped3A_14 = arith.constant 0 : i32
    "tpu.region"() ({
      %run_scoped3A_205 = tpu.sem_alloc : memref<!tpu.dma_semaphore, #tpu.memory_space<semaphore_mem>>
      %dma_start3A_206 = arith.constant 0 : i32
      %dma_start3A_207 = arith.constant 0 : i32
      %dma_start3A_208 = tpu.memref_slice %arg9[%run_scoped3A_14, %dma_start3A_206, %dma_start3A_207] : memref<4x80x128xf32, #tpu.memory_space<vmem>> -> memref<1x80x128xf32, #tpu.memory_space<vmem>>
      %dma_start3A_209 = tpu.memref_squeeze %dma_start3A_208 : memref<1x80x128xf32, #tpu.memory_space<vmem>> -> memref<80x128xf32, #tpu.memory_space<vmem>>
      %dma_start3A_210 = arith.constant 0 : i32
      %dma_start3A_211 = tpu.memref_slice %arg10[%add3A_13, %dma_start3A_210] : memref<10240x128xf32, #tpu.memory_space<vmem_shared>> -> memref<80x128xf32, #tpu.memory_space<vmem_shared>>
      %dma_start3A_212 = arith.constant 0 : i32
      %dma_start3A_213 = tpu.memref_slice %arg10[%add3A_13, %dma_start3A_212] : memref<10240x128xf32, #tpu.memory_space<vmem_shared>> -> memref<80x128xf32, #tpu.memory_space<vmem_shared>>
      %dma_start3A_214 = arith.constant 0 : i32
      %dma_start3A_215 = arith.constant 0 : i32
      %dma_start3A_216 = tpu.memref_slice %arg9[%run_scoped3A_14, %dma_start3A_214, %dma_start3A_215] : memref<4x80x128xf32, #tpu.memory_space<vmem>> -> memref<1x80x128xf32, #tpu.memory_space<vmem>>
      %dma_start3A_217 = tpu.memref_squeeze %dma_start3A_216 : memref<1x80x128xf32, #tpu.memory_space<vmem>> -> memref<80x128xf32, #tpu.memory_space<vmem>>
      tpu.enqueue_dma source(%dma_start3A_217 : memref<80x128xf32, #tpu.memory_space<vmem>>) target(%dma_start3A_213 : memref<80x128xf32, #tpu.memory_space<vmem_shared>>) target_semaphore(%run_scoped3A_205 : memref<!tpu.dma_semaphore, #tpu.memory_space<semaphore_mem>>)
      %dma_wait3A_218 = arith.constant 0 : i32
      %dma_wait3A_219 = arith.constant 0 : i32
      %dma_wait3A_220 = tpu.memref_slice %arg9[%run_scoped3A_14, %dma_wait3A_218, %dma_wait3A_219] : memref<4x80x128xf32, #tpu.memory_space<vmem>> -> memref<1x80x128xf32, #tpu.memory_space<vmem>>
      %dma_wait3A_221 = tpu.memref_squeeze %dma_wait3A_220 : memref<1x80x128xf32, #tpu.memory_space<vmem>> -> memref<80x128xf32, #tpu.memory_space<vmem>>
      %dma_wait3A_222 = arith.constant 0 : i32
      %dma_wait3A_223 = tpu.memref_slice %arg10[%add3A_13, %dma_wait3A_222] : memref<10240x128xf32, #tpu.memory_space<vmem_shared>> -> memref<80x128xf32, #tpu.memory_space<vmem_shared>>
      %dma_wait3A_224 = arith.constant 0 : i32
      %dma_wait3A_225 = tpu.memref_slice %arg10[%add3A_13, %dma_wait3A_224] : memref<10240x128xf32, #tpu.memory_space<vmem_shared>> -> memref<80x128xf32, #tpu.memory_space<vmem_shared>>
      %dma_wait3A_226 = arith.constant 0 : i32
      %dma_wait3A_227 = arith.constant 0 : i32
      %dma_wait3A_228 = tpu.memref_slice %arg9[%run_scoped3A_14, %dma_wait3A_226, %dma_wait3A_227] : memref<4x80x128xf32, #tpu.memory_space<vmem>> -> memref<1x80x128xf32, #tpu.memory_space<vmem>>
      %dma_wait3A_229 = tpu.memref_squeeze %dma_wait3A_228 : memref<1x80x128xf32, #tpu.memory_space<vmem>> -> memref<80x128xf32, #tpu.memory_space<vmem>>
      tpu.wait_dma2 semaphore(%run_scoped3A_205 : memref<!tpu.dma_semaphore, #tpu.memory_space<semaphore_mem>>) src(%dma_wait3A_229 : memref<80x128xf32, #tpu.memory_space<vmem>>) dst(%dma_wait3A_225 : memref<80x128xf32, #tpu.memory_space<vmem_shared>>)
      tpu.yield
    }) : () -> ()
    %add3A_15 = arith.constant 240 : i32
    %add3A_16 = arith.addi %mul3A_0, %add3A_15 : i32
    %run_scoped3A_17 = arith.constant 0 : i32
    "tpu.region"() ({
      %run_scoped3A_205 = tpu.sem_alloc : memref<!tpu.dma_semaphore, #tpu.memory_space<semaphore_mem>>
      %dma_start3A_206 = arith.constant 0 : i32
      %dma_start3A_207 = arith.constant 0 : i32
      %dma_start3A_208 = tpu.memref_slice %arg9[%run_scoped3A_17, %dma_start3A_206, %dma_start3A_207] : memref<4x80x128xf32, #tpu.memory_space<vmem>> -> memref<1x80x128xf32, #tpu.memory_space<vmem>>
      %dma_start3A_209 = tpu.memref_squeeze %dma_start3A_208 : memref<1x80x128xf32, #tpu.memory_space<vmem>> -> memref<80x128xf32, #tpu.memory_space<vmem>>
      %dma_start3A_210 = arith.constant 0 : i32
      %dma_start3A_211 = tpu.memref_slice %arg10[%add3A_16, %dma_start3A_210] : memref<10240x128xf32, #tpu.memory_space<vmem_shared>> -> memref<80x128xf32, #tpu.memory_space<vmem_shared>>
      %dma_start3A_212 = arith.constant 0 : i32
      %dma_start3A_213 = tpu.memref_slice %arg10[%add3A_16, %dma_start3A_212] : memref<10240x128xf32, #tpu.memory_space<vmem_shared>> -> memref<80x128xf32, #tpu.memory_space<vmem_shared>>
      %dma_start3A_214 = arith.constant 0 : i32
      %dma_start3A_215 = arith.constant 0 : i32
      %dma_start3A_216 = tpu.memref_slice %arg9[%run_scoped3A_17, %dma_start3A_214, %dma_start3A_215] : memref<4x80x128xf32, #tpu.memory_space<vmem>> -> memref<1x80x128xf32, #tpu.memory_space<vmem>>
      %dma_start3A_217 = tpu.memref_squeeze %dma_start3A_216 : memref<1x80x128xf32, #tpu.memory_space<vmem>> -> memref<80x128xf32, #tpu.memory_space<vmem>>
      tpu.enqueue_dma source(%dma_start3A_217 : memref<80x128xf32, #tpu.memory_space<vmem>>) target(%dma_start3A_213 : memref<80x128xf32, #tpu.memory_space<vmem_shared>>) target_semaphore(%run_scoped3A_205 : memref<!tpu.dma_semaphore, #tpu.memory_space<semaphore_mem>>)
      %dma_wait3A_218 = arith.constant 0 : i32
      %dma_wait3A_219 = arith.constant 0 : i32
      %dma_wait3A_220 = tpu.memref_slice %arg9[%run_scoped3A_17, %dma_wait3A_218, %dma_wait3A_219] : memref<4x80x128xf32, #tpu.memory_space<vmem>> -> memref<1x80x128xf32, #tpu.memory_space<vmem>>
      %dma_wait3A_221 = tpu.memref_squeeze %dma_wait3A_220 : memref<1x80x128xf32, #tpu.memory_space<vmem>> -> memref<80x128xf32, #tpu.memory_space<vmem>>
      %dma_wait3A_222 = arith.constant 0 : i32
      %dma_wait3A_223 = tpu.memref_slice %arg10[%add3A_16, %dma_wait3A_222] : memref<10240x128xf32, #tpu.memory_space<vmem_shared>> -> memref<80x128xf32, #tpu.memory_space<vmem_shared>>
      %dma_wait3A_224 = arith.constant 0 : i32
      %dma_wait3A_225 = tpu.memref_slice %arg10[%add3A_16, %dma_wait3A_224] : memref<10240x128xf32, #tpu.memory_space<vmem_shared>> -> memref<80x128xf32, #tpu.memory_space<vmem_shared>>
      %dma_wait3A_226 = arith.constant 0 : i32
      %dma_wait3A_227 = arith.constant 0 : i32
      %dma_wait3A_228 = tpu.memref_slice %arg9[%run_scoped3A_17, %dma_wait3A_226, %dma_wait3A_227] : memref<4x80x128xf32, #tpu.memory_space<vmem>> -> memref<1x80x128xf32, #tpu.memory_space<vmem>>
      %dma_wait3A_229 = tpu.memref_squeeze %dma_wait3A_228 : memref<1x80x128xf32, #tpu.memory_space<vmem>> -> memref<80x128xf32, #tpu.memory_space<vmem>>
      tpu.wait_dma2 semaphore(%run_scoped3A_205 : memref<!tpu.dma_semaphore, #tpu.memory_space<semaphore_mem>>) src(%dma_wait3A_229 : memref<80x128xf32, #tpu.memory_space<vmem>>) dst(%dma_wait3A_225 : memref<80x128xf32, #tpu.memory_space<vmem_shared>>)
      tpu.yield
    }) : () -> ()
    %add3A_18 = arith.constant 320 : i32
    %add3A_19 = arith.addi %mul3A_0, %add3A_18 : i32
    %run_scoped3A_20 = arith.constant 0 : i32
    "tpu.region"() ({
      %run_scoped3A_205 = tpu.sem_alloc : memref<!tpu.dma_semaphore, #tpu.memory_space<semaphore_mem>>
      %dma_start3A_206 = arith.constant 0 : i32
      %dma_start3A_207 = arith.constant 0 : i32
      %dma_start3A_208 = tpu.memref_slice %arg9[%run_scoped3A_20, %dma_start3A_206, %dma_start3A_207] : memref<4x80x128xf32, #tpu.memory_space<vmem>> -> memref<1x80x128xf32, #tpu.memory_space<vmem>>
      %dma_start3A_209 = tpu.memref_squeeze %dma_start3A_208 : memref<1x80x128xf32, #tpu.memory_space<vmem>> -> memref<80x128xf32, #tpu.memory_space<vmem>>
      %dma_start3A_210 = arith.constant 0 : i32
      %dma_start3A_211 = tpu.memref_slice %arg10[%add3A_19, %dma_start3A_210] : memref<10240x128xf32, #tpu.memory_space<vmem_shared>> -> memref<80x128xf32, #tpu.memory_space<vmem_shared>>
      %dma_start3A_212 = arith.constant 0 : i32
      %dma_start3A_213 = tpu.memref_slice %arg10[%add3A_19, %dma_start3A_212] : memref<10240x128xf32, #tpu.memory_space<vmem_shared>> -> memref<80x128xf32, #tpu.memory_space<vmem_shared>>
      %dma_start3A_214 = arith.constant 0 : i32
      %dma_start3A_215 = arith.constant 0 : i32
      %dma_start3A_216 = tpu.memref_slice %arg9[%run_scoped3A_20, %dma_start3A_214, %dma_start3A_215] : memref<4x80x128xf32, #tpu.memory_space<vmem>> -> memref<1x80x128xf32, #tpu.memory_space<vmem>>
      %dma_start3A_217 = tpu.memref_squeeze %dma_start3A_216 : memref<1x80x128xf32, #tpu.memory_space<vmem>> -> memref<80x128xf32, #tpu.memory_space<vmem>>
      tpu.enqueue_dma source(%dma_start3A_217 : memref<80x128xf32, #tpu.memory_space<vmem>>) target(%dma_start3A_213 : memref<80x128xf32, #tpu.memory_space<vmem_shared>>) target_semaphore(%run_scoped3A_205 : memref<!tpu.dma_semaphore, #tpu.memory_space<semaphore_mem>>)
      %dma_wait3A_218 = arith.constant 0 : i32
      %dma_wait3A_219 = arith.constant 0 : i32
      %dma_wait3A_220 = tpu.memref_slice %arg9[%run_scoped3A_20, %dma_wait3A_218, %dma_wait3A_219] : memref<4x80x128xf32, #tpu.memory_space<vmem>> -> memref<1x80x128xf32, #tpu.memory_space<vmem>>
      %dma_wait3A_221 = tpu.memref_squeeze %dma_wait3A_220 : memref<1x80x128xf32, #tpu.memory_space<vmem>> -> memref<80x128xf32, #tpu.memory_space<vmem>>
      %dma_wait3A_222 = arith.constant 0 : i32
      %dma_wait3A_223 = tpu.memref_slice %arg10[%add3A_19, %dma_wait3A_222] : memref<10240x128xf32, #tpu.memory_space<vmem_shared>> -> memref<80x128xf32, #tpu.memory_space<vmem_shared>>
      %dma_wait3A_224 = arith.constant 0 : i32
      %dma_wait3A_225 = tpu.memref_slice %arg10[%add3A_19, %dma_wait3A_224] : memref<10240x128xf32, #tpu.memory_space<vmem_shared>> -> memref<80x128xf32, #tpu.memory_space<vmem_shared>>
      %dma_wait3A_226 = arith.constant 0 : i32
      %dma_wait3A_227 = arith.constant 0 : i32
      %dma_wait3A_228 = tpu.memref_slice %arg9[%run_scoped3A_20, %dma_wait3A_226, %dma_wait3A_227] : memref<4x80x128xf32, #tpu.memory_space<vmem>> -> memref<1x80x128xf32, #tpu.memory_space<vmem>>
      %dma_wait3A_229 = tpu.memref_squeeze %dma_wait3A_228 : memref<1x80x128xf32, #tpu.memory_space<vmem>> -> memref<80x128xf32, #tpu.memory_space<vmem>>
      tpu.wait_dma2 semaphore(%run_scoped3A_205 : memref<!tpu.dma_semaphore, #tpu.memory_space<semaphore_mem>>) src(%dma_wait3A_229 : memref<80x128xf32, #tpu.memory_space<vmem>>) dst(%dma_wait3A_225 : memref<80x128xf32, #tpu.memory_space<vmem_shared>>)
      tpu.yield
    }) : () -> ()
    %add3A_21 = arith.constant 400 : i32
    %add3A_22 = arith.addi %mul3A_0, %add3A_21 : i32
    %run_scoped3A_23 = arith.constant 0 : i32
    "tpu.region"() ({
      %run_scoped3A_205 = tpu.sem_alloc : memref<!tpu.dma_semaphore, #tpu.memory_space<semaphore_mem>>
      %dma_start3A_206 = arith.constant 0 : i32
      %dma_start3A_207 = arith.constant 0 : i32
      %dma_start3A_208 = tpu.memref_slice %arg9[%run_scoped3A_23, %dma_start3A_206, %dma_start3A_207] : memref<4x80x128xf32, #tpu.memory_space<vmem>> -> memref<1x80x128xf32, #tpu.memory_space<vmem>>
      %dma_start3A_209 = tpu.memref_squeeze %dma_start3A_208 : memref<1x80x128xf32, #tpu.memory_space<vmem>> -> memref<80x128xf32, #tpu.memory_space<vmem>>
      %dma_start3A_210 = arith.constant 0 : i32
      %dma_start3A_211 = tpu.memref_slice %arg10[%add3A_22, %dma_start3A_210] : memref<10240x128xf32, #tpu.memory_space<vmem_shared>> -> memref<80x128xf32, #tpu.memory_space<vmem_shared>>
      %dma_start3A_212 = arith.constant 0 : i32
      %dma_start3A_213 = tpu.memref_slice %arg10[%add3A_22, %dma_start3A_212] : memref<10240x128xf32, #tpu.memory_space<vmem_shared>> -> memref<80x128xf32, #tpu.memory_space<vmem_shared>>
      %dma_start3A_214 = arith.constant 0 : i32
      %dma_start3A_215 = arith.constant 0 : i32
      %dma_start3A_216 = tpu.memref_slice %arg9[%run_scoped3A_23, %dma_start3A_214, %dma_start3A_215] : memref<4x80x128xf32, #tpu.memory_space<vmem>> -> memref<1x80x128xf32, #tpu.memory_space<vmem>>
      %dma_start3A_217 = tpu.memref_squeeze %dma_start3A_216 : memref<1x80x128xf32, #tpu.memory_space<vmem>> -> memref<80x128xf32, #tpu.memory_space<vmem>>
      tpu.enqueue_dma source(%dma_start3A_217 : memref<80x128xf32, #tpu.memory_space<vmem>>) target(%dma_start3A_213 : memref<80x128xf32, #tpu.memory_space<vmem_shared>>) target_semaphore(%run_scoped3A_205 : memref<!tpu.dma_semaphore, #tpu.memory_space<semaphore_mem>>)
      %dma_wait3A_218 = arith.constant 0 : i32
      %dma_wait3A_219 = arith.constant 0 : i32
      %dma_wait3A_220 = tpu.memref_slice %arg9[%run_scoped3A_23, %dma_wait3A_218, %dma_wait3A_219] : memref<4x80x128xf32, #tpu.memory_space<vmem>> -> memref<1x80x128xf32, #tpu.memory_space<vmem>>
      %dma_wait3A_221 = tpu.memref_squeeze %dma_wait3A_220 : memref<1x80x128xf32, #tpu.memory_space<vmem>> -> memref<80x128xf32, #tpu.memory_space<vmem>>
      %dma_wait3A_222 = arith.constant 0 : i32
      %dma_wait3A_223 = tpu.memref_slice %arg10[%add3A_22, %dma_wait3A_222] : memref<10240x128xf32, #tpu.memory_space<vmem_shared>> -> memref<80x128xf32, #tpu.memory_space<vmem_shared>>
      %dma_wait3A_224 = arith.constant 0 : i32
      %dma_wait3A_225 = tpu.memref_slice %arg10[%add3A_22, %dma_wait3A_224] : memref<10240x128xf32, #tpu.memory_space<vmem_shared>> -> memref<80x128xf32, #tpu.memory_space<vmem_shared>>
      %dma_wait3A_226 = arith.constant 0 : i32
      %dma_wait3A_227 = arith.constant 0 : i32
      %dma_wait3A_228 = tpu.memref_slice %arg9[%run_scoped3A_23, %dma_wait3A_226, %dma_wait3A_227] : memref<4x80x128xf32, #tpu.memory_space<vmem>> -> memref<1x80x128xf32, #tpu.memory_space<vmem>>
      %dma_wait3A_229 = tpu.memref_squeeze %dma_wait3A_228 : memref<1x80x128xf32, #tpu.memory_space<vmem>> -> memref<80x128xf32, #tpu.memory_space<vmem>>
      tpu.wait_dma2 semaphore(%run_scoped3A_205 : memref<!tpu.dma_semaphore, #tpu.memory_space<semaphore_mem>>) src(%dma_wait3A_229 : memref<80x128xf32, #tpu.memory_space<vmem>>) dst(%dma_wait3A_225 : memref<80x128xf32, #tpu.memory_space<vmem_shared>>)
      tpu.yield
    }) : () -> ()
    %add3A_24 = arith.constant 480 : i32
    %add3A_25 = arith.addi %mul3A_0, %add3A_24 : i32
    %run_scoped3A_26 = arith.constant 0 : i32
    "tpu.region"() ({
      %run_scoped3A_205 = tpu.sem_alloc : memref<!tpu.dma_semaphore, #tpu.memory_space<semaphore_mem>>
      %dma_start3A_206 = arith.constant 0 : i32
      %dma_start3A_207 = arith.constant 0 : i32
      %dma_start3A_208 = tpu.memref_slice %arg9[%run_scoped3A_26, %dma_start3A_206, %dma_start3A_207] : memref<4x80x128xf32, #tpu.memory_space<vmem>> -> memref<1x80x128xf32, #tpu.memory_space<vmem>>
      %dma_start3A_209 = tpu.memref_squeeze %dma_start3A_208 : memref<1x80x128xf32, #tpu.memory_space<vmem>> -> memref<80x128xf32, #tpu.memory_space<vmem>>
      %dma_start3A_210 = arith.constant 0 : i32
      %dma_start3A_211 = tpu.memref_slice %arg10[%add3A_25, %dma_start3A_210] : memref<10240x128xf32, #tpu.memory_space<vmem_shared>> -> memref<80x128xf32, #tpu.memory_space<vmem_shared>>
      %dma_start3A_212 = arith.constant 0 : i32
      %dma_start3A_213 = tpu.memref_slice %arg10[%add3A_25, %dma_start3A_212] : memref<10240x128xf32, #tpu.memory_space<vmem_shared>> -> memref<80x128xf32, #tpu.memory_space<vmem_shared>>
      %dma_start3A_214 = arith.constant 0 : i32
      %dma_start3A_215 = arith.constant 0 : i32
      %dma_start3A_216 = tpu.memref_slice %arg9[%run_scoped3A_26, %dma_start3A_214, %dma_start3A_215] : memref<4x80x128xf32, #tpu.memory_space<vmem>> -> memref<1x80x128xf32, #tpu.memory_space<vmem>>
      %dma_start3A_217 = tpu.memref_squeeze %dma_start3A_216 : memref<1x80x128xf32, #tpu.memory_space<vmem>> -> memref<80x128xf32, #tpu.memory_space<vmem>>
      tpu.enqueue_dma source(%dma_start3A_217 : memref<80x128xf32, #tpu.memory_space<vmem>>) target(%dma_start3A_213 : memref<80x128xf32, #tpu.memory_space<vmem_shared>>) target_semaphore(%run_scoped3A_205 : memref<!tpu.dma_semaphore, #tpu.memory_space<semaphore_mem>>)
      %dma_wait3A_218 = arith.constant 0 : i32
      %dma_wait3A_219 = arith.constant 0 : i32
      %dma_wait3A_220 = tpu.memref_slice %arg9[%run_scoped3A_26, %dma_wait3A_218, %dma_wait3A_219] : memref<4x80x128xf32, #tpu.memory_space<vmem>> -> memref<1x80x128xf32, #tpu.memory_space<vmem>>
      %dma_wait3A_221 = tpu.memref_squeeze %dma_wait3A_220 : memref<1x80x128xf32, #tpu.memory_space<vmem>> -> memref<80x128xf32, #tpu.memory_space<vmem>>
      %dma_wait3A_222 = arith.constant 0 : i32
      %dma_wait3A_223 = tpu.memref_slice %arg10[%add3A_25, %dma_wait3A_222] : memref<10240x128xf32, #tpu.memory_space<vmem_shared>> -> memref<80x128xf32, #tpu.memory_space<vmem_shared>>
      %dma_wait3A_224 = arith.constant 0 : i32
      %dma_wait3A_225 = tpu.memref_slice %arg10[%add3A_25, %dma_wait3A_224] : memref<10240x128xf32, #tpu.memory_space<vmem_shared>> -> memref<80x128xf32, #tpu.memory_space<vmem_shared>>
      %dma_wait3A_226 = arith.constant 0 : i32
      %dma_wait3A_227 = arith.constant 0 : i32
      %dma_wait3A_228 = tpu.memref_slice %arg9[%run_scoped3A_26, %dma_wait3A_226, %dma_wait3A_227] : memref<4x80x128xf32, #tpu.memory_space<vmem>> -> memref<1x80x128xf32, #tpu.memory_space<vmem>>
      %dma_wait3A_229 = tpu.memref_squeeze %dma_wait3A_228 : memref<1x80x128xf32, #tpu.memory_space<vmem>> -> memref<80x128xf32, #tpu.memory_space<vmem>>
      tpu.wait_dma2 semaphore(%run_scoped3A_205 : memref<!tpu.dma_semaphore, #tpu.memory_space<semaphore_mem>>) src(%dma_wait3A_229 : memref<80x128xf32, #tpu.memory_space<vmem>>) dst(%dma_wait3A_225 : memref<80x128xf32, #tpu.memory_space<vmem_shared>>)
      tpu.yield
    }) : () -> ()
    %add3A_27 = arith.constant 560 : i32
    %add3A_28 = arith.addi %mul3A_0, %add3A_27 : i32
    %run_scoped3A_29 = arith.constant 0 : i32
    "tpu.region"() ({
      %run_scoped3A_205 = tpu.sem_alloc : memref<!tpu.dma_semaphore, #tpu.memory_space<semaphore_mem>>
      %dma_start3A_206 = arith.constant 0 : i32
      %dma_start3A_207 = arith.constant 0 : i32
      %dma_start3A_208 = tpu.memref_slice %arg9[%run_scoped3A_29, %dma_start3A_206, %dma_start3A_207] : memref<4x80x128xf32, #tpu.memory_space<vmem>> -> memref<1x80x128xf32, #tpu.memory_space<vmem>>
      %dma_start3A_209 = tpu.memref_squeeze %dma_start3A_208 : memref<1x80x128xf32, #tpu.memory_space<vmem>> -> memref<80x128xf32, #tpu.memory_space<vmem>>
      %dma_start3A_210 = arith.constant 0 : i32
      %dma_start3A_211 = tpu.memref_slice %arg10[%add3A_28, %dma_start3A_210] : memref<10240x128xf32, #tpu.memory_space<vmem_shared>> -> memref<80x128xf32, #tpu.memory_space<vmem_shared>>
      %dma_start3A_212 = arith.constant 0 : i32
      %dma_start3A_213 = tpu.memref_slice %arg10[%add3A_28, %dma_start3A_212] : memref<10240x128xf32, #tpu.memory_space<vmem_shared>> -> memref<80x128xf32, #tpu.memory_space<vmem_shared>>
      %dma_start3A_214 = arith.constant 0 : i32
      %dma_start3A_215 = arith.constant 0 : i32
      %dma_start3A_216 = tpu.memref_slice %arg9[%run_scoped3A_29, %dma_start3A_214, %dma_start3A_215] : memref<4x80x128xf32, #tpu.memory_space<vmem>> -> memref<1x80x128xf32, #tpu.memory_space<vmem>>
      %dma_start3A_217 = tpu.memref_squeeze %dma_start3A_216 : memref<1x80x128xf32, #tpu.memory_space<vmem>> -> memref<80x128xf32, #tpu.memory_space<vmem>>
      tpu.enqueue_dma source(%dma_start3A_217 : memref<80x128xf32, #tpu.memory_space<vmem>>) target(%dma_start3A_213 : memref<80x128xf32, #tpu.memory_space<vmem_shared>>) target_semaphore(%run_scoped3A_205 : memref<!tpu.dma_semaphore, #tpu.memory_space<semaphore_mem>>)
      %dma_wait3A_218 = arith.constant 0 : i32
      %dma_wait3A_219 = arith.constant 0 : i32
      %dma_wait3A_220 = tpu.memref_slice %arg9[%run_scoped3A_29, %dma_wait3A_218, %dma_wait3A_219] : memref<4x80x128xf32, #tpu.memory_space<vmem>> -> memref<1x80x128xf32, #tpu.memory_space<vmem>>
      %dma_wait3A_221 = tpu.memref_squeeze %dma_wait3A_220 : memref<1x80x128xf32, #tpu.memory_space<vmem>> -> memref<80x128xf32, #tpu.memory_space<vmem>>
      %dma_wait3A_222 = arith.constant 0 : i32
      %dma_wait3A_223 = tpu.memref_slice %arg10[%add3A_28, %dma_wait3A_222] : memref<10240x128xf32, #tpu.memory_space<vmem_shared>> -> memref<80x128xf32, #tpu.memory_space<vmem_shared>>
      %dma_wait3A_224 = arith.constant 0 : i32
      %dma_wait3A_225 = tpu.memref_slice %arg10[%add3A_28, %dma_wait3A_224] : memref<10240x128xf32, #tpu.memory_space<vmem_shared>> -> memref<80x128xf32, #tpu.memory_space<vmem_shared>>
      %dma_wait3A_226 = arith.constant 0 : i32
      %dma_wait3A_227 = arith.constant 0 : i32
      %dma_wait3A_228 = tpu.memref_slice %arg9[%run_scoped3A_29, %dma_wait3A_226, %dma_wait3A_227] : memref<4x80x128xf32, #tpu.memory_space<vmem>> -> memref<1x80x128xf32, #tpu.memory_space<vmem>>
      %dma_wait3A_229 = tpu.memref_squeeze %dma_wait3A_228 : memref<1x80x128xf32, #tpu.memory_space<vmem>> -> memref<80x128xf32, #tpu.memory_space<vmem>>
      tpu.wait_dma2 semaphore(%run_scoped3A_205 : memref<!tpu.dma_semaphore, #tpu.memory_space<semaphore_mem>>) src(%dma_wait3A_229 : memref<80x128xf32, #tpu.memory_space<vmem>>) dst(%dma_wait3A_225 : memref<80x128xf32, #tpu.memory_space<vmem_shared>>)
      tpu.yield
    }) : () -> ()
    %barrier3A = arith.constant 0 : index
    tpu.barrier barrier_id(%barrier3A)
    %rem3A = arith.constant 0 : i32
    %rem3A_30 = arith.constant 6 : i32
    %rem3A_31 = arith.remsi %rem3A, %rem3A_30 : i32
    %add3A_32 = arith.constant 0 : i32
    %add3A_33 = arith.addi %mul3A_2, %add3A_32 : i32
    %dma_start3A = arith.constant 0 : i32
    %dma_start3A_34 = tpu.memref_slice %arg7[%rem3A_31, %dma_start3A] : memref<6x80xi32, #tpu.memory_space<vmem>> -> memref<1x80xi32, #tpu.memory_space<vmem>>
    %dma_start3A_35 = tpu.memref_squeeze %dma_start3A_34 : memref<1x80xi32, #tpu.memory_space<vmem>> -> memref<80xi32, #tpu.memory_space<vmem>>
    %dma_start3A_36 = tpu.memref_slice %arg4[%add3A_33] : memref<320000xi32, #tpu.memory_space<hbm>> -> memref<80xi32, #tpu.memory_space<hbm>>
    %dma_start3A_37 = arith.constant 0 : i32
    %dma_start3A_38 = tpu.memref_slice %arg7[%rem3A_31, %dma_start3A_37] : memref<6x80xi32, #tpu.memory_space<vmem>> -> memref<1x80xi32, #tpu.memory_space<vmem>>
    %dma_start3A_39 = tpu.memref_squeeze %dma_start3A_38 : memref<1x80xi32, #tpu.memory_space<vmem>> -> memref<80xi32, #tpu.memory_space<vmem>>
    %dma_start3A_40 = tpu.memref_slice %arg4[%add3A_33] : memref<320000xi32, #tpu.memory_space<hbm>> -> memref<80xi32, #tpu.memory_space<hbm>>
    tpu.enqueue_dma source(%dma_start3A_40 : memref<80xi32, #tpu.memory_space<hbm>>) target(%dma_start3A_39 : memref<80xi32, #tpu.memory_space<vmem>>) target_semaphore(%arg11 : memref<!tpu.dma_semaphore, #tpu.memory_space<semaphore_mem>>)
    %add3A_41 = arith.constant 160000 : i32
    %add3A_42 = arith.addi %add3A_41, %add3A_33 : i32
    %dma_start3A_43 = arith.constant 0 : i32
    %dma_start3A_44 = tpu.memref_slice %arg8[%rem3A_31, %dma_start3A_43] : memref<6x80xi32, #tpu.memory_space<vmem>> -> memref<1x80xi32, #tpu.memory_space<vmem>>
    %dma_start3A_45 = tpu.memref_squeeze %dma_start3A_44 : memref<1x80xi32, #tpu.memory_space<vmem>> -> memref<80xi32, #tpu.memory_space<vmem>>
    %dma_start3A_46 = tpu.memref_slice %arg4[%add3A_42] : memref<320000xi32, #tpu.memory_space<hbm>> -> memref<80xi32, #tpu.memory_space<hbm>>
    %dma_start3A_47 = arith.constant 0 : i32
    %dma_start3A_48 = tpu.memref_slice %arg8[%rem3A_31, %dma_start3A_47] : memref<6x80xi32, #tpu.memory_space<vmem>> -> memref<1x80xi32, #tpu.memory_space<vmem>>
    %dma_start3A_49 = tpu.memref_squeeze %dma_start3A_48 : memref<1x80xi32, #tpu.memory_space<vmem>> -> memref<80xi32, #tpu.memory_space<vmem>>
    %dma_start3A_50 = tpu.memref_slice %arg4[%add3A_42] : memref<320000xi32, #tpu.memory_space<hbm>> -> memref<80xi32, #tpu.memory_space<hbm>>
    tpu.enqueue_dma source(%dma_start3A_50 : memref<80xi32, #tpu.memory_space<hbm>>) target(%dma_start3A_49 : memref<80xi32, #tpu.memory_space<vmem>>) target_semaphore(%arg12 : memref<!tpu.dma_semaphore, #tpu.memory_space<semaphore_mem>>)
    %rem3A_51 = arith.constant 1 : i32
    %rem3A_52 = arith.constant 6 : i32
    %rem3A_53 = arith.remsi %rem3A_51, %rem3A_52 : i32
    %add3A_54 = arith.constant 80 : i32
    %add3A_55 = arith.addi %mul3A_2, %add3A_54 : i32
    %dma_start3A_56 = arith.constant 0 : i32
    %dma_start3A_57 = tpu.memref_slice %arg7[%rem3A_53, %dma_start3A_56] : memref<6x80xi32, #tpu.memory_space<vmem>> -> memref<1x80xi32, #tpu.memory_space<vmem>>
    %dma_start3A_58 = tpu.memref_squeeze %dma_start3A_57 : memref<1x80xi32, #tpu.memory_space<vmem>> -> memref<80xi32, #tpu.memory_space<vmem>>
    %dma_start3A_59 = tpu.memref_slice %arg4[%add3A_55] : memref<320000xi32, #tpu.memory_space<hbm>> -> memref<80xi32, #tpu.memory_space<hbm>>
    %dma_start3A_60 = arith.constant 0 : i32
    %dma_start3A_61 = tpu.memref_slice %arg7[%rem3A_53, %dma_start3A_60] : memref<6x80xi32, #tpu.memory_space<vmem>> -> memref<1x80xi32, #tpu.memory_space<vmem>>
    %dma_start3A_62 = tpu.memref_squeeze %dma_start3A_61 : memref<1x80xi32, #tpu.memory_space<vmem>> -> memref<80xi32, #tpu.memory_space<vmem>>
    %dma_start3A_63 = tpu.memref_slice %arg4[%add3A_55] : memref<320000xi32, #tpu.memory_space<hbm>> -> memref<80xi32, #tpu.memory_space<hbm>>
    tpu.enqueue_dma source(%dma_start3A_63 : memref<80xi32, #tpu.memory_space<hbm>>) target(%dma_start3A_62 : memref<80xi32, #tpu.memory_space<vmem>>) target_semaphore(%arg11 : memref<!tpu.dma_semaphore, #tpu.memory_space<semaphore_mem>>)
    %add3A_64 = arith.constant 160000 : i32
    %add3A_65 = arith.addi %add3A_64, %add3A_55 : i32
    %dma_start3A_66 = arith.constant 0 : i32
    %dma_start3A_67 = tpu.memref_slice %arg8[%rem3A_53, %dma_start3A_66] : memref<6x80xi32, #tpu.memory_space<vmem>> -> memref<1x80xi32, #tpu.memory_space<vmem>>
    %dma_start3A_68 = tpu.memref_squeeze %dma_start3A_67 : memref<1x80xi32, #tpu.memory_space<vmem>> -> memref<80xi32, #tpu.memory_space<vmem>>
    %dma_start3A_69 = tpu.memref_slice %arg4[%add3A_65] : memref<320000xi32, #tpu.memory_space<hbm>> -> memref<80xi32, #tpu.memory_space<hbm>>
    %dma_start3A_70 = arith.constant 0 : i32
    %dma_start3A_71 = tpu.memref_slice %arg8[%rem3A_53, %dma_start3A_70] : memref<6x80xi32, #tpu.memory_space<vmem>> -> memref<1x80xi32, #tpu.memory_space<vmem>>
    %dma_start3A_72 = tpu.memref_squeeze %dma_start3A_71 : memref<1x80xi32, #tpu.memory_space<vmem>> -> memref<80xi32, #tpu.memory_space<vmem>>
    %dma_start3A_73 = tpu.memref_slice %arg4[%add3A_65] : memref<320000xi32, #tpu.memory_space<hbm>> -> memref<80xi32, #tpu.memory_space<hbm>>
    tpu.enqueue_dma source(%dma_start3A_73 : memref<80xi32, #tpu.memory_space<hbm>>) target(%dma_start3A_72 : memref<80xi32, #tpu.memory_space<vmem>>) target_semaphore(%arg12 : memref<!tpu.dma_semaphore, #tpu.memory_space<semaphore_mem>>)
    %rem3A_74 = arith.constant 2 : i32
    %rem3A_75 = arith.constant 6 : i32
    %rem3A_76 = arith.remsi %rem3A_74, %rem3A_75 : i32
    %add3A_77 = arith.constant 160 : i32
    %add3A_78 = arith.addi %mul3A_2, %add3A_77 : i32
    %dma_start3A_79 = arith.constant 0 : i32
    %dma_start3A_80 = tpu.memref_slice %arg7[%rem3A_76, %dma_start3A_79] : memref<6x80xi32, #tpu.memory_space<vmem>> -> memref<1x80xi32, #tpu.memory_space<vmem>>
    %dma_start3A_81 = tpu.memref_squeeze %dma_start3A_80 : memref<1x80xi32, #tpu.memory_space<vmem>> -> memref<80xi32, #tpu.memory_space<vmem>>
    %dma_start3A_82 = tpu.memref_slice %arg4[%add3A_78] : memref<320000xi32, #tpu.memory_space<hbm>> -> memref<80xi32, #tpu.memory_space<hbm>>
    %dma_start3A_83 = arith.constant 0 : i32
    %dma_start3A_84 = tpu.memref_slice %arg7[%rem3A_76, %dma_start3A_83] : memref<6x80xi32, #tpu.memory_space<vmem>> -> memref<1x80xi32, #tpu.memory_space<vmem>>
    %dma_start3A_85 = tpu.memref_squeeze %dma_start3A_84 : memref<1x80xi32, #tpu.memory_space<vmem>> -> memref<80xi32, #tpu.memory_space<vmem>>
    %dma_start3A_86 = tpu.memref_slice %arg4[%add3A_78] : memref<320000xi32, #tpu.memory_space<hbm>> -> memref<80xi32, #tpu.memory_space<hbm>>
    tpu.enqueue_dma source(%dma_start3A_86 : memref<80xi32, #tpu.memory_space<hbm>>) target(%dma_start3A_85 : memref<80xi32, #tpu.memory_space<vmem>>) target_semaphore(%arg11 : memref<!tpu.dma_semaphore, #tpu.memory_space<semaphore_mem>>)
    %add3A_87 = arith.constant 160000 : i32
    %add3A_88 = arith.addi %add3A_87, %add3A_78 : i32
    %dma_start3A_89 = arith.constant 0 : i32
    %dma_start3A_90 = tpu.memref_slice %arg8[%rem3A_76, %dma_start3A_89] : memref<6x80xi32, #tpu.memory_space<vmem>> -> memref<1x80xi32, #tpu.memory_space<vmem>>
    %dma_start3A_91 = tpu.memref_squeeze %dma_start3A_90 : memref<1x80xi32, #tpu.memory_space<vmem>> -> memref<80xi32, #tpu.memory_space<vmem>>
    %dma_start3A_92 = tpu.memref_slice %arg4[%add3A_88] : memref<320000xi32, #tpu.memory_space<hbm>> -> memref<80xi32, #tpu.memory_space<hbm>>
    %dma_start3A_93 = arith.constant 0 : i32
    %dma_start3A_94 = tpu.memref_slice %arg8[%rem3A_76, %dma_start3A_93] : memref<6x80xi32, #tpu.memory_space<vmem>> -> memref<1x80xi32, #tpu.memory_space<vmem>>
    %dma_start3A_95 = tpu.memref_squeeze %dma_start3A_94 : memref<1x80xi32, #tpu.memory_space<vmem>> -> memref<80xi32, #tpu.memory_space<vmem>>
    %dma_start3A_96 = tpu.memref_slice %arg4[%add3A_88] : memref<320000xi32, #tpu.memory_space<hbm>> -> memref<80xi32, #tpu.memory_space<hbm>>
    tpu.enqueue_dma source(%dma_start3A_96 : memref<80xi32, #tpu.memory_space<hbm>>) target(%dma_start3A_95 : memref<80xi32, #tpu.memory_space<vmem>>) target_semaphore(%arg12 : memref<!tpu.dma_semaphore, #tpu.memory_space<semaphore_mem>>)
    %rem3A_97 = arith.constant 3 : i32
    %rem3A_98 = arith.constant 6 : i32
    %rem3A_99 = arith.remsi %rem3A_97, %rem3A_98 : i32
    %add3A_100 = arith.constant 240 : i32
    %add3A_101 = arith.addi %mul3A_2, %add3A_100 : i32
    %dma_start3A_102 = arith.constant 0 : i32
    %dma_start3A_103 = tpu.memref_slice %arg7[%rem3A_99, %dma_start3A_102] : memref<6x80xi32, #tpu.memory_space<vmem>> -> memref<1x80xi32, #tpu.memory_space<vmem>>
    %dma_start3A_104 = tpu.memref_squeeze %dma_start3A_103 : memref<1x80xi32, #tpu.memory_space<vmem>> -> memref<80xi32, #tpu.memory_space<vmem>>
    %dma_start3A_105 = tpu.memref_slice %arg4[%add3A_101] : memref<320000xi32, #tpu.memory_space<hbm>> -> memref<80xi32, #tpu.memory_space<hbm>>
    %dma_start3A_106 = arith.constant 0 : i32
    %dma_start3A_107 = tpu.memref_slice %arg7[%rem3A_99, %dma_start3A_106] : memref<6x80xi32, #tpu.memory_space<vmem>> -> memref<1x80xi32, #tpu.memory_space<vmem>>
    %dma_start3A_108 = tpu.memref_squeeze %dma_start3A_107 : memref<1x80xi32, #tpu.memory_space<vmem>> -> memref<80xi32, #tpu.memory_space<vmem>>
    %dma_start3A_109 = tpu.memref_slice %arg4[%add3A_101] : memref<320000xi32, #tpu.memory_space<hbm>> -> memref<80xi32, #tpu.memory_space<hbm>>
    tpu.enqueue_dma source(%dma_start3A_109 : memref<80xi32, #tpu.memory_space<hbm>>) target(%dma_start3A_108 : memref<80xi32, #tpu.memory_space<vmem>>) target_semaphore(%arg11 : memref<!tpu.dma_semaphore, #tpu.memory_space<semaphore_mem>>)
    %add3A_110 = arith.constant 160000 : i32
    %add3A_111 = arith.addi %add3A_110, %add3A_101 : i32
    %dma_start3A_112 = arith.constant 0 : i32
    %dma_start3A_113 = tpu.memref_slice %arg8[%rem3A_99, %dma_start3A_112] : memref<6x80xi32, #tpu.memory_space<vmem>> -> memref<1x80xi32, #tpu.memory_space<vmem>>
    %dma_start3A_114 = tpu.memref_squeeze %dma_start3A_113 : memref<1x80xi32, #tpu.memory_space<vmem>> -> memref<80xi32, #tpu.memory_space<vmem>>
    %dma_start3A_115 = tpu.memref_slice %arg4[%add3A_111] : memref<320000xi32, #tpu.memory_space<hbm>> -> memref<80xi32, #tpu.memory_space<hbm>>
    %dma_start3A_116 = arith.constant 0 : i32
    %dma_start3A_117 = tpu.memref_slice %arg8[%rem3A_99, %dma_start3A_116] : memref<6x80xi32, #tpu.memory_space<vmem>> -> memref<1x80xi32, #tpu.memory_space<vmem>>
    %dma_start3A_118 = tpu.memref_squeeze %dma_start3A_117 : memref<1x80xi32, #tpu.memory_space<vmem>> -> memref<80xi32, #tpu.memory_space<vmem>>
    %dma_start3A_119 = tpu.memref_slice %arg4[%add3A_111] : memref<320000xi32, #tpu.memory_space<hbm>> -> memref<80xi32, #tpu.memory_space<hbm>>
    tpu.enqueue_dma source(%dma_start3A_119 : memref<80xi32, #tpu.memory_space<hbm>>) target(%dma_start3A_118 : memref<80xi32, #tpu.memory_space<vmem>>) target_semaphore(%arg12 : memref<!tpu.dma_semaphore, #tpu.memory_space<semaphore_mem>>)
    %dma_wait3A = arith.constant 0 : i32
    %dma_wait3A_120 = arith.constant 0 : i32
    %dma_wait3A_121 = tpu.memref_slice %arg7[%dma_wait3A, %dma_wait3A_120] : memref<6x80xi32, #tpu.memory_space<vmem>> -> memref<1x80xi32, #tpu.memory_space<vmem>>
    %dma_wait3A_122 = tpu.memref_squeeze %dma_wait3A_121 : memref<1x80xi32, #tpu.memory_space<vmem>> -> memref<80xi32, #tpu.memory_space<vmem>>
    %dma_wait3A_123 = arith.constant 0 : i32
    %dma_wait3A_124 = tpu.memref_slice %arg4[%dma_wait3A_123] : memref<320000xi32, #tpu.memory_space<hbm>> -> memref<80xi32, #tpu.memory_space<hbm>>
    %dma_wait3A_125 = arith.constant 0 : i32
    %dma_wait3A_126 = tpu.memref_slice %arg7[%dma_wait3A, %dma_wait3A_125] : memref<6x80xi32, #tpu.memory_space<vmem>> -> memref<1x80xi32, #tpu.memory_space<vmem>>
    %dma_wait3A_127 = tpu.memref_squeeze %dma_wait3A_126 : memref<1x80xi32, #tpu.memory_space<vmem>> -> memref<80xi32, #tpu.memory_space<vmem>>
    %dma_wait3A_128 = arith.constant 0 : i32
    %dma_wait3A_129 = tpu.memref_slice %arg4[%dma_wait3A_128] : memref<320000xi32, #tpu.memory_space<hbm>> -> memref<80xi32, #tpu.memory_space<hbm>>
    tpu.wait_dma2 semaphore(%arg11 : memref<!tpu.dma_semaphore, #tpu.memory_space<semaphore_mem>>) src(%dma_wait3A_129 : memref<80xi32, #tpu.memory_space<hbm>>) dst(%dma_wait3A_127 : memref<80xi32, #tpu.memory_space<vmem>>)
    %rem3A_130 = arith.constant 0 : i32
    %rem3A_131 = arith.constant 4 : i32
    %rem3A_132 = arith.remsi %rem3A_130, %rem3A_131 : i32
    %eq3A = arith.constant 0 : i32
    %eq3A_133 = arith.cmpi eq, %arg0, %eq3A : i32
    %convert_element_type3A = arith.extui %eq3A_133 : i1 to i32
    %cond3A = arith.constant 0 : i32
    %cond3A_134 = arith.cmpi ne, %convert_element_type3A, %cond3A : i32
    scf.if %cond3A_134 {
      %rem3A_205 = arith.constant 0 : i32
      %rem3A_206 = arith.constant 6 : i32
      %rem3A_207 = arith.remsi %rem3A_205, %rem3A_206 : i32
      %dma_start3A_208 = arith.constant 0 : i32
      %dma_start3A_209 = arith.constant 0 : i32
      %dma_start3A_210 = tpu.memref_slice %arg9[%rem3A_132, %dma_start3A_208, %dma_start3A_209] : memref<4x80x128xf32, #tpu.memory_space<vmem>> -> memref<1x80x128xf32, #tpu.memory_space<vmem>>
      %dma_start3A_211 = tpu.memref_squeeze %dma_start3A_210 : memref<1x80x128xf32, #tpu.memory_space<vmem>> -> memref<80x128xf32, #tpu.memory_space<vmem>>
      %dma_start3A_212 = arith.constant 0 : i32
      %dma_start3A_213 = tpu.memref_slice %arg7[%rem3A_207, %dma_start3A_212] : memref<6x80xi32, #tpu.memory_space<vmem>> -> memref<1x80xi32, #tpu.memory_space<vmem>>
      %dma_start3A_214 = tpu.memref_squeeze %dma_start3A_213 : memref<1x80xi32, #tpu.memory_space<vmem>> -> memref<80xi32, #tpu.memory_space<vmem>>
      %dma_start3A_215 = arith.constant 0 : i32
      %dma_start3A_216 = arith.constant 0 : i32
      %dma_start3A_217 = tpu.memref_slice %arg2[%dma_start3A_215, %dma_start3A_216] : memref<10240x128xf32, #tpu.memory_space<hbm>> -> memref<10240x128xf32, #tpu.memory_space<hbm>>
      tpu.enqueue_indirect_dma source(%dma_start3A_217 : memref<10240x128xf32, #tpu.memory_space<hbm>>) target(%dma_start3A_211 : memref<80x128xf32, #tpu.memory_space<vmem>>) offsets(%dma_start3A_214 : memref<80xi32, #tpu.memory_space<vmem>>) semaphore(%arg13 : memref<!tpu.dma_semaphore, #tpu.memory_space<semaphore_mem>>)
    } else {
    }
    %eq3A_135 = arith.constant 1 : i32
    %eq3A_136 = arith.cmpi eq, %arg0, %eq3A_135 : i32
    %convert_element_type3A_137 = arith.extui %eq3A_136 : i1 to i32
    %cond3A_138 = arith.constant 0 : i32
    %cond3A_139 = arith.cmpi ne, %convert_element_type3A_137, %cond3A_138 : i32
    scf.if %cond3A_139 {
      %rem3A_205 = arith.constant 0 : i32
      %rem3A_206 = arith.constant 6 : i32
      %rem3A_207 = arith.remsi %rem3A_205, %rem3A_206 : i32
      %dma_start3A_208 = arith.constant 0 : i32
      %dma_start3A_209 = arith.constant 0 : i32
      %dma_start3A_210 = tpu.memref_slice %arg9[%rem3A_132, %dma_start3A_208, %dma_start3A_209] : memref<4x80x128xf32, #tpu.memory_space<vmem>> -> memref<1x80x128xf32, #tpu.memory_space<vmem>>
      %dma_start3A_211 = tpu.memref_squeeze %dma_start3A_210 : memref<1x80x128xf32, #tpu.memory_space<vmem>> -> memref<80x128xf32, #tpu.memory_space<vmem>>
      %dma_start3A_212 = arith.constant 0 : i32
      %dma_start3A_213 = tpu.memref_slice %arg7[%rem3A_207, %dma_start3A_212] : memref<6x80xi32, #tpu.memory_space<vmem>> -> memref<1x80xi32, #tpu.memory_space<vmem>>
      %dma_start3A_214 = tpu.memref_squeeze %dma_start3A_213 : memref<1x80xi32, #tpu.memory_space<vmem>> -> memref<80xi32, #tpu.memory_space<vmem>>
      %dma_start3A_215 = arith.constant 0 : i32
      %dma_start3A_216 = arith.constant 0 : i32
      %dma_start3A_217 = tpu.memref_slice %arg3[%dma_start3A_215, %dma_start3A_216] : memref<10240x128xf32, #tpu.memory_space<hbm>> -> memref<10240x128xf32, #tpu.memory_space<hbm>>
      tpu.enqueue_indirect_dma source(%dma_start3A_217 : memref<10240x128xf32, #tpu.memory_space<hbm>>) target(%dma_start3A_211 : memref<80x128xf32, #tpu.memory_space<vmem>>) offsets(%dma_start3A_214 : memref<80xi32, #tpu.memory_space<vmem>>) semaphore(%arg13 : memref<!tpu.dma_semaphore, #tpu.memory_space<semaphore_mem>>)
    } else {
    }
    %dma_wait3A_140 = arith.constant 0 : i32
    %dma_wait3A_141 = arith.constant 0 : i32
    %dma_wait3A_142 = tpu.memref_slice %arg7[%dma_wait3A_140, %dma_wait3A_141] : memref<6x80xi32, #tpu.memory_space<vmem>> -> memref<1x80xi32, #tpu.memory_space<vmem>>
    %dma_wait3A_143 = tpu.memref_squeeze %dma_wait3A_142 : memref<1x80xi32, #tpu.memory_space<vmem>> -> memref<80xi32, #tpu.memory_space<vmem>>
    %dma_wait3A_144 = arith.constant 0 : i32
    %dma_wait3A_145 = tpu.memref_slice %arg4[%dma_wait3A_144] : memref<320000xi32, #tpu.memory_space<hbm>> -> memref<80xi32, #tpu.memory_space<hbm>>
    %dma_wait3A_146 = arith.constant 0 : i32
    %dma_wait3A_147 = tpu.memref_slice %arg7[%dma_wait3A_140, %dma_wait3A_146] : memref<6x80xi32, #tpu.memory_space<vmem>> -> memref<1x80xi32, #tpu.memory_space<vmem>>
    %dma_wait3A_148 = tpu.memref_squeeze %dma_wait3A_147 : memref<1x80xi32, #tpu.memory_space<vmem>> -> memref<80xi32, #tpu.memory_space<vmem>>
    %dma_wait3A_149 = arith.constant 0 : i32
    %dma_wait3A_150 = tpu.memref_slice %arg4[%dma_wait3A_149] : memref<320000xi32, #tpu.memory_space<hbm>> -> memref<80xi32, #tpu.memory_space<hbm>>
    tpu.wait_dma2 semaphore(%arg11 : memref<!tpu.dma_semaphore, #tpu.memory_space<semaphore_mem>>) src(%dma_wait3A_150 : memref<80xi32, #tpu.memory_space<hbm>>) dst(%dma_wait3A_148 : memref<80xi32, #tpu.memory_space<vmem>>)
    %rem3A_151 = arith.constant 1 : i32
    %rem3A_152 = arith.constant 4 : i32
    %rem3A_153 = arith.remsi %rem3A_151, %rem3A_152 : i32
    %eq3A_154 = arith.constant 0 : i32
    %eq3A_155 = arith.cmpi eq, %arg0, %eq3A_154 : i32
    %convert_element_type3A_156 = arith.extui %eq3A_155 : i1 to i32
    %cond3A_157 = arith.constant 0 : i32
    %cond3A_158 = arith.cmpi ne, %convert_element_type3A_156, %cond3A_157 : i32
    scf.if %cond3A_158 {
      %rem3A_205 = arith.constant 1 : i32
      %rem3A_206 = arith.constant 6 : i32
      %rem3A_207 = arith.remsi %rem3A_205, %rem3A_206 : i32
      %dma_start3A_208 = arith.constant 0 : i32
      %dma_start3A_209 = arith.constant 0 : i32
      %dma_start3A_210 = tpu.memref_slice %arg9[%rem3A_153, %dma_start3A_208, %dma_start3A_209] : memref<4x80x128xf32, #tpu.memory_space<vmem>> -> memref<1x80x128xf32, #tpu.memory_space<vmem>>
      %dma_start3A_211 = tpu.memref_squeeze %dma_start3A_210 : memref<1x80x128xf32, #tpu.memory_space<vmem>> -> memref<80x128xf32, #tpu.memory_space<vmem>>
      %dma_start3A_212 = arith.constant 0 : i32
      %dma_start3A_213 = tpu.memref_slice %arg7[%rem3A_207, %dma_start3A_212] : memref<6x80xi32, #tpu.memory_space<vmem>> -> memref<1x80xi32, #tpu.memory_space<vmem>>
      %dma_start3A_214 = tpu.memref_squeeze %dma_start3A_213 : memref<1x80xi32, #tpu.memory_space<vmem>> -> memref<80xi32, #tpu.memory_space<vmem>>
      %dma_start3A_215 = arith.constant 0 : i32
      %dma_start3A_216 = arith.constant 0 : i32
      %dma_start3A_217 = tpu.memref_slice %arg2[%dma_start3A_215, %dma_start3A_216] : memref<10240x128xf32, #tpu.memory_space<hbm>> -> memref<10240x128xf32, #tpu.memory_space<hbm>>
      tpu.enqueue_indirect_dma source(%dma_start3A_217 : memref<10240x128xf32, #tpu.memory_space<hbm>>) target(%dma_start3A_211 : memref<80x128xf32, #tpu.memory_space<vmem>>) offsets(%dma_start3A_214 : memref<80xi32, #tpu.memory_space<vmem>>) semaphore(%arg13 : memref<!tpu.dma_semaphore, #tpu.memory_space<semaphore_mem>>)
    } else {
    }
    %eq3A_159 = arith.constant 1 : i32
    %eq3A_160 = arith.cmpi eq, %arg0, %eq3A_159 : i32
    %convert_element_type3A_161 = arith.extui %eq3A_160 : i1 to i32
    %cond3A_162 = arith.constant 0 : i32
    %cond3A_163 = arith.cmpi ne, %convert_element_type3A_161, %cond3A_162 : i32
    scf.if %cond3A_163 {
      %rem3A_205 = arith.constant 1 : i32
      %rem3A_206 = arith.constant 6 : i32
      %rem3A_207 = arith.remsi %rem3A_205, %rem3A_206 : i32
      %dma_start3A_208 = arith.constant 0 : i32
      %dma_start3A_209 = arith.constant 0 : i32
      %dma_start3A_210 = tpu.memref_slice %arg9[%rem3A_153, %dma_start3A_208, %dma_start3A_209] : memref<4x80x128xf32, #tpu.memory_space<vmem>> -> memref<1x80x128xf32, #tpu.memory_space<vmem>>
      %dma_start3A_211 = tpu.memref_squeeze %dma_start3A_210 : memref<1x80x128xf32, #tpu.memory_space<vmem>> -> memref<80x128xf32, #tpu.memory_space<vmem>>
      %dma_start3A_212 = arith.constant 0 : i32
      %dma_start3A_213 = tpu.memref_slice %arg7[%rem3A_207, %dma_start3A_212] : memref<6x80xi32, #tpu.memory_space<vmem>> -> memref<1x80xi32, #tpu.memory_space<vmem>>
      %dma_start3A_214 = tpu.memref_squeeze %dma_start3A_213 : memref<1x80xi32, #tpu.memory_space<vmem>> -> memref<80xi32, #tpu.memory_space<vmem>>
      %dma_start3A_215 = arith.constant 0 : i32
      %dma_start3A_216 = arith.constant 0 : i32
      %dma_start3A_217 = tpu.memref_slice %arg3[%dma_start3A_215, %dma_start3A_216] : memref<10240x128xf32, #tpu.memory_space<hbm>> -> memref<10240x128xf32, #tpu.memory_space<hbm>>
      tpu.enqueue_indirect_dma source(%dma_start3A_217 : memref<10240x128xf32, #tpu.memory_space<hbm>>) target(%dma_start3A_211 : memref<80x128xf32, #tpu.memory_space<vmem>>) offsets(%dma_start3A_214 : memref<80xi32, #tpu.memory_space<vmem>>) semaphore(%arg13 : memref<!tpu.dma_semaphore, #tpu.memory_space<semaphore_mem>>)
    } else {
    }
    %scan3A_164 = arith.constant 0 : i32
    %scan3A_165 = arith.constant 0 : i32
    %scan3A_166 = arith.constant 125 : i32
    %scan3A_167 = arith.addi %scan3A_165, %scan3A_166 : i32
    %scan3A_168 = arith.constant 1 : i32
    scf.for %scan3A_205 = %scan3A_165 to %scan3A_167 step %scan3A_168  : i32 {
      %ge3A = arith.constant 2 : i32
      %ge3A_206 = arith.cmpi sge, %scan3A_205, %ge3A : i32
      %convert_element_type3A_207 = arith.extui %ge3A_206 : i1 to i32
      %cond3A_208 = arith.constant 0 : i32
      %cond3A_209 = arith.cmpi ne, %convert_element_type3A_207, %cond3A_208 : i32
      scf.if %cond3A_209 {
        %dma_wait3A_260 = arith.constant 0 : i32
        %dma_wait3A_261 = arith.constant 0 : i32
        %dma_wait3A_262 = arith.constant 0 : i32
        %dma_wait3A_263 = arith.constant 0 : i32
        %dma_wait3A_264 = tpu.memref_slice %arg9[%dma_wait3A_260, %dma_wait3A_262, %dma_wait3A_263] : memref<4x80x128xf32, #tpu.memory_space<vmem>> -> memref<1x80x128xf32, #tpu.memory_space<vmem>>
        %dma_wait3A_265 = tpu.memref_squeeze %dma_wait3A_264 : memref<1x80x128xf32, #tpu.memory_space<vmem>> -> memref<80x128xf32, #tpu.memory_space<vmem>>
        %dma_wait3A_266 = arith.constant 0 : i32
        %dma_wait3A_267 = tpu.memref_slice %arg8[%dma_wait3A_261, %dma_wait3A_266] : memref<6x80xi32, #tpu.memory_space<vmem>> -> memref<1x80xi32, #tpu.memory_space<vmem>>
        %dma_wait3A_268 = tpu.memref_squeeze %dma_wait3A_267 : memref<1x80xi32, #tpu.memory_space<vmem>> -> memref<80xi32, #tpu.memory_space<vmem>>
        %dma_wait3A_269 = arith.constant 0 : i32
        %dma_wait3A_270 = arith.constant 0 : i32
        %dma_wait3A_271 = tpu.memref_slice %arg10[%dma_wait3A_269, %dma_wait3A_270] : memref<10240x128xf32, #tpu.memory_space<vmem_shared>> -> memref<10240x128xf32, #tpu.memory_space<vmem_shared>>
        tpu.wait_indirect_dma semaphore(%arg14 : memref<!tpu.dma_semaphore, #tpu.memory_space<semaphore_mem>>) src(%dma_wait3A_265 : memref<80x128xf32, #tpu.memory_space<vmem>>) dst(%dma_wait3A_271 : memref<10240x128xf32, #tpu.memory_space<vmem_shared>>)
      } else {
      }
      %add3A_210 = arith.constant 4 : i32
      %add3A_211 = arith.addi %scan3A_205, %add3A_210 : i32
      %lt3A = arith.constant 125 : i32
      %lt3A_212 = arith.cmpi slt, %add3A_211, %lt3A : i32
      %convert_element_type3A_213 = arith.extui %lt3A_212 : i1 to i32
      %cond3A_214 = arith.constant 0 : i32
      %cond3A_215 = arith.cmpi ne, %convert_element_type3A_213, %cond3A_214 : i32
      scf.if %cond3A_215 {
        %add3A_260 = arith.constant 4 : i32
        %add3A_261 = arith.addi %scan3A_205, %add3A_260 : i32
        %rem3A_262 = arith.constant 6 : i32
        %rem3A_263 = arith.remsi %add3A_261, %rem3A_262 : i32
        %mul3A_264 = arith.constant 80 : i32
        %mul3A_265 = arith.muli %add3A_261, %mul3A_264 : i32
        %add3A_266 = arith.addi %mul3A_2, %mul3A_265 : i32
        %dma_start3A_267 = arith.constant 0 : i32
        %dma_start3A_268 = tpu.memref_slice %arg7[%rem3A_263, %dma_start3A_267] : memref<6x80xi32, #tpu.memory_space<vmem>> -> memref<1x80xi32, #tpu.memory_space<vmem>>
        %dma_start3A_269 = tpu.memref_squeeze %dma_start3A_268 : memref<1x80xi32, #tpu.memory_space<vmem>> -> memref<80xi32, #tpu.memory_space<vmem>>
        %dma_start3A_270 = tpu.memref_slice %arg4[%add3A_266] : memref<320000xi32, #tpu.memory_space<hbm>> -> memref<80xi32, #tpu.memory_space<hbm>>
        %dma_start3A_271 = arith.constant 0 : i32
        %dma_start3A_272 = tpu.memref_slice %arg7[%rem3A_263, %dma_start3A_271] : memref<6x80xi32, #tpu.memory_space<vmem>> -> memref<1x80xi32, #tpu.memory_space<vmem>>
        %dma_start3A_273 = tpu.memref_squeeze %dma_start3A_272 : memref<1x80xi32, #tpu.memory_space<vmem>> -> memref<80xi32, #tpu.memory_space<vmem>>
        %dma_start3A_274 = tpu.memref_slice %arg4[%add3A_266] : memref<320000xi32, #tpu.memory_space<hbm>> -> memref<80xi32, #tpu.memory_space<hbm>>
        tpu.enqueue_dma source(%dma_start3A_274 : memref<80xi32, #tpu.memory_space<hbm>>) target(%dma_start3A_273 : memref<80xi32, #tpu.memory_space<vmem>>) target_semaphore(%arg11 : memref<!tpu.dma_semaphore, #tpu.memory_space<semaphore_mem>>)
        %add3A_275 = arith.constant 160000 : i32
        %add3A_276 = arith.addi %add3A_275, %add3A_266 : i32
        %dma_start3A_277 = arith.constant 0 : i32
        %dma_start3A_278 = tpu.memref_slice %arg8[%rem3A_263, %dma_start3A_277] : memref<6x80xi32, #tpu.memory_space<vmem>> -> memref<1x80xi32, #tpu.memory_space<vmem>>
        %dma_start3A_279 = tpu.memref_squeeze %dma_start3A_278 : memref<1x80xi32, #tpu.memory_space<vmem>> -> memref<80xi32, #tpu.memory_space<vmem>>
        %dma_start3A_280 = tpu.memref_slice %arg4[%add3A_276] : memref<320000xi32, #tpu.memory_space<hbm>> -> memref<80xi32, #tpu.memory_space<hbm>>
        %dma_start3A_281 = arith.constant 0 : i32
        %dma_start3A_282 = tpu.memref_slice %arg8[%rem3A_263, %dma_start3A_281] : memref<6x80xi32, #tpu.memory_space<vmem>> -> memref<1x80xi32, #tpu.memory_space<vmem>>
        %dma_start3A_283 = tpu.memref_squeeze %dma_start3A_282 : memref<1x80xi32, #tpu.memory_space<vmem>> -> memref<80xi32, #tpu.memory_space<vmem>>
        %dma_start3A_284 = tpu.memref_slice %arg4[%add3A_276] : memref<320000xi32, #tpu.memory_space<hbm>> -> memref<80xi32, #tpu.memory_space<hbm>>
        tpu.enqueue_dma source(%dma_start3A_284 : memref<80xi32, #tpu.memory_space<hbm>>) target(%dma_start3A_283 : memref<80xi32, #tpu.memory_space<vmem>>) target_semaphore(%arg12 : memref<!tpu.dma_semaphore, #tpu.memory_space<semaphore_mem>>)
      } else {
      }
      %add3A_216 = arith.constant 2 : i32
      %add3A_217 = arith.addi %scan3A_205, %add3A_216 : i32
      %lt3A_218 = arith.constant 125 : i32
      %lt3A_219 = arith.cmpi slt, %add3A_217, %lt3A_218 : i32
      %convert_element_type3A_220 = arith.extui %lt3A_219 : i1 to i32
      %cond3A_221 = arith.constant 0 : i32
      %cond3A_222 = arith.cmpi ne, %convert_element_type3A_220, %cond3A_221 : i32
      scf.if %cond3A_222 {
        %dma_wait3A_260 = arith.constant 0 : i32
        %dma_wait3A_261 = arith.constant 0 : i32
        %dma_wait3A_262 = tpu.memref_slice %arg7[%dma_wait3A_260, %dma_wait3A_261] : memref<6x80xi32, #tpu.memory_space<vmem>> -> memref<1x80xi32, #tpu.memory_space<vmem>>
        %dma_wait3A_263 = tpu.memref_squeeze %dma_wait3A_262 : memref<1x80xi32, #tpu.memory_space<vmem>> -> memref<80xi32, #tpu.memory_space<vmem>>
        %dma_wait3A_264 = arith.constant 0 : i32
        %dma_wait3A_265 = tpu.memref_slice %arg4[%dma_wait3A_264] : memref<320000xi32, #tpu.memory_space<hbm>> -> memref<80xi32, #tpu.memory_space<hbm>>
        %dma_wait3A_266 = arith.constant 0 : i32
        %dma_wait3A_267 = tpu.memref_slice %arg7[%dma_wait3A_260, %dma_wait3A_266] : memref<6x80xi32, #tpu.memory_space<vmem>> -> memref<1x80xi32, #tpu.memory_space<vmem>>
        %dma_wait3A_268 = tpu.memref_squeeze %dma_wait3A_267 : memref<1x80xi32, #tpu.memory_space<vmem>> -> memref<80xi32, #tpu.memory_space<vmem>>
        %dma_wait3A_269 = arith.constant 0 : i32
        %dma_wait3A_270 = tpu.memref_slice %arg4[%dma_wait3A_269] : memref<320000xi32, #tpu.memory_space<hbm>> -> memref<80xi32, #tpu.memory_space<hbm>>
        tpu.wait_dma2 semaphore(%arg11 : memref<!tpu.dma_semaphore, #tpu.memory_space<semaphore_mem>>) src(%dma_wait3A_270 : memref<80xi32, #tpu.memory_space<hbm>>) dst(%dma_wait3A_268 : memref<80xi32, #tpu.memory_space<vmem>>)
        %add3A_271 = arith.constant 2 : i32
        %add3A_272 = arith.addi %scan3A_205, %add3A_271 : i32
        %rem3A_273 = arith.constant 4 : i32
        %rem3A_274 = arith.remsi %add3A_272, %rem3A_273 : i32
        %eq3A_275 = arith.constant 0 : i32
        %eq3A_276 = arith.cmpi eq, %arg0, %eq3A_275 : i32
        %convert_element_type3A_277 = arith.extui %eq3A_276 : i1 to i32
        %cond3A_278 = arith.constant 0 : i32
        %cond3A_279 = arith.cmpi ne, %convert_element_type3A_277, %cond3A_278 : i32
        scf.if %cond3A_279 {
          %rem3A_285 = arith.constant 6 : i32
          %rem3A_286 = arith.remsi %add3A_272, %rem3A_285 : i32
          %dma_start3A_287 = arith.constant 0 : i32
          %dma_start3A_288 = arith.constant 0 : i32
          %dma_start3A_289 = tpu.memref_slice %arg9[%rem3A_274, %dma_start3A_287, %dma_start3A_288] : memref<4x80x128xf32, #tpu.memory_space<vmem>> -> memref<1x80x128xf32, #tpu.memory_space<vmem>>
          %dma_start3A_290 = tpu.memref_squeeze %dma_start3A_289 : memref<1x80x128xf32, #tpu.memory_space<vmem>> -> memref<80x128xf32, #tpu.memory_space<vmem>>
          %dma_start3A_291 = arith.constant 0 : i32
          %dma_start3A_292 = tpu.memref_slice %arg7[%rem3A_286, %dma_start3A_291] : memref<6x80xi32, #tpu.memory_space<vmem>> -> memref<1x80xi32, #tpu.memory_space<vmem>>
          %dma_start3A_293 = tpu.memref_squeeze %dma_start3A_292 : memref<1x80xi32, #tpu.memory_space<vmem>> -> memref<80xi32, #tpu.memory_space<vmem>>
          %dma_start3A_294 = arith.constant 0 : i32
          %dma_start3A_295 = arith.constant 0 : i32
          %dma_start3A_296 = tpu.memref_slice %arg2[%dma_start3A_294, %dma_start3A_295] : memref<10240x128xf32, #tpu.memory_space<hbm>> -> memref<10240x128xf32, #tpu.memory_space<hbm>>
          tpu.enqueue_indirect_dma source(%dma_start3A_296 : memref<10240x128xf32, #tpu.memory_space<hbm>>) target(%dma_start3A_290 : memref<80x128xf32, #tpu.memory_space<vmem>>) offsets(%dma_start3A_293 : memref<80xi32, #tpu.memory_space<vmem>>) semaphore(%arg13 : memref<!tpu.dma_semaphore, #tpu.memory_space<semaphore_mem>>)
        } else {
        }
        %eq3A_280 = arith.constant 1 : i32
        %eq3A_281 = arith.cmpi eq, %arg0, %eq3A_280 : i32
        %convert_element_type3A_282 = arith.extui %eq3A_281 : i1 to i32
        %cond3A_283 = arith.constant 0 : i32
        %cond3A_284 = arith.cmpi ne, %convert_element_type3A_282, %cond3A_283 : i32
        scf.if %cond3A_284 {
          %rem3A_285 = arith.constant 6 : i32
          %rem3A_286 = arith.remsi %add3A_272, %rem3A_285 : i32
          %dma_start3A_287 = arith.constant 0 : i32
          %dma_start3A_288 = arith.constant 0 : i32
          %dma_start3A_289 = tpu.memref_slice %arg9[%rem3A_274, %dma_start3A_287, %dma_start3A_288] : memref<4x80x128xf32, #tpu.memory_space<vmem>> -> memref<1x80x128xf32, #tpu.memory_space<vmem>>
          %dma_start3A_290 = tpu.memref_squeeze %dma_start3A_289 : memref<1x80x128xf32, #tpu.memory_space<vmem>> -> memref<80x128xf32, #tpu.memory_space<vmem>>
          %dma_start3A_291 = arith.constant 0 : i32
          %dma_start3A_292 = tpu.memref_slice %arg7[%rem3A_286, %dma_start3A_291] : memref<6x80xi32, #tpu.memory_space<vmem>> -> memref<1x80xi32, #tpu.memory_space<vmem>>
          %dma_start3A_293 = tpu.memref_squeeze %dma_start3A_292 : memref<1x80xi32, #tpu.memory_space<vmem>> -> memref<80xi32, #tpu.memory_space<vmem>>
          %dma_start3A_294 = arith.constant 0 : i32
          %dma_start3A_295 = arith.constant 0 : i32
          %dma_start3A_296 = tpu.memref_slice %arg3[%dma_start3A_294, %dma_start3A_295] : memref<10240x128xf32, #tpu.memory_space<hbm>> -> memref<10240x128xf32, #tpu.memory_space<hbm>>
          tpu.enqueue_indirect_dma source(%dma_start3A_296 : memref<10240x128xf32, #tpu.memory_space<hbm>>) target(%dma_start3A_290 : memref<80x128xf32, #tpu.memory_space<vmem>>) offsets(%dma_start3A_293 : memref<80xi32, #tpu.memory_space<vmem>>) semaphore(%arg13 : memref<!tpu.dma_semaphore, #tpu.memory_space<semaphore_mem>>)
        } else {
        }
      } else {
      }
      %dma_wait3A_223 = arith.constant 0 : i32
      %dma_wait3A_224 = arith.constant 0 : i32
      %dma_wait3A_225 = arith.constant 0 : i32
      %dma_wait3A_226 = arith.constant 0 : i32
      %dma_wait3A_227 = tpu.memref_slice %arg9[%dma_wait3A_224, %dma_wait3A_225, %dma_wait3A_226] : memref<4x80x128xf32, #tpu.memory_space<vmem>> -> memref<1x80x128xf32, #tpu.memory_space<vmem>>
      %dma_wait3A_228 = tpu.memref_squeeze %dma_wait3A_227 : memref<1x80x128xf32, #tpu.memory_space<vmem>> -> memref<80x128xf32, #tpu.memory_space<vmem>>
      %dma_wait3A_229 = arith.constant 0 : i32
      %dma_wait3A_230 = tpu.memref_slice %arg7[%dma_wait3A_223, %dma_wait3A_229] : memref<6x80xi32, #tpu.memory_space<vmem>> -> memref<1x80xi32, #tpu.memory_space<vmem>>
      %dma_wait3A_231 = tpu.memref_squeeze %dma_wait3A_230 : memref<1x80xi32, #tpu.memory_space<vmem>> -> memref<80xi32, #tpu.memory_space<vmem>>
      %dma_wait3A_232 = arith.constant 0 : i32
      %dma_wait3A_233 = arith.constant 0 : i32
      %dma_wait3A_234 = tpu.memref_slice %arg2[%dma_wait3A_232, %dma_wait3A_233] : memref<10240x128xf32, #tpu.memory_space<hbm>> -> memref<10240x128xf32, #tpu.memory_space<hbm>>
      tpu.wait_indirect_dma semaphore(%arg13 : memref<!tpu.dma_semaphore, #tpu.memory_space<semaphore_mem>>) src(%dma_wait3A_234 : memref<10240x128xf32, #tpu.memory_space<hbm>>) dst(%dma_wait3A_228 : memref<80x128xf32, #tpu.memory_space<vmem>>)
      %dma_wait3A_235 = arith.constant 0 : i32
      %dma_wait3A_236 = arith.constant 0 : i32
      %dma_wait3A_237 = tpu.memref_slice %arg7[%dma_wait3A_235, %dma_wait3A_236] : memref<6x80xi32, #tpu.memory_space<vmem>> -> memref<1x80xi32, #tpu.memory_space<vmem>>
      %dma_wait3A_238 = tpu.memref_squeeze %dma_wait3A_237 : memref<1x80xi32, #tpu.memory_space<vmem>> -> memref<80xi32, #tpu.memory_space<vmem>>
      %dma_wait3A_239 = arith.constant 0 : i32
      %dma_wait3A_240 = tpu.memref_slice %arg4[%dma_wait3A_239] : memref<320000xi32, #tpu.memory_space<hbm>> -> memref<80xi32, #tpu.memory_space<hbm>>
      %dma_wait3A_241 = arith.constant 0 : i32
      %dma_wait3A_242 = tpu.memref_slice %arg7[%dma_wait3A_235, %dma_wait3A_241] : memref<6x80xi32, #tpu.memory_space<vmem>> -> memref<1x80xi32, #tpu.memory_space<vmem>>
      %dma_wait3A_243 = tpu.memref_squeeze %dma_wait3A_242 : memref<1x80xi32, #tpu.memory_space<vmem>> -> memref<80xi32, #tpu.memory_space<vmem>>
      %dma_wait3A_244 = arith.constant 0 : i32
      %dma_wait3A_245 = tpu.memref_slice %arg4[%dma_wait3A_244] : memref<320000xi32, #tpu.memory_space<hbm>> -> memref<80xi32, #tpu.memory_space<hbm>>
      tpu.wait_dma2 semaphore(%arg12 : memref<!tpu.dma_semaphore, #tpu.memory_space<semaphore_mem>>) src(%dma_wait3A_245 : memref<80xi32, #tpu.memory_space<hbm>>) dst(%dma_wait3A_243 : memref<80xi32, #tpu.memory_space<vmem>>)
      %rem3A_246 = arith.constant 4 : i32
      %rem3A_247 = arith.remsi %scan3A_205, %rem3A_246 : i32
      %rem3A_248 = arith.constant 6 : i32
      %rem3A_249 = arith.remsi %scan3A_205, %rem3A_248 : i32
      %dma_start3A_250 = arith.constant 0 : i32
      %dma_start3A_251 = arith.constant 0 : i32
      %dma_start3A_252 = tpu.memref_slice %arg9[%rem3A_247, %dma_start3A_250, %dma_start3A_251] : memref<4x80x128xf32, #tpu.memory_space<vmem>> -> memref<1x80x128xf32, #tpu.memory_space<vmem>>
      %dma_start3A_253 = tpu.memref_squeeze %dma_start3A_252 : memref<1x80x128xf32, #tpu.memory_space<vmem>> -> memref<80x128xf32, #tpu.memory_space<vmem>>
      %dma_start3A_254 = arith.constant 0 : i32
      %dma_start3A_255 = tpu.memref_slice %arg8[%rem3A_249, %dma_start3A_254] : memref<6x80xi32, #tpu.memory_space<vmem>> -> memref<1x80xi32, #tpu.memory_space<vmem>>
      %dma_start3A_256 = tpu.memref_squeeze %dma_start3A_255 : memref<1x80xi32, #tpu.memory_space<vmem>> -> memref<80xi32, #tpu.memory_space<vmem>>
      %dma_start3A_257 = arith.constant 0 : i32
      %dma_start3A_258 = arith.constant 0 : i32
      %dma_start3A_259 = tpu.memref_slice %arg10[%dma_start3A_257, %dma_start3A_258] : memref<10240x128xf32, #tpu.memory_space<vmem_shared>> -> memref<10240x128xf32, #tpu.memory_space<vmem_shared>>
      tpu.enqueue_indirect_dma source(%dma_start3A_253 : memref<80x128xf32, #tpu.memory_space<vmem>>) target(%dma_start3A_259 : memref<10240x128xf32, #tpu.memory_space<vmem_shared>>) offsets(%dma_start3A_256 : memref<80xi32, #tpu.memory_space<vmem>>) semaphore(%arg14 : memref<!tpu.dma_semaphore, #tpu.memory_space<semaphore_mem>>) {add = true}
    }
    %scan3A_169 = arith.constant 125 : i32
    %dma_wait3A_170 = arith.constant 0 : i32
    %dma_wait3A_171 = arith.constant 0 : i32
    %dma_wait3A_172 = arith.constant 0 : i32
    %dma_wait3A_173 = arith.constant 0 : i32
    %dma_wait3A_174 = tpu.memref_slice %arg9[%dma_wait3A_170, %dma_wait3A_172, %dma_wait3A_173] : memref<4x80x128xf32, #tpu.memory_space<vmem>> -> memref<1x80x128xf32, #tpu.memory_space<vmem>>
    %dma_wait3A_175 = tpu.memref_squeeze %dma_wait3A_174 : memref<1x80x128xf32, #tpu.memory_space<vmem>> -> memref<80x128xf32, #tpu.memory_space<vmem>>
    %dma_wait3A_176 = arith.constant 0 : i32
    %dma_wait3A_177 = tpu.memref_slice %arg8[%dma_wait3A_171, %dma_wait3A_176] : memref<6x80xi32, #tpu.memory_space<vmem>> -> memref<1x80xi32, #tpu.memory_space<vmem>>
    %dma_wait3A_178 = tpu.memref_squeeze %dma_wait3A_177 : memref<1x80xi32, #tpu.memory_space<vmem>> -> memref<80xi32, #tpu.memory_space<vmem>>
    %dma_wait3A_179 = arith.constant 0 : i32
    %dma_wait3A_180 = arith.constant 0 : i32
    %dma_wait3A_181 = tpu.memref_slice %arg10[%dma_wait3A_179, %dma_wait3A_180] : memref<10240x128xf32, #tpu.memory_space<vmem_shared>> -> memref<10240x128xf32, #tpu.memory_space<vmem_shared>>
    tpu.wait_indirect_dma semaphore(%arg14 : memref<!tpu.dma_semaphore, #tpu.memory_space<semaphore_mem>>) src(%dma_wait3A_175 : memref<80x128xf32, #tpu.memory_space<vmem>>) dst(%dma_wait3A_181 : memref<10240x128xf32, #tpu.memory_space<vmem_shared>>)
    %dma_wait3A_182 = arith.constant 0 : i32
    %dma_wait3A_183 = arith.constant 0 : i32
    %dma_wait3A_184 = arith.constant 0 : i32
    %dma_wait3A_185 = arith.constant 0 : i32
    %dma_wait3A_186 = tpu.memref_slice %arg9[%dma_wait3A_182, %dma_wait3A_184, %dma_wait3A_185] : memref<4x80x128xf32, #tpu.memory_space<vmem>> -> memref<1x80x128xf32, #tpu.memory_space<vmem>>
    %dma_wait3A_187 = tpu.memref_squeeze %dma_wait3A_186 : memref<1x80x128xf32, #tpu.memory_space<vmem>> -> memref<80x128xf32, #tpu.memory_space<vmem>>
    %dma_wait3A_188 = arith.constant 0 : i32
    %dma_wait3A_189 = tpu.memref_slice %arg8[%dma_wait3A_183, %dma_wait3A_188] : memref<6x80xi32, #tpu.memory_space<vmem>> -> memref<1x80xi32, #tpu.memory_space<vmem>>
    %dma_wait3A_190 = tpu.memref_squeeze %dma_wait3A_189 : memref<1x80xi32, #tpu.memory_space<vmem>> -> memref<80xi32, #tpu.memory_space<vmem>>
    %dma_wait3A_191 = arith.constant 0 : i32
    %dma_wait3A_192 = arith.constant 0 : i32
    %dma_wait3A_193 = tpu.memref_slice %arg10[%dma_wait3A_191, %dma_wait3A_192] : memref<10240x128xf32, #tpu.memory_space<vmem_shared>> -> memref<10240x128xf32, #tpu.memory_space<vmem_shared>>
    tpu.wait_indirect_dma semaphore(%arg14 : memref<!tpu.dma_semaphore, #tpu.memory_space<semaphore_mem>>) src(%dma_wait3A_187 : memref<80x128xf32, #tpu.memory_space<vmem>>) dst(%dma_wait3A_193 : memref<10240x128xf32, #tpu.memory_space<vmem_shared>>)
    %barrier3A_194 = arith.constant 0 : index
    tpu.barrier barrier_id(%barrier3A_194)
    %eq3A_195 = arith.constant 0 : i32
    %eq3A_196 = arith.cmpi eq, %arg0, %eq3A_195 : i32
    %convert_element_type3A_197 = arith.extui %eq3A_196 : i1 to i32
    %cond3A_198 = arith.constant 0 : i32
    %cond3A_199 = arith.cmpi ne, %convert_element_type3A_197, %cond3A_198 : i32
    scf.if %cond3A_199 {
      "tpu.region"() ({
        %run_scoped3A_205 = tpu.sem_alloc : memref<!tpu.dma_semaphore, #tpu.memory_space<semaphore_mem>>
        %dma_start3A_206 = arith.constant 0 : i32
        %dma_start3A_207 = tpu.memref_slice %arg5[%mul3A_0, %dma_start3A_206] : memref<10240x128xf32, #tpu.memory_space<hbm>> -> memref<640x128xf32, #tpu.memory_space<hbm>>
        %dma_start3A_208 = arith.constant 0 : i32
        %dma_start3A_209 = tpu.memref_slice %arg10[%mul3A_0, %dma_start3A_208] : memref<10240x128xf32, #tpu.memory_space<vmem_shared>> -> memref<640x128xf32, #tpu.memory_space<vmem_shared>>
        tpu.enqueue_dma source(%dma_start3A_209 : memref<640x128xf32, #tpu.memory_space<vmem_shared>>) target(%dma_start3A_207 : memref<640x128xf32, #tpu.memory_space<hbm>>) target_semaphore(%run_scoped3A_205 : memref<!tpu.dma_semaphore, #tpu.memory_space<semaphore_mem>>)
        %dma_wait3A_210 = arith.constant 0 : i32
        %dma_wait3A_211 = tpu.memref_slice %arg5[%mul3A_0, %dma_wait3A_210] : memref<10240x128xf32, #tpu.memory_space<hbm>> -> memref<640x128xf32, #tpu.memory_space<hbm>>
        %dma_wait3A_212 = arith.constant 0 : i32
        %dma_wait3A_213 = tpu.memref_slice %arg10[%mul3A_0, %dma_wait3A_212] : memref<10240x128xf32, #tpu.memory_space<vmem_shared>> -> memref<640x128xf32, #tpu.memory_space<vmem_shared>>
        tpu.wait_dma2 semaphore(%run_scoped3A_205 : memref<!tpu.dma_semaphore, #tpu.memory_space<semaphore_mem>>) src(%dma_wait3A_213 : memref<640x128xf32, #tpu.memory_space<vmem_shared>>) dst(%dma_wait3A_211 : memref<640x128xf32, #tpu.memory_space<hbm>>)
        tpu.yield
      }) : () -> ()
    } else {
    }
    %eq3A_200 = arith.constant 1 : i32
    %eq3A_201 = arith.cmpi eq, %arg0, %eq3A_200 : i32
    %convert_element_type3A_202 = arith.extui %eq3A_201 : i1 to i32
    %cond3A_203 = arith.constant 0 : i32
    %cond3A_204 = arith.cmpi ne, %convert_element_type3A_202, %cond3A_203 : i32
    scf.if %cond3A_204 {
      "tpu.region"() ({
        %run_scoped3A_205 = tpu.sem_alloc : memref<!tpu.dma_semaphore, #tpu.memory_space<semaphore_mem>>
        %dma_start3A_206 = arith.constant 0 : i32
        %dma_start3A_207 = tpu.memref_slice %arg6[%mul3A_0, %dma_start3A_206] : memref<10240x128xf32, #tpu.memory_space<hbm>> -> memref<640x128xf32, #tpu.memory_space<hbm>>
        %dma_start3A_208 = arith.constant 0 : i32
        %dma_start3A_209 = tpu.memref_slice %arg10[%mul3A_0, %dma_start3A_208] : memref<10240x128xf32, #tpu.memory_space<vmem_shared>> -> memref<640x128xf32, #tpu.memory_space<vmem_shared>>
        tpu.enqueue_dma source(%dma_start3A_209 : memref<640x128xf32, #tpu.memory_space<vmem_shared>>) target(%dma_start3A_207 : memref<640x128xf32, #tpu.memory_space<hbm>>) target_semaphore(%run_scoped3A_205 : memref<!tpu.dma_semaphore, #tpu.memory_space<semaphore_mem>>)
        %dma_wait3A_210 = arith.constant 0 : i32
        %dma_wait3A_211 = tpu.memref_slice %arg6[%mul3A_0, %dma_wait3A_210] : memref<10240x128xf32, #tpu.memory_space<hbm>> -> memref<640x128xf32, #tpu.memory_space<hbm>>
        %dma_wait3A_212 = arith.constant 0 : i32
        %dma_wait3A_213 = tpu.memref_slice %arg10[%mul3A_0, %dma_wait3A_212] : memref<10240x128xf32, #tpu.memory_space<vmem_shared>> -> memref<640x128xf32, #tpu.memory_space<vmem_shared>>
        tpu.wait_dma2 semaphore(%run_scoped3A_205 : memref<!tpu.dma_semaphore, #tpu.memory_space<semaphore_mem>>) src(%dma_wait3A_213 : memref<640x128xf32, #tpu.memory_space<vmem_shared>>) dst(%dma_wait3A_211 : memref<640x128xf32, #tpu.memory_space<hbm>>)
        tpu.yield
      }) : () -> ()
    } else {
    }
    return
  }
}

#map = affine_map<(d0, d1) -> (0, 0)>
#map1 = affine_map<(d0, d1) -> (0)>
module attributes {stable_mosaic.version = 14 : i64} {
  func.func @body(%arg0: i32, %arg1: i32, %arg2: memref<10240x128xf32, #tpu.memory_space<hbm>>, %arg3: memref<10240x128xf32, #tpu.memory_space<hbm>>, %arg4: memref<320000xi32, #tpu.memory_space<hbm>>, %arg5: memref<10240x128xf32, #tpu.memory_space<hbm>>, %arg6: memref<10240x128xf32, #tpu.memory_space<hbm>>, %arg7: memref<6x80xi32, #tpu.memory_space<vmem>>, %arg8: memref<6x80xi32, #tpu.memory_space<vmem>>, %arg9: memref<4x80x128xf32, #tpu.memory_space<vmem>>, %arg10: memref<10240x128xf32, #tpu.memory_space<vmem_shared>>, %arg11: memref<!tpu.dma_semaphore, #tpu.memory_space<semaphore_mem>>, %arg12: memref<!tpu.dma_semaphore, #tpu.memory_space<semaphore_mem>>, %arg13: memref<!tpu.dma_semaphore, #tpu.memory_space<semaphore_mem>>, %arg14: memref<!tpu.dma_semaphore, #tpu.memory_space<semaphore_mem>>) attributes {dimension_semantics = [#tpu.dimension_semantics<core_parallel>, #tpu.dimension_semantics<subcore_parallel>], iteration_bounds = array<i64: 2, 16>, scalar_prefetch = 0 : i64, scratch_operands = 8 : i64, tpu.core_type = #tpu.core_type<sc_vector_subcore>, window_params = [{transform_indices = #map}, {transform_indices = #map}, {transform_indices = #map1}, {transform_indices = #map}, {transform_indices = #map}]} {
    %mul3A = arith.constant 640 : i32
    %mul3A_0 = arith.muli %arg1, %mul3A : i32
    %mul3A_1 = arith.constant 10000 : i32
    %mul3A_2 = arith.muli %arg1, %mul3A_1 : i32
    %scan3A = arith.constant 0 : i32
    %scan3A_3 = arith.constant 0 : i32
    %scan3A_4 = arith.constant 80 : i32
    %scan3A_5 = arith.addi %scan3A_3, %scan3A_4 : i32
    %scan3A_6 = arith.constant 1 : i32
    scf.for %scan3A_205 = %scan3A_3 to %scan3A_5 step %scan3A_6  : i32 {
      %broadcast_in_dim3A = arith.constant 0.000000e+00 : f32
      %broadcast_in_dim3A_206 = vector.broadcast %broadcast_in_dim3A : f32 to vector<16xf32>
      %swap3A = arith.constant 0 : i32
      %swap3A_207 = arith.index_cast %swap3A : i32 to index
      %swap3A_208 = arith.index_cast %scan3A_205 : i32 to index
      %swap3A_209 = arith.constant 0 : index
      %swap3A_210 = tpu.vector_load %arg9[%swap3A_207, %swap3A_208, %swap3A_209] {strides = array<i32>} : memref<4x80x128xf32, #tpu.memory_space<vmem>>, vector<16xf32>,
      tpu.vector_store %arg9[%swap3A_207, %swap3A_208, %swap3A_209], %broadcast_in_dim3A_206 {strides = array<i32>} : memref<4x80x128xf32, #tpu.memory_space<vmem>>, vector<16xf32>,
      %broadcast_in_dim3A_211 = arith.constant 0.000000e+00 : f32
      %broadcast_in_dim3A_212 = vector.broadcast %broadcast_in_dim3A_211 : f32 to vector<16xf32>
      %swap3A_213 = arith.constant 0 : i32
      %swap3A_214 = arith.index_cast %swap3A_213 : i32 to index
      %swap3A_215 = arith.index_cast %scan3A_205 : i32 to index
      %swap3A_216 = arith.constant 16 : index
      %swap3A_217 = tpu.vector_load %arg9[%swap3A_214, %swap3A_215, %swap3A_216] {strides = array<i32>} : memref<4x80x128xf32, #tpu.memory_space<vmem>>, vector<16xf32>,
      tpu.vector_store %arg9[%swap3A_214, %swap3A_215, %swap3A_216], %broadcast_in_dim3A_212 {strides = array<i32>} : memref<4x80x128xf32, #tpu.memory_space<vmem>>, vector<16xf32>,
      %broadcast_in_dim3A_218 = arith.constant 0.000000e+00 : f32
      %broadcast_in_dim3A_219 = vector.broadcast %broadcast_in_dim3A_218 : f32 to vector<16xf32>
      %swap3A_220 = arith.constant 0 : i32
      %swap3A_221 = arith.index_cast %swap3A_220 : i32 to index
      %swap3A_222 = arith.index_cast %scan3A_205 : i32 to index
      %swap3A_223 = arith.constant 32 : index
      %swap3A_224 = tpu.vector_load %arg9[%swap3A_221, %swap3A_222, %swap3A_223] {strides = array<i32>} : memref<4x80x128xf32, #tpu.memory_space<vmem>>, vector<16xf32>,
      tpu.vector_store %arg9[%swap3A_221, %swap3A_222, %swap3A_223], %broadcast_in_dim3A_219 {strides = array<i32>} : memref<4x80x128xf32, #tpu.memory_space<vmem>>, vector<16xf32>,
      %broadcast_in_dim3A_225 = arith.constant 0.000000e+00 : f32
      %broadcast_in_dim3A_226 = vector.broadcast %broadcast_in_dim3A_225 : f32 to vector<16xf32>
      %swap3A_227 = arith.constant 0 : i32
      %swap3A_228 = arith.index_cast %swap3A_227 : i32 to index
      %swap3A_229 = arith.index_cast %scan3A_205 : i32 to index
      %swap3A_230 = arith.constant 48 : index
      %swap3A_231 = tpu.vector_load %arg9[%swap3A_228, %swap3A_229, %swap3A_230] {strides = array<i32>} : memref<4x80x128xf32, #tpu.memory_space<vmem>>, vector<16xf32>,
      tpu.vector_store %arg9[%swap3A_228, %swap3A_229, %swap3A_230], %broadcast_in_dim3A_226 {strides = array<i32>} : memref<4x80x128xf32, #tpu.memory_space<vmem>>, vector<16xf32>,
      %broadcast_in_dim3A_232 = arith.constant 0.000000e+00 : f32
      %broadcast_in_dim3A_233 = vector.broadcast %broadcast_in_dim3A_232 : f32 to vector<16xf32>
      %swap3A_234 = arith.constant 0 : i32
      %swap3A_235 = arith.index_cast %swap3A_234 : i32 to index
      %swap3A_236 = arith.index_cast %scan3A_205 : i32 to index
      %swap3A_237 = arith.constant 64 : index
      %swap3A_238 = tpu.vector_load %arg9[%swap3A_235, %swap3A_236, %swap3A_237] {strides = array<i32>} : memref<4x80x128xf32, #tpu.memory_space<vmem>>, vector<16xf32>,
      tpu.vector_store %arg9[%swap3A_235, %swap3A_236, %swap3A_237], %broadcast_in_dim3A_233 {strides = array<i32>} : memref<4x80x128xf32, #tpu.memory_space<vmem>>, vector<16xf32>,
      %broadcast_in_dim3A_239 = arith.constant 0.000000e+00 : f32
      %broadcast_in_dim3A_240 = vector.broadcast %broadcast_in_dim3A_239 : f32 to vector<16xf32>
      %swap3A_241 = arith.constant 0 : i32
      %swap3A_242 = arith.index_cast %swap3A_241 : i32 to index
      %swap3A_243 = arith.index_cast %scan3A_205 : i32 to index
      %swap3A_244 = arith.constant 80 : index
      %swap3A_245 = tpu.vector_load %arg9[%swap3A_242, %swap3A_243, %swap3A_244] {strides = array<i32>} : memref<4x80x128xf32, #tpu.memory_space<vmem>>, vector<16xf32>,
      tpu.vector_store %arg9[%swap3A_242, %swap3A_243, %swap3A_244], %broadcast_in_dim3A_240 {strides = array<i32>} : memref<4x80x128xf32, #tpu.memory_space<vmem>>, vector<16xf32>,
      %broadcast_in_dim3A_246 = arith.constant 0.000000e+00 : f32
      %broadcast_in_dim3A_247 = vector.broadcast %broadcast_in_dim3A_246 : f32 to vector<16xf32>
      %swap3A_248 = arith.constant 0 : i32
      %swap3A_249 = arith.index_cast %swap3A_248 : i32 to index
      %swap3A_250 = arith.index_cast %scan3A_205 : i32 to index
      %swap3A_251 = arith.constant 96 : index
      %swap3A_252 = tpu.vector_load %arg9[%swap3A_249, %swap3A_250, %swap3A_251] {strides = array<i32>} : memref<4x80x128xf32, #tpu.memory_space<vmem>>, vector<16xf32>,
      tpu.vector_store %arg9[%swap3A_249, %swap3A_250, %swap3A_251], %broadcast_in_dim3A_247 {strides = array<i32>} : memref<4x80x128xf32, #tpu.memory_space<vmem>>, vector<16xf32>,
      %broadcast_in_dim3A_253 = arith.constant 0.000000e+00 : f32
      %broadcast_in_dim3A_254 = vector.broadcast %broadcast_in_dim3A_253 : f32 to vector<16xf32>
      %swap3A_255 = arith.constant 0 : i32
      %swap3A_256 = arith.index_cast %swap3A_255 : i32 to index
      %swap3A_257 = arith.index_cast %scan3A_205 : i32 to index
      %swap3A_258 = arith.constant 112 : index
      %swap3A_259 = tpu.vector_load %arg9[%swap3A_256, %swap3A_257, %swap3A_258] {strides = array<i32>} : memref<4x80x128xf32, #tpu.memory_space<vmem>>, vector<16xf32>,
      tpu.vector_store %arg9[%swap3A_256, %swap3A_257, %swap3A_258], %broadcast_in_dim3A_254 {strides = array<i32>} : memref<4x80x128xf32, #tpu.memory_space<vmem>>, vector<16xf32>,
    }
    %scan3A_7 = arith.constant 80 : i32
    %add3A = arith.constant 0 : i32
    %add3A_8 = arith.addi %mul3A_0, %add3A : i32
    %run_scoped3A = arith.constant 0 : i32
    "tpu.region"() ({
      %run_scoped3A_205 = tpu.sem_alloc : memref<!tpu.dma_semaphore, #tpu.memory_space<semaphore_mem>>
      %dma_start3A_206 = arith.constant 0 : i32
      %dma_start3A_207 = arith.constant 0 : i32
      %dma_start3A_208 = tpu.memref_slice %arg9[%run_scoped3A, %dma_start3A_206, %dma_start3A_207] : memref<4x80x128xf32, #tpu.memory_space<vmem>> -> memref<1x80x128xf32, #tpu.memory_space<vmem>>
      %dma_start3A_209 = tpu.memref_squeeze %dma_start3A_208 : memref<1x80x128xf32, #tpu.memory_space<vmem>> -> memref<80x128xf32, #tpu.memory_space<vmem>>
      %dma_start3A_210 = arith.constant 0 : i32
      %dma_start3A_211 = tpu.memref_slice %arg10[%add3A_8, %dma_start3A_210] : memref<10240x128xf32, #tpu.memory_space<vmem_shared>> -> memref<80x128xf32, #tpu.memory_space<vmem_shared>>
      %dma_start3A_212 = arith.constant 0 : i32
      %dma_start3A_213 = tpu.memref_slice %arg10[%add3A_8, %dma_start3A_212] : memref<10240x128xf32, #tpu.memory_space<vmem_shared>> -> memref<80x128xf32, #tpu.memory_space<vmem_shared>>
      %dma_start3A_214 = arith.constant 0 : i32
      %dma_start3A_215 = arith.constant 0 : i32
      %dma_start3A_216 = tpu.memref_slice %arg9[%run_scoped3A, %dma_start3A_214, %dma_start3A_215] : memref<4x80x128xf32, #tpu.memory_space<vmem>> -> memref<1x80x128xf32, #tpu.memory_space<vmem>>
      %dma_start3A_217 = tpu.memref_squeeze %dma_start3A_216 : memref<1x80x128xf32, #tpu.memory_space<vmem>> -> memref<80x128xf32, #tpu.memory_space<vmem>>
      tpu.enqueue_dma source(%dma_start3A_217 : memref<80x128xf32, #tpu.memory_space<vmem>>) target(%dma_start3A_213 : memref<80x128xf32, #tpu.memory_space<vmem_shared>>) target_semaphore(%run_scoped3A_205 : memref<!tpu.dma_semaphore, #tpu.memory_space<semaphore_mem>>)
      %dma_wait3A_218 = arith.constant 0 : i32
      %dma_wait3A_219 = arith.constant 0 : i32
      %dma_wait3A_220 = tpu.memref_slice %arg9[%run_scoped3A, %dma_wait3A_218, %dma_wait3A_219] : memref<4x80x128xf32, #tpu.memory_space<vmem>> -> memref<1x80x128xf32, #tpu.memory_space<vmem>>
      %dma_wait3A_221 = tpu.memref_squeeze %dma_wait3A_220 : memref<1x80x128xf32, #tpu.memory_space<vmem>> -> memref<80x128xf32, #tpu.memory_space<vmem>>
      %dma_wait3A_222 = arith.constant 0 : i32
      %dma_wait3A_223 = tpu.memref_slice %arg10[%add3A_8, %dma_wait3A_222] : memref<10240x128xf32, #tpu.memory_space<vmem_shared>> -> memref<80x128xf32, #tpu.memory_space<vmem_shared>>
      %dma_wait3A_224 = arith.constant 0 : i32
      %dma_wait3A_225 = tpu.memref_slice %arg10[%add3A_8, %dma_wait3A_224] : memref<10240x128xf32, #tpu.memory_space<vmem_shared>> -> memref<80x128xf32, #tpu.memory_space<vmem_shared>>
      %dma_wait3A_226 = arith.constant 0 : i32
      %dma_wait3A_227 = arith.constant 0 : i32
      %dma_wait3A_228 = tpu.memref_slice %arg9[%run_scoped3A, %dma_wait3A_226, %dma_wait3A_227] : memref<4x80x128xf32, #tpu.memory_space<vmem>> -> memref<1x80x128xf32, #tpu.memory_space<vmem>>
      %dma_wait3A_229 = tpu.memref_squeeze %dma_wait3A_228 : memref<1x80x128xf32, #tpu.memory_space<vmem>> -> memref<80x128xf32, #tpu.memory_space<vmem>>
      tpu.wait_dma2 semaphore(%run_scoped3A_205 : memref<!tpu.dma_semaphore, #tpu.memory_space<semaphore_mem>>) src(%dma_wait3A_229 : memref<80x128xf32, #tpu.memory_space<vmem>>) dst(%dma_wait3A_225 : memref<80x128xf32, #tpu.memory_space<vmem_shared>>)
      tpu.yield
    }) : () -> ()
    %add3A_9 = arith.constant 80 : i32
    %add3A_10 = arith.addi %mul3A_0, %add3A_9 : i32
    %run_scoped3A_11 = arith.constant 0 : i32
    "tpu.region"() ({
      %run_scoped3A_205 = tpu.sem_alloc : memref<!tpu.dma_semaphore, #tpu.memory_space<semaphore_mem>>
      %dma_start3A_206 = arith.constant 0 : i32
      %dma_start3A_207 = arith.constant 0 : i32
      %dma_start3A_208 = tpu.memref_slice %arg9[%run_scoped3A_11, %dma_start3A_206, %dma_start3A_207] : memref<4x80x128xf32, #tpu.memory_space<vmem>> -> memref<1x80x128xf32, #tpu.memory_space<vmem>>
      %dma_start3A_209 = tpu.memref_squeeze %dma_start3A_208 : memref<1x80x128xf32, #tpu.memory_space<vmem>> -> memref<80x128xf32, #tpu.memory_space<vmem>>
      %dma_start3A_210 = arith.constant 0 : i32
      %dma_start3A_211 = tpu.memref_slice %arg10[%add3A_10, %dma_start3A_210] : memref<10240x128xf32, #tpu.memory_space<vmem_shared>> -> memref<80x128xf32, #tpu.memory_space<vmem_shared>>
      %dma_start3A_212 = arith.constant 0 : i32
      %dma_start3A_213 = tpu.memref_slice %arg10[%add3A_10, %dma_start3A_212] : memref<10240x128xf32, #tpu.memory_space<vmem_shared>> -> memref<80x128xf32, #tpu.memory_space<vmem_shared>>
      %dma_start3A_214 = arith.constant 0 : i32
      %dma_start3A_215 = arith.constant 0 : i32
      %dma_start3A_216 = tpu.memref_slice %arg9[%run_scoped3A_11, %dma_start3A_214, %dma_start3A_215] : memref<4x80x128xf32, #tpu.memory_space<vmem>> -> memref<1x80x128xf32, #tpu.memory_space<vmem>>
      %dma_start3A_217 = tpu.memref_squeeze %dma_start3A_216 : memref<1x80x128xf32, #tpu.memory_space<vmem>> -> memref<80x128xf32, #tpu.memory_space<vmem>>
      tpu.enqueue_dma source(%dma_start3A_217 : memref<80x128xf32, #tpu.memory_space<vmem>>) target(%dma_start3A_213 : memref<80x128xf32, #tpu.memory_space<vmem_shared>>) target_semaphore(%run_scoped3A_205 : memref<!tpu.dma_semaphore, #tpu.memory_space<semaphore_mem>>)
      %dma_wait3A_218 = arith.constant 0 : i32
      %dma_wait3A_219 = arith.constant 0 : i32
      %dma_wait3A_220 = tpu.memref_slice %arg9[%run_scoped3A_11, %dma_wait3A_218, %dma_wait3A_219] : memref<4x80x128xf32, #tpu.memory_space<vmem>> -> memref<1x80x128xf32, #tpu.memory_space<vmem>>
      %dma_wait3A_221 = tpu.memref_squeeze %dma_wait3A_220 : memref<1x80x128xf32, #tpu.memory_space<vmem>> -> memref<80x128xf32, #tpu.memory_space<vmem>>
      %dma_wait3A_222 = arith.constant 0 : i32
      %dma_wait3A_223 = tpu.memref_slice %arg10[%add3A_10, %dma_wait3A_222] : memref<10240x128xf32, #tpu.memory_space<vmem_shared>> -> memref<80x128xf32, #tpu.memory_space<vmem_shared>>
      %dma_wait3A_224 = arith.constant 0 : i32
      %dma_wait3A_225 = tpu.memref_slice %arg10[%add3A_10, %dma_wait3A_224] : memref<10240x128xf32, #tpu.memory_space<vmem_shared>> -> memref<80x128xf32, #tpu.memory_space<vmem_shared>>
      %dma_wait3A_226 = arith.constant 0 : i32
      %dma_wait3A_227 = arith.constant 0 : i32
      %dma_wait3A_228 = tpu.memref_slice %arg9[%run_scoped3A_11, %dma_wait3A_226, %dma_wait3A_227] : memref<4x80x128xf32, #tpu.memory_space<vmem>> -> memref<1x80x128xf32, #tpu.memory_space<vmem>>
      %dma_wait3A_229 = tpu.memref_squeeze %dma_wait3A_228 : memref<1x80x128xf32, #tpu.memory_space<vmem>> -> memref<80x128xf32, #tpu.memory_space<vmem>>
      tpu.wait_dma2 semaphore(%run_scoped3A_205 : memref<!tpu.dma_semaphore, #tpu.memory_space<semaphore_mem>>) src(%dma_wait3A_229 : memref<80x128xf32, #tpu.memory_space<vmem>>) dst(%dma_wait3A_225 : memref<80x128xf32, #tpu.memory_space<vmem_shared>>)
      tpu.yield
    }) : () -> ()
    %add3A_12 = arith.constant 160 : i32
    %add3A_13 = arith.addi %mul3A_0, %add3A_12 : i32
    %run_scoped3A_14 = arith.constant 0 : i32
    "tpu.region"() ({
      %run_scoped3A_205 = tpu.sem_alloc : memref<!tpu.dma_semaphore, #tpu.memory_space<semaphore_mem>>
      %dma_start3A_206 = arith.constant 0 : i32
      %dma_start3A_207 = arith.constant 0 : i32
      %dma_start3A_208 = tpu.memref_slice %arg9[%run_scoped3A_14, %dma_start3A_206, %dma_start3A_207] : memref<4x80x128xf32, #tpu.memory_space<vmem>> -> memref<1x80x128xf32, #tpu.memory_space<vmem>>
      %dma_start3A_209 = tpu.memref_squeeze %dma_start3A_208 : memref<1x80x128xf32, #tpu.memory_space<vmem>> -> memref<80x128xf32, #tpu.memory_space<vmem>>
      %dma_start3A_210 = arith.constant 0 : i32
      %dma_start3A_211 = tpu.memref_slice %arg10[%add3A_13, %dma_start3A_210] : memref<10240x128xf32, #tpu.memory_space<vmem_shared>> -> memref<80x128xf32, #tpu.memory_space<vmem_shared>>
      %dma_start3A_212 = arith.constant 0 : i32
      %dma_start3A_213 = tpu.memref_slice %arg10[%add3A_13, %dma_start3A_212] : memref<10240x128xf32, #tpu.memory_space<vmem_shared>> -> memref<80x128xf32, #tpu.memory_space<vmem_shared>>
      %dma_start3A_214 = arith.constant 0 : i32
      %dma_start3A_215 = arith.constant 0 : i32
      %dma_start3A_216 = tpu.memref_slice %arg9[%run_scoped3A_14, %dma_start3A_214, %dma_start3A_215] : memref<4x80x128xf32, #tpu.memory_space<vmem>> -> memref<1x80x128xf32, #tpu.memory_space<vmem>>
      %dma_start3A_217 = tpu.memref_squeeze %dma_start3A_216 : memref<1x80x128xf32, #tpu.memory_space<vmem>> -> memref<80x128xf32, #tpu.memory_space<vmem>>
      tpu.enqueue_dma source(%dma_start3A_217 : memref<80x128xf32, #tpu.memory_space<vmem>>) target(%dma_start3A_213 : memref<80x128xf32, #tpu.memory_space<vmem_shared>>) target_semaphore(%run_scoped3A_205 : memref<!tpu.dma_semaphore, #tpu.memory_space<semaphore_mem>>)
      %dma_wait3A_218 = arith.constant 0 : i32
      %dma_wait3A_219 = arith.constant 0 : i32
      %dma_wait3A_220 = tpu.memref_slice %arg9[%run_scoped3A_14, %dma_wait3A_218, %dma_wait3A_219] : memref<4x80x128xf32, #tpu.memory_space<vmem>> -> memref<1x80x128xf32, #tpu.memory_space<vmem>>
      %dma_wait3A_221 = tpu.memref_squeeze %dma_wait3A_220 : memref<1x80x128xf32, #tpu.memory_space<vmem>> -> memref<80x128xf32, #tpu.memory_space<vmem>>
      %dma_wait3A_222 = arith.constant 0 : i32
      %dma_wait3A_223 = tpu.memref_slice %arg10[%add3A_13, %dma_wait3A_222] : memref<10240x128xf32, #tpu.memory_space<vmem_shared>> -> memref<80x128xf32, #tpu.memory_space<vmem_shared>>
      %dma_wait3A_224 = arith.constant 0 : i32
      %dma_wait3A_225 = tpu.memref_slice %arg10[%add3A_13, %dma_wait3A_224] : memref<10240x128xf32, #tpu.memory_space<vmem_shared>> -> memref<80x128xf32, #tpu.memory_space<vmem_shared>>
      %dma_wait3A_226 = arith.constant 0 : i32
      %dma_wait3A_227 = arith.constant 0 : i32
      %dma_wait3A_228 = tpu.memref_slice %arg9[%run_scoped3A_14, %dma_wait3A_226, %dma_wait3A_227] : memref<4x80x128xf32, #tpu.memory_space<vmem>> -> memref<1x80x128xf32, #tpu.memory_space<vmem>>
      %dma_wait3A_229 = tpu.memref_squeeze %dma_wait3A_228 : memref<1x80x128xf32, #tpu.memory_space<vmem>> -> memref<80x128xf32, #tpu.memory_space<vmem>>
      tpu.wait_dma2 semaphore(%run_scoped3A_205 : memref<!tpu.dma_semaphore, #tpu.memory_space<semaphore_mem>>) src(%dma_wait3A_229 : memref<80x128xf32, #tpu.memory_space<vmem>>) dst(%dma_wait3A_225 : memref<80x128xf32, #tpu.memory_space<vmem_shared>>)
      tpu.yield
    }) : () -> ()
    %add3A_15 = arith.constant 240 : i32
    %add3A_16 = arith.addi %mul3A_0, %add3A_15 : i32
    %run_scoped3A_17 = arith.constant 0 : i32
    "tpu.region"() ({
      %run_scoped3A_205 = tpu.sem_alloc : memref<!tpu.dma_semaphore, #tpu.memory_space<semaphore_mem>>
      %dma_start3A_206 = arith.constant 0 : i32
      %dma_start3A_207 = arith.constant 0 : i32
      %dma_start3A_208 = tpu.memref_slice %arg9[%run_scoped3A_17, %dma_start3A_206, %dma_start3A_207] : memref<4x80x128xf32, #tpu.memory_space<vmem>> -> memref<1x80x128xf32, #tpu.memory_space<vmem>>
      %dma_start3A_209 = tpu.memref_squeeze %dma_start3A_208 : memref<1x80x128xf32, #tpu.memory_space<vmem>> -> memref<80x128xf32, #tpu.memory_space<vmem>>
      %dma_start3A_210 = arith.constant 0 : i32
      %dma_start3A_211 = tpu.memref_slice %arg10[%add3A_16, %dma_start3A_210] : memref<10240x128xf32, #tpu.memory_space<vmem_shared>> -> memref<80x128xf32, #tpu.memory_space<vmem_shared>>
      %dma_start3A_212 = arith.constant 0 : i32
      %dma_start3A_213 = tpu.memref_slice %arg10[%add3A_16, %dma_start3A_212] : memref<10240x128xf32, #tpu.memory_space<vmem_shared>> -> memref<80x128xf32, #tpu.memory_space<vmem_shared>>
      %dma_start3A_214 = arith.constant 0 : i32
      %dma_start3A_215 = arith.constant 0 : i32
      %dma_start3A_216 = tpu.memref_slice %arg9[%run_scoped3A_17, %dma_start3A_214, %dma_start3A_215] : memref<4x80x128xf32, #tpu.memory_space<vmem>> -> memref<1x80x128xf32, #tpu.memory_space<vmem>>
      %dma_start3A_217 = tpu.memref_squeeze %dma_start3A_216 : memref<1x80x128xf32, #tpu.memory_space<vmem>> -> memref<80x128xf32, #tpu.memory_space<vmem>>
      tpu.enqueue_dma source(%dma_start3A_217 : memref<80x128xf32, #tpu.memory_space<vmem>>) target(%dma_start3A_213 : memref<80x128xf32, #tpu.memory_space<vmem_shared>>) target_semaphore(%run_scoped3A_205 : memref<!tpu.dma_semaphore, #tpu.memory_space<semaphore_mem>>)
      %dma_wait3A_218 = arith.constant 0 : i32
      %dma_wait3A_219 = arith.constant 0 : i32
      %dma_wait3A_220 = tpu.memref_slice %arg9[%run_scoped3A_17, %dma_wait3A_218, %dma_wait3A_219] : memref<4x80x128xf32, #tpu.memory_space<vmem>> -> memref<1x80x128xf32, #tpu.memory_space<vmem>>
      %dma_wait3A_221 = tpu.memref_squeeze %dma_wait3A_220 : memref<1x80x128xf32, #tpu.memory_space<vmem>> -> memref<80x128xf32, #tpu.memory_space<vmem>>
      %dma_wait3A_222 = arith.constant 0 : i32
      %dma_wait3A_223 = tpu.memref_slice %arg10[%add3A_16, %dma_wait3A_222] : memref<10240x128xf32, #tpu.memory_space<vmem_shared>> -> memref<80x128xf32, #tpu.memory_space<vmem_shared>>
      %dma_wait3A_224 = arith.constant 0 : i32
      %dma_wait3A_225 = tpu.memref_slice %arg10[%add3A_16, %dma_wait3A_224] : memref<10240x128xf32, #tpu.memory_space<vmem_shared>> -> memref<80x128xf32, #tpu.memory_space<vmem_shared>>
      %dma_wait3A_226 = arith.constant 0 : i32
      %dma_wait3A_227 = arith.constant 0 : i32
      %dma_wait3A_228 = tpu.memref_slice %arg9[%run_scoped3A_17, %dma_wait3A_226, %dma_wait3A_227] : memref<4x80x128xf32, #tpu.memory_space<vmem>> -> memref<1x80x128xf32, #tpu.memory_space<vmem>>
      %dma_wait3A_229 = tpu.memref_squeeze %dma_wait3A_228 : memref<1x80x128xf32, #tpu.memory_space<vmem>> -> memref<80x128xf32, #tpu.memory_space<vmem>>
      tpu.wait_dma2 semaphore(%run_scoped3A_205 : memref<!tpu.dma_semaphore, #tpu.memory_space<semaphore_mem>>) src(%dma_wait3A_229 : memref<80x128xf32, #tpu.memory_space<vmem>>) dst(%dma_wait3A_225 : memref<80x128xf32, #tpu.memory_space<vmem_shared>>)
      tpu.yield
    }) : () -> ()
    %add3A_18 = arith.constant 320 : i32
    %add3A_19 = arith.addi %mul3A_0, %add3A_18 : i32
    %run_scoped3A_20 = arith.constant 0 : i32
    "tpu.region"() ({
      %run_scoped3A_205 = tpu.sem_alloc : memref<!tpu.dma_semaphore, #tpu.memory_space<semaphore_mem>>
      %dma_start3A_206 = arith.constant 0 : i32
      %dma_start3A_207 = arith.constant 0 : i32
      %dma_start3A_208 = tpu.memref_slice %arg9[%run_scoped3A_20, %dma_start3A_206, %dma_start3A_207] : memref<4x80x128xf32, #tpu.memory_space<vmem>> -> memref<1x80x128xf32, #tpu.memory_space<vmem>>
      %dma_start3A_209 = tpu.memref_squeeze %dma_start3A_208 : memref<1x80x128xf32, #tpu.memory_space<vmem>> -> memref<80x128xf32, #tpu.memory_space<vmem>>
      %dma_start3A_210 = arith.constant 0 : i32
      %dma_start3A_211 = tpu.memref_slice %arg10[%add3A_19, %dma_start3A_210] : memref<10240x128xf32, #tpu.memory_space<vmem_shared>> -> memref<80x128xf32, #tpu.memory_space<vmem_shared>>
      %dma_start3A_212 = arith.constant 0 : i32
      %dma_start3A_213 = tpu.memref_slice %arg10[%add3A_19, %dma_start3A_212] : memref<10240x128xf32, #tpu.memory_space<vmem_shared>> -> memref<80x128xf32, #tpu.memory_space<vmem_shared>>
      %dma_start3A_214 = arith.constant 0 : i32
      %dma_start3A_215 = arith.constant 0 : i32
      %dma_start3A_216 = tpu.memref_slice %arg9[%run_scoped3A_20, %dma_start3A_214, %dma_start3A_215] : memref<4x80x128xf32, #tpu.memory_space<vmem>> -> memref<1x80x128xf32, #tpu.memory_space<vmem>>
      %dma_start3A_217 = tpu.memref_squeeze %dma_start3A_216 : memref<1x80x128xf32, #tpu.memory_space<vmem>> -> memref<80x128xf32, #tpu.memory_space<vmem>>
      tpu.enqueue_dma source(%dma_start3A_217 : memref<80x128xf32, #tpu.memory_space<vmem>>) target(%dma_start3A_213 : memref<80x128xf32, #tpu.memory_space<vmem_shared>>) target_semaphore(%run_scoped3A_205 : memref<!tpu.dma_semaphore, #tpu.memory_space<semaphore_mem>>)
      %dma_wait3A_218 = arith.constant 0 : i32
      %dma_wait3A_219 = arith.constant 0 : i32
      %dma_wait3A_220 = tpu.memref_slice %arg9[%run_scoped3A_20, %dma_wait3A_218, %dma_wait3A_219] : memref<4x80x128xf32, #tpu.memory_space<vmem>> -> memref<1x80x128xf32, #tpu.memory_space<vmem>>
      %dma_wait3A_221 = tpu.memref_squeeze %dma_wait3A_220 : memref<1x80x128xf32, #tpu.memory_space<vmem>> -> memref<80x128xf32, #tpu.memory_space<vmem>>
      %dma_wait3A_222 = arith.constant 0 : i32
      %dma_wait3A_223 = tpu.memref_slice %arg10[%add3A_19, %dma_wait3A_222] : memref<10240x128xf32, #tpu.memory_space<vmem_shared>> -> memref<80x128xf32, #tpu.memory_space<vmem_shared>>
      %dma_wait3A_224 = arith.constant 0 : i32
      %dma_wait3A_225 = tpu.memref_slice %arg10[%add3A_19, %dma_wait3A_224] : memref<10240x128xf32, #tpu.memory_space<vmem_shared>> -> memref<80x128xf32, #tpu.memory_space<vmem_shared>>
      %dma_wait3A_226 = arith.constant 0 : i32
      %dma_wait3A_227 = arith.constant 0 : i32
      %dma_wait3A_228 = tpu.memref_slice %arg9[%run_scoped3A_20, %dma_wait3A_226, %dma_wait3A_227] : memref<4x80x128xf32, #tpu.memory_space<vmem>> -> memref<1x80x128xf32, #tpu.memory_space<vmem>>
      %dma_wait3A_229 = tpu.memref_squeeze %dma_wait3A_228 : memref<1x80x128xf32, #tpu.memory_space<vmem>> -> memref<80x128xf32, #tpu.memory_space<vmem>>
      tpu.wait_dma2 semaphore(%run_scoped3A_205 : memref<!tpu.dma_semaphore, #tpu.memory_space<semaphore_mem>>) src(%dma_wait3A_229 : memref<80x128xf32, #tpu.memory_space<vmem>>) dst(%dma_wait3A_225 : memref<80x128xf32, #tpu.memory_space<vmem_shared>>)
      tpu.yield
    }) : () -> ()
    %add3A_21 = arith.constant 400 : i32
    %add3A_22 = arith.addi %mul3A_0, %add3A_21 : i32
    %run_scoped3A_23 = arith.constant 0 : i32
    "tpu.region"() ({
      %run_scoped3A_205 = tpu.sem_alloc : memref<!tpu.dma_semaphore, #tpu.memory_space<semaphore_mem>>
      %dma_start3A_206 = arith.constant 0 : i32
      %dma_start3A_207 = arith.constant 0 : i32
      %dma_start3A_208 = tpu.memref_slice %arg9[%run_scoped3A_23, %dma_start3A_206, %dma_start3A_207] : memref<4x80x128xf32, #tpu.memory_space<vmem>> -> memref<1x80x128xf32, #tpu.memory_space<vmem>>
      %dma_start3A_209 = tpu.memref_squeeze %dma_start3A_208 : memref<1x80x128xf32, #tpu.memory_space<vmem>> -> memref<80x128xf32, #tpu.memory_space<vmem>>
      %dma_start3A_210 = arith.constant 0 : i32
      %dma_start3A_211 = tpu.memref_slice %arg10[%add3A_22, %dma_start3A_210] : memref<10240x128xf32, #tpu.memory_space<vmem_shared>> -> memref<80x128xf32, #tpu.memory_space<vmem_shared>>
      %dma_start3A_212 = arith.constant 0 : i32
      %dma_start3A_213 = tpu.memref_slice %arg10[%add3A_22, %dma_start3A_212] : memref<10240x128xf32, #tpu.memory_space<vmem_shared>> -> memref<80x128xf32, #tpu.memory_space<vmem_shared>>
      %dma_start3A_214 = arith.constant 0 : i32
      %dma_start3A_215 = arith.constant 0 : i32
      %dma_start3A_216 = tpu.memref_slice %arg9[%run_scoped3A_23, %dma_start3A_214, %dma_start3A_215] : memref<4x80x128xf32, #tpu.memory_space<vmem>> -> memref<1x80x128xf32, #tpu.memory_space<vmem>>
      %dma_start3A_217 = tpu.memref_squeeze %dma_start3A_216 : memref<1x80x128xf32, #tpu.memory_space<vmem>> -> memref<80x128xf32, #tpu.memory_space<vmem>>
      tpu.enqueue_dma source(%dma_start3A_217 : memref<80x128xf32, #tpu.memory_space<vmem>>) target(%dma_start3A_213 : memref<80x128xf32, #tpu.memory_space<vmem_shared>>) target_semaphore(%run_scoped3A_205 : memref<!tpu.dma_semaphore, #tpu.memory_space<semaphore_mem>>)
      %dma_wait3A_218 = arith.constant 0 : i32
      %dma_wait3A_219 = arith.constant 0 : i32
      %dma_wait3A_220 = tpu.memref_slice %arg9[%run_scoped3A_23, %dma_wait3A_218, %dma_wait3A_219] : memref<4x80x128xf32, #tpu.memory_space<vmem>> -> memref<1x80x128xf32, #tpu.memory_space<vmem>>
      %dma_wait3A_221 = tpu.memref_squeeze %dma_wait3A_220 : memref<1x80x128xf32, #tpu.memory_space<vmem>> -> memref<80x128xf32, #tpu.memory_space<vmem>>
      %dma_wait3A_222 = arith.constant 0 : i32
      %dma_wait3A_223 = tpu.memref_slice %arg10[%add3A_22, %dma_wait3A_222] : memref<10240x128xf32, #tpu.memory_space<vmem_shared>> -> memref<80x128xf32, #tpu.memory_space<vmem_shared>>
      %dma_wait3A_224 = arith.constant 0 : i32
      %dma_wait3A_225 = tpu.memref_slice %arg10[%add3A_22, %dma_wait3A_224] : memref<10240x128xf32, #tpu.memory_space<vmem_shared>> -> memref<80x128xf32, #tpu.memory_space<vmem_shared>>
      %dma_wait3A_226 = arith.constant 0 : i32
      %dma_wait3A_227 = arith.constant 0 : i32
      %dma_wait3A_228 = tpu.memref_slice %arg9[%run_scoped3A_23, %dma_wait3A_226, %dma_wait3A_227] : memref<4x80x128xf32, #tpu.memory_space<vmem>> -> memref<1x80x128xf32, #tpu.memory_space<vmem>>
      %dma_wait3A_229 = tpu.memref_squeeze %dma_wait3A_228 : memref<1x80x128xf32, #tpu.memory_space<vmem>> -> memref<80x128xf32, #tpu.memory_space<vmem>>
      tpu.wait_dma2 semaphore(%run_scoped3A_205 : memref<!tpu.dma_semaphore, #tpu.memory_space<semaphore_mem>>) src(%dma_wait3A_229 : memref<80x128xf32, #tpu.memory_space<vmem>>) dst(%dma_wait3A_225 : memref<80x128xf32, #tpu.memory_space<vmem_shared>>)
      tpu.yield
    }) : () -> ()
    %add3A_24 = arith.constant 480 : i32
    %add3A_25 = arith.addi %mul3A_0, %add3A_24 : i32
    %run_scoped3A_26 = arith.constant 0 : i32
    "tpu.region"() ({
      %run_scoped3A_205 = tpu.sem_alloc : memref<!tpu.dma_semaphore, #tpu.memory_space<semaphore_mem>>
      %dma_start3A_206 = arith.constant 0 : i32
      %dma_start3A_207 = arith.constant 0 : i32
      %dma_start3A_208 = tpu.memref_slice %arg9[%run_scoped3A_26, %dma_start3A_206, %dma_start3A_207] : memref<4x80x128xf32, #tpu.memory_space<vmem>> -> memref<1x80x128xf32, #tpu.memory_space<vmem>>
      %dma_start3A_209 = tpu.memref_squeeze %dma_start3A_208 : memref<1x80x128xf32, #tpu.memory_space<vmem>> -> memref<80x128xf32, #tpu.memory_space<vmem>>
      %dma_start3A_210 = arith.constant 0 : i32
      %dma_start3A_211 = tpu.memref_slice %arg10[%add3A_25, %dma_start3A_210] : memref<10240x128xf32, #tpu.memory_space<vmem_shared>> -> memref<80x128xf32, #tpu.memory_space<vmem_shared>>
      %dma_start3A_212 = arith.constant 0 : i32
      %dma_start3A_213 = tpu.memref_slice %arg10[%add3A_25, %dma_start3A_212] : memref<10240x128xf32, #tpu.memory_space<vmem_shared>> -> memref<80x128xf32, #tpu.memory_space<vmem_shared>>
      %dma_start3A_214 = arith.constant 0 : i32
      %dma_start3A_215 = arith.constant 0 : i32
      %dma_start3A_216 = tpu.memref_slice %arg9[%run_scoped3A_26, %dma_start3A_214, %dma_start3A_215] : memref<4x80x128xf32, #tpu.memory_space<vmem>> -> memref<1x80x128xf32, #tpu.memory_space<vmem>>
      %dma_start3A_217 = tpu.memref_squeeze %dma_start3A_216 : memref<1x80x128xf32, #tpu.memory_space<vmem>> -> memref<80x128xf32, #tpu.memory_space<vmem>>
      tpu.enqueue_dma source(%dma_start3A_217 : memref<80x128xf32, #tpu.memory_space<vmem>>) target(%dma_start3A_213 : memref<80x128xf32, #tpu.memory_space<vmem_shared>>) target_semaphore(%run_scoped3A_205 : memref<!tpu.dma_semaphore, #tpu.memory_space<semaphore_mem>>)
      %dma_wait3A_218 = arith.constant 0 : i32
      %dma_wait3A_219 = arith.constant 0 : i32
      %dma_wait3A_220 = tpu.memref_slice %arg9[%run_scoped3A_26, %dma_wait3A_218, %dma_wait3A_219] : memref<4x80x128xf32, #tpu.memory_space<vmem>> -> memref<1x80x128xf32, #tpu.memory_space<vmem>>
      %dma_wait3A_221 = tpu.memref_squeeze %dma_wait3A_220 : memref<1x80x128xf32, #tpu.memory_space<vmem>> -> memref<80x128xf32, #tpu.memory_space<vmem>>
      %dma_wait3A_222 = arith.constant 0 : i32
      %dma_wait3A_223 = tpu.memref_slice %arg10[%add3A_25, %dma_wait3A_222] : memref<10240x128xf32, #tpu.memory_space<vmem_shared>> -> memref<80x128xf32, #tpu.memory_space<vmem_shared>>
      %dma_wait3A_224 = arith.constant 0 : i32
      %dma_wait3A_225 = tpu.memref_slice %arg10[%add3A_25, %dma_wait3A_224] : memref<10240x128xf32, #tpu.memory_space<vmem_shared>> -> memref<80x128xf32, #tpu.memory_space<vmem_shared>>
      %dma_wait3A_226 = arith.constant 0 : i32
      %dma_wait3A_227 = arith.constant 0 : i32
      %dma_wait3A_228 = tpu.memref_slice %arg9[%run_scoped3A_26, %dma_wait3A_226, %dma_wait3A_227] : memref<4x80x128xf32, #tpu.memory_space<vmem>> -> memref<1x80x128xf32, #tpu.memory_space<vmem>>
      %dma_wait3A_229 = tpu.memref_squeeze %dma_wait3A_228 : memref<1x80x128xf32, #tpu.memory_space<vmem>> -> memref<80x128xf32, #tpu.memory_space<vmem>>
      tpu.wait_dma2 semaphore(%run_scoped3A_205 : memref<!tpu.dma_semaphore, #tpu.memory_space<semaphore_mem>>) src(%dma_wait3A_229 : memref<80x128xf32, #tpu.memory_space<vmem>>) dst(%dma_wait3A_225 : memref<80x128xf32, #tpu.memory_space<vmem_shared>>)
      tpu.yield
    }) : () -> ()
    %add3A_27 = arith.constant 560 : i32
    %add3A_28 = arith.addi %mul3A_0, %add3A_27 : i32
    %run_scoped3A_29 = arith.constant 0 : i32
    "tpu.region"() ({
      %run_scoped3A_205 = tpu.sem_alloc : memref<!tpu.dma_semaphore, #tpu.memory_space<semaphore_mem>>
      %dma_start3A_206 = arith.constant 0 : i32
      %dma_start3A_207 = arith.constant 0 : i32
      %dma_start3A_208 = tpu.memref_slice %arg9[%run_scoped3A_29, %dma_start3A_206, %dma_start3A_207] : memref<4x80x128xf32, #tpu.memory_space<vmem>> -> memref<1x80x128xf32, #tpu.memory_space<vmem>>
      %dma_start3A_209 = tpu.memref_squeeze %dma_start3A_208 : memref<1x80x128xf32, #tpu.memory_space<vmem>> -> memref<80x128xf32, #tpu.memory_space<vmem>>
      %dma_start3A_210 = arith.constant 0 : i32
      %dma_start3A_211 = tpu.memref_slice %arg10[%add3A_28, %dma_start3A_210] : memref<10240x128xf32, #tpu.memory_space<vmem_shared>> -> memref<80x128xf32, #tpu.memory_space<vmem_shared>>
      %dma_start3A_212 = arith.constant 0 : i32
      %dma_start3A_213 = tpu.memref_slice %arg10[%add3A_28, %dma_start3A_212] : memref<10240x128xf32, #tpu.memory_space<vmem_shared>> -> memref<80x128xf32, #tpu.memory_space<vmem_shared>>
      %dma_start3A_214 = arith.constant 0 : i32
      %dma_start3A_215 = arith.constant 0 : i32
      %dma_start3A_216 = tpu.memref_slice %arg9[%run_scoped3A_29, %dma_start3A_214, %dma_start3A_215] : memref<4x80x128xf32, #tpu.memory_space<vmem>> -> memref<1x80x128xf32, #tpu.memory_space<vmem>>
      %dma_start3A_217 = tpu.memref_squeeze %dma_start3A_216 : memref<1x80x128xf32, #tpu.memory_space<vmem>> -> memref<80x128xf32, #tpu.memory_space<vmem>>
      tpu.enqueue_dma source(%dma_start3A_217 : memref<80x128xf32, #tpu.memory_space<vmem>>) target(%dma_start3A_213 : memref<80x128xf32, #tpu.memory_space<vmem_shared>>) target_semaphore(%run_scoped3A_205 : memref<!tpu.dma_semaphore, #tpu.memory_space<semaphore_mem>>)
      %dma_wait3A_218 = arith.constant 0 : i32
      %dma_wait3A_219 = arith.constant 0 : i32
      %dma_wait3A_220 = tpu.memref_slice %arg9[%run_scoped3A_29, %dma_wait3A_218, %dma_wait3A_219] : memref<4x80x128xf32, #tpu.memory_space<vmem>> -> memref<1x80x128xf32, #tpu.memory_space<vmem>>
      %dma_wait3A_221 = tpu.memref_squeeze %dma_wait3A_220 : memref<1x80x128xf32, #tpu.memory_space<vmem>> -> memref<80x128xf32, #tpu.memory_space<vmem>>
      %dma_wait3A_222 = arith.constant 0 : i32
      %dma_wait3A_223 = tpu.memref_slice %arg10[%add3A_28, %dma_wait3A_222] : memref<10240x128xf32, #tpu.memory_space<vmem_shared>> -> memref<80x128xf32, #tpu.memory_space<vmem_shared>>
      %dma_wait3A_224 = arith.constant 0 : i32
      %dma_wait3A_225 = tpu.memref_slice %arg10[%add3A_28, %dma_wait3A_224] : memref<10240x128xf32, #tpu.memory_space<vmem_shared>> -> memref<80x128xf32, #tpu.memory_space<vmem_shared>>
      %dma_wait3A_226 = arith.constant 0 : i32
      %dma_wait3A_227 = arith.constant 0 : i32
      %dma_wait3A_228 = tpu.memref_slice %arg9[%run_scoped3A_29, %dma_wait3A_226, %dma_wait3A_227] : memref<4x80x128xf32, #tpu.memory_space<vmem>> -> memref<1x80x128xf32, #tpu.memory_space<vmem>>
      %dma_wait3A_229 = tpu.memref_squeeze %dma_wait3A_228 : memref<1x80x128xf32, #tpu.memory_space<vmem>> -> memref<80x128xf32, #tpu.memory_space<vmem>>
      tpu.wait_dma2 semaphore(%run_scoped3A_205 : memref<!tpu.dma_semaphore, #tpu.memory_space<semaphore_mem>>) src(%dma_wait3A_229 : memref<80x128xf32, #tpu.memory_space<vmem>>) dst(%dma_wait3A_225 : memref<80x128xf32, #tpu.memory_space<vmem_shared>>)
      tpu.yield
    }) : () -> ()
    %barrier3A = arith.constant 0 : index
    tpu.barrier barrier_id(%barrier3A)
    %rem3A = arith.constant 0 : i32
    %rem3A_30 = arith.constant 6 : i32
    %rem3A_31 = arith.remsi %rem3A, %rem3A_30 : i32
    %add3A_32 = arith.constant 0 : i32
    %add3A_33 = arith.addi %mul3A_2, %add3A_32 : i32
    %dma_start3A = arith.constant 0 : i32
    %dma_start3A_34 = tpu.memref_slice %arg7[%rem3A_31, %dma_start3A] : memref<6x80xi32, #tpu.memory_space<vmem>> -> memref<1x80xi32, #tpu.memory_space<vmem>>
    %dma_start3A_35 = tpu.memref_squeeze %dma_start3A_34 : memref<1x80xi32, #tpu.memory_space<vmem>> -> memref<80xi32, #tpu.memory_space<vmem>>
    %dma_start3A_36 = tpu.memref_slice %arg4[%add3A_33] : memref<320000xi32, #tpu.memory_space<hbm>> -> memref<80xi32, #tpu.memory_space<hbm>>
    %dma_start3A_37 = arith.constant 0 : i32
    %dma_start3A_38 = tpu.memref_slice %arg7[%rem3A_31, %dma_start3A_37] : memref<6x80xi32, #tpu.memory_space<vmem>> -> memref<1x80xi32, #tpu.memory_space<vmem>>
    %dma_start3A_39 = tpu.memref_squeeze %dma_start3A_38 : memref<1x80xi32, #tpu.memory_space<vmem>> -> memref<80xi32, #tpu.memory_space<vmem>>
    %dma_start3A_40 = tpu.memref_slice %arg4[%add3A_33] : memref<320000xi32, #tpu.memory_space<hbm>> -> memref<80xi32, #tpu.memory_space<hbm>>
    tpu.enqueue_dma source(%dma_start3A_40 : memref<80xi32, #tpu.memory_space<hbm>>) target(%dma_start3A_39 : memref<80xi32, #tpu.memory_space<vmem>>) target_semaphore(%arg11 : memref<!tpu.dma_semaphore, #tpu.memory_space<semaphore_mem>>)
    %add3A_41 = arith.constant 160000 : i32
    %add3A_42 = arith.addi %add3A_41, %add3A_33 : i32
    %dma_start3A_43 = arith.constant 0 : i32
    %dma_start3A_44 = tpu.memref_slice %arg8[%rem3A_31, %dma_start3A_43] : memref<6x80xi32, #tpu.memory_space<vmem>> -> memref<1x80xi32, #tpu.memory_space<vmem>>
    %dma_start3A_45 = tpu.memref_squeeze %dma_start3A_44 : memref<1x80xi32, #tpu.memory_space<vmem>> -> memref<80xi32, #tpu.memory_space<vmem>>
    %dma_start3A_46 = tpu.memref_slice %arg4[%add3A_42] : memref<320000xi32, #tpu.memory_space<hbm>> -> memref<80xi32, #tpu.memory_space<hbm>>
    %dma_start3A_47 = arith.constant 0 : i32
    %dma_start3A_48 = tpu.memref_slice %arg8[%rem3A_31, %dma_start3A_47] : memref<6x80xi32, #tpu.memory_space<vmem>> -> memref<1x80xi32, #tpu.memory_space<vmem>>
    %dma_start3A_49 = tpu.memref_squeeze %dma_start3A_48 : memref<1x80xi32, #tpu.memory_space<vmem>> -> memref<80xi32, #tpu.memory_space<vmem>>
    %dma_start3A_50 = tpu.memref_slice %arg4[%add3A_42] : memref<320000xi32, #tpu.memory_space<hbm>> -> memref<80xi32, #tpu.memory_space<hbm>>
    tpu.enqueue_dma source(%dma_start3A_50 : memref<80xi32, #tpu.memory_space<hbm>>) target(%dma_start3A_49 : memref<80xi32, #tpu.memory_space<vmem>>) target_semaphore(%arg12 : memref<!tpu.dma_semaphore, #tpu.memory_space<semaphore_mem>>)
    %rem3A_51 = arith.constant 1 : i32
    %rem3A_52 = arith.constant 6 : i32
    %rem3A_53 = arith.remsi %rem3A_51, %rem3A_52 : i32
    %add3A_54 = arith.constant 80 : i32
    %add3A_55 = arith.addi %mul3A_2, %add3A_54 : i32
    %dma_start3A_56 = arith.constant 0 : i32
    %dma_start3A_57 = tpu.memref_slice %arg7[%rem3A_53, %dma_start3A_56] : memref<6x80xi32, #tpu.memory_space<vmem>> -> memref<1x80xi32, #tpu.memory_space<vmem>>
    %dma_start3A_58 = tpu.memref_squeeze %dma_start3A_57 : memref<1x80xi32, #tpu.memory_space<vmem>> -> memref<80xi32, #tpu.memory_space<vmem>>
    %dma_start3A_59 = tpu.memref_slice %arg4[%add3A_55] : memref<320000xi32, #tpu.memory_space<hbm>> -> memref<80xi32, #tpu.memory_space<hbm>>
    %dma_start3A_60 = arith.constant 0 : i32
    %dma_start3A_61 = tpu.memref_slice %arg7[%rem3A_53, %dma_start3A_60] : memref<6x80xi32, #tpu.memory_space<vmem>> -> memref<1x80xi32, #tpu.memory_space<vmem>>
    %dma_start3A_62 = tpu.memref_squeeze %dma_start3A_61 : memref<1x80xi32, #tpu.memory_space<vmem>> -> memref<80xi32, #tpu.memory_space<vmem>>
    %dma_start3A_63 = tpu.memref_slice %arg4[%add3A_55] : memref<320000xi32, #tpu.memory_space<hbm>> -> memref<80xi32, #tpu.memory_space<hbm>>
    tpu.enqueue_dma source(%dma_start3A_63 : memref<80xi32, #tpu.memory_space<hbm>>) target(%dma_start3A_62 : memref<80xi32, #tpu.memory_space<vmem>>) target_semaphore(%arg11 : memref<!tpu.dma_semaphore, #tpu.memory_space<semaphore_mem>>)
    %add3A_64 = arith.constant 160000 : i32
    %add3A_65 = arith.addi %add3A_64, %add3A_55 : i32
    %dma_start3A_66 = arith.constant 0 : i32
    %dma_start3A_67 = tpu.memref_slice %arg8[%rem3A_53, %dma_start3A_66] : memref<6x80xi32, #tpu.memory_space<vmem>> -> memref<1x80xi32, #tpu.memory_space<vmem>>
    %dma_start3A_68 = tpu.memref_squeeze %dma_start3A_67 : memref<1x80xi32, #tpu.memory_space<vmem>> -> memref<80xi32, #tpu.memory_space<vmem>>
    %dma_start3A_69 = tpu.memref_slice %arg4[%add3A_65] : memref<320000xi32, #tpu.memory_space<hbm>> -> memref<80xi32, #tpu.memory_space<hbm>>
    %dma_start3A_70 = arith.constant 0 : i32
    %dma_start3A_71 = tpu.memref_slice %arg8[%rem3A_53, %dma_start3A_70] : memref<6x80xi32, #tpu.memory_space<vmem>> -> memref<1x80xi32, #tpu.memory_space<vmem>>
    %dma_start3A_72 = tpu.memref_squeeze %dma_start3A_71 : memref<1x80xi32, #tpu.memory_space<vmem>> -> memref<80xi32, #tpu.memory_space<vmem>>
    %dma_start3A_73 = tpu.memref_slice %arg4[%add3A_65] : memref<320000xi32, #tpu.memory_space<hbm>> -> memref<80xi32, #tpu.memory_space<hbm>>
    tpu.enqueue_dma source(%dma_start3A_73 : memref<80xi32, #tpu.memory_space<hbm>>) target(%dma_start3A_72 : memref<80xi32, #tpu.memory_space<vmem>>) target_semaphore(%arg12 : memref<!tpu.dma_semaphore, #tpu.memory_space<semaphore_mem>>)
    %rem3A_74 = arith.constant 2 : i32
    %rem3A_75 = arith.constant 6 : i32
    %rem3A_76 = arith.remsi %rem3A_74, %rem3A_75 : i32
    %add3A_77 = arith.constant 160 : i32
    %add3A_78 = arith.addi %mul3A_2, %add3A_77 : i32
    %dma_start3A_79 = arith.constant 0 : i32
    %dma_start3A_80 = tpu.memref_slice %arg7[%rem3A_76, %dma_start3A_79] : memref<6x80xi32, #tpu.memory_space<vmem>> -> memref<1x80xi32, #tpu.memory_space<vmem>>
    %dma_start3A_81 = tpu.memref_squeeze %dma_start3A_80 : memref<1x80xi32, #tpu.memory_space<vmem>> -> memref<80xi32, #tpu.memory_space<vmem>>
    %dma_start3A_82 = tpu.memref_slice %arg4[%add3A_78] : memref<320000xi32, #tpu.memory_space<hbm>> -> memref<80xi32, #tpu.memory_space<hbm>>
    %dma_start3A_83 = arith.constant 0 : i32
    %dma_start3A_84 = tpu.memref_slice %arg7[%rem3A_76, %dma_start3A_83] : memref<6x80xi32, #tpu.memory_space<vmem>> -> memref<1x80xi32, #tpu.memory_space<vmem>>
    %dma_start3A_85 = tpu.memref_squeeze %dma_start3A_84 : memref<1x80xi32, #tpu.memory_space<vmem>> -> memref<80xi32, #tpu.memory_space<vmem>>
    %dma_start3A_86 = tpu.memref_slice %arg4[%add3A_78] : memref<320000xi32, #tpu.memory_space<hbm>> -> memref<80xi32, #tpu.memory_space<hbm>>
    tpu.enqueue_dma source(%dma_start3A_86 : memref<80xi32, #tpu.memory_space<hbm>>) target(%dma_start3A_85 : memref<80xi32, #tpu.memory_space<vmem>>) target_semaphore(%arg11 : memref<!tpu.dma_semaphore, #tpu.memory_space<semaphore_mem>>)
    %add3A_87 = arith.constant 160000 : i32
    %add3A_88 = arith.addi %add3A_87, %add3A_78 : i32
    %dma_start3A_89 = arith.constant 0 : i32
    %dma_start3A_90 = tpu.memref_slice %arg8[%rem3A_76, %dma_start3A_89] : memref<6x80xi32, #tpu.memory_space<vmem>> -> memref<1x80xi32, #tpu.memory_space<vmem>>
    %dma_start3A_91 = tpu.memref_squeeze %dma_start3A_90 : memref<1x80xi32, #tpu.memory_space<vmem>> -> memref<80xi32, #tpu.memory_space<vmem>>
    %dma_start3A_92 = tpu.memref_slice %arg4[%add3A_88] : memref<320000xi32, #tpu.memory_space<hbm>> -> memref<80xi32, #tpu.memory_space<hbm>>
    %dma_start3A_93 = arith.constant 0 : i32
    %dma_start3A_94 = tpu.memref_slice %arg8[%rem3A_76, %dma_start3A_93] : memref<6x80xi32, #tpu.memory_space<vmem>> -> memref<1x80xi32, #tpu.memory_space<vmem>>
    %dma_start3A_95 = tpu.memref_squeeze %dma_start3A_94 : memref<1x80xi32, #tpu.memory_space<vmem>> -> memref<80xi32, #tpu.memory_space<vmem>>
    %dma_start3A_96 = tpu.memref_slice %arg4[%add3A_88] : memref<320000xi32, #tpu.memory_space<hbm>> -> memref<80xi32, #tpu.memory_space<hbm>>
    tpu.enqueue_dma source(%dma_start3A_96 : memref<80xi32, #tpu.memory_space<hbm>>) target(%dma_start3A_95 : memref<80xi32, #tpu.memory_space<vmem>>) target_semaphore(%arg12 : memref<!tpu.dma_semaphore, #tpu.memory_space<semaphore_mem>>)
    %rem3A_97 = arith.constant 3 : i32
    %rem3A_98 = arith.constant 6 : i32
    %rem3A_99 = arith.remsi %rem3A_97, %rem3A_98 : i32
    %add3A_100 = arith.constant 240 : i32
    %add3A_101 = arith.addi %mul3A_2, %add3A_100 : i32
    %dma_start3A_102 = arith.constant 0 : i32
    %dma_start3A_103 = tpu.memref_slice %arg7[%rem3A_99, %dma_start3A_102] : memref<6x80xi32, #tpu.memory_space<vmem>> -> memref<1x80xi32, #tpu.memory_space<vmem>>
    %dma_start3A_104 = tpu.memref_squeeze %dma_start3A_103 : memref<1x80xi32, #tpu.memory_space<vmem>> -> memref<80xi32, #tpu.memory_space<vmem>>
    %dma_start3A_105 = tpu.memref_slice %arg4[%add3A_101] : memref<320000xi32, #tpu.memory_space<hbm>> -> memref<80xi32, #tpu.memory_space<hbm>>
    %dma_start3A_106 = arith.constant 0 : i32
    %dma_start3A_107 = tpu.memref_slice %arg7[%rem3A_99, %dma_start3A_106] : memref<6x80xi32, #tpu.memory_space<vmem>> -> memref<1x80xi32, #tpu.memory_space<vmem>>
    %dma_start3A_108 = tpu.memref_squeeze %dma_start3A_107 : memref<1x80xi32, #tpu.memory_space<vmem>> -> memref<80xi32, #tpu.memory_space<vmem>>
    %dma_start3A_109 = tpu.memref_slice %arg4[%add3A_101] : memref<320000xi32, #tpu.memory_space<hbm>> -> memref<80xi32, #tpu.memory_space<hbm>>
    tpu.enqueue_dma source(%dma_start3A_109 : memref<80xi32, #tpu.memory_space<hbm>>) target(%dma_start3A_108 : memref<80xi32, #tpu.memory_space<vmem>>) target_semaphore(%arg11 : memref<!tpu.dma_semaphore, #tpu.memory_space<semaphore_mem>>)
    %add3A_110 = arith.constant 160000 : i32
    %add3A_111 = arith.addi %add3A_110, %add3A_101 : i32
    %dma_start3A_112 = arith.constant 0 : i32
    %dma_start3A_113 = tpu.memref_slice %arg8[%rem3A_99, %dma_start3A_112] : memref<6x80xi32, #tpu.memory_space<vmem>> -> memref<1x80xi32, #tpu.memory_space<vmem>>
    %dma_start3A_114 = tpu.memref_squeeze %dma_start3A_113 : memref<1x80xi32, #tpu.memory_space<vmem>> -> memref<80xi32, #tpu.memory_space<vmem>>
    %dma_start3A_115 = tpu.memref_slice %arg4[%add3A_111] : memref<320000xi32, #tpu.memory_space<hbm>> -> memref<80xi32, #tpu.memory_space<hbm>>
    %dma_start3A_116 = arith.constant 0 : i32
    %dma_start3A_117 = tpu.memref_slice %arg8[%rem3A_99, %dma_start3A_116] : memref<6x80xi32, #tpu.memory_space<vmem>> -> memref<1x80xi32, #tpu.memory_space<vmem>>
    %dma_start3A_118 = tpu.memref_squeeze %dma_start3A_117 : memref<1x80xi32, #tpu.memory_space<vmem>> -> memref<80xi32, #tpu.memory_space<vmem>>
    %dma_start3A_119 = tpu.memref_slice %arg4[%add3A_111] : memref<320000xi32, #tpu.memory_space<hbm>> -> memref<80xi32, #tpu.memory_space<hbm>>
    tpu.enqueue_dma source(%dma_start3A_119 : memref<80xi32, #tpu.memory_space<hbm>>) target(%dma_start3A_118 : memref<80xi32, #tpu.memory_space<vmem>>) target_semaphore(%arg12 : memref<!tpu.dma_semaphore, #tpu.memory_space<semaphore_mem>>)
    %dma_wait3A = arith.constant 0 : i32
    %dma_wait3A_120 = arith.constant 0 : i32
    %dma_wait3A_121 = tpu.memref_slice %arg7[%dma_wait3A, %dma_wait3A_120] : memref<6x80xi32, #tpu.memory_space<vmem>> -> memref<1x80xi32, #tpu.memory_space<vmem>>
    %dma_wait3A_122 = tpu.memref_squeeze %dma_wait3A_121 : memref<1x80xi32, #tpu.memory_space<vmem>> -> memref<80xi32, #tpu.memory_space<vmem>>
    %dma_wait3A_123 = arith.constant 0 : i32
    %dma_wait3A_124 = tpu.memref_slice %arg4[%dma_wait3A_123] : memref<320000xi32, #tpu.memory_space<hbm>> -> memref<80xi32, #tpu.memory_space<hbm>>
    %dma_wait3A_125 = arith.constant 0 : i32
    %dma_wait3A_126 = tpu.memref_slice %arg7[%dma_wait3A, %dma_wait3A_125] : memref<6x80xi32, #tpu.memory_space<vmem>> -> memref<1x80xi32, #tpu.memory_space<vmem>>
    %dma_wait3A_127 = tpu.memref_squeeze %dma_wait3A_126 : memref<1x80xi32, #tpu.memory_space<vmem>> -> memref<80xi32, #tpu.memory_space<vmem>>
    %dma_wait3A_128 = arith.constant 0 : i32
    %dma_wait3A_129 = tpu.memref_slice %arg4[%dma_wait3A_128] : memref<320000xi32, #tpu.memory_space<hbm>> -> memref<80xi32, #tpu.memory_space<hbm>>
    tpu.wait_dma2 semaphore(%arg11 : memref<!tpu.dma_semaphore, #tpu.memory_space<semaphore_mem>>) src(%dma_wait3A_129 : memref<80xi32, #tpu.memory_space<hbm>>) dst(%dma_wait3A_127 : memref<80xi32, #tpu.memory_space<vmem>>)
    %rem3A_130 = arith.constant 0 : i32
    %rem3A_131 = arith.constant 4 : i32
    %rem3A_132 = arith.remsi %rem3A_130, %rem3A_131 : i32
    %eq3A = arith.constant 0 : i32
    %eq3A_133 = arith.cmpi eq, %arg0, %eq3A : i32
    %convert_element_type3A = arith.extui %eq3A_133 : i1 to i32
    %cond3A = arith.constant 0 : i32
    %cond3A_134 = arith.cmpi ne, %convert_element_type3A, %cond3A : i32
    scf.if %cond3A_134 {
      %rem3A_205 = arith.constant 0 : i32
      %rem3A_206 = arith.constant 6 : i32
      %rem3A_207 = arith.remsi %rem3A_205, %rem3A_206 : i32
      %dma_start3A_208 = arith.constant 0 : i32
      %dma_start3A_209 = arith.constant 0 : i32
      %dma_start3A_210 = tpu.memref_slice %arg9[%rem3A_132, %dma_start3A_208, %dma_start3A_209] : memref<4x80x128xf32, #tpu.memory_space<vmem>> -> memref<1x80x128xf32, #tpu.memory_space<vmem>>
      %dma_start3A_211 = tpu.memref_squeeze %dma_start3A_210 : memref<1x80x128xf32, #tpu.memory_space<vmem>> -> memref<80x128xf32, #tpu.memory_space<vmem>>
      %dma_start3A_212 = arith.constant 0 : i32
      %dma_start3A_213 = tpu.memref_slice %arg7[%rem3A_207, %dma_start3A_212] : memref<6x80xi32, #tpu.memory_space<vmem>> -> memref<1x80xi32, #tpu.memory_space<vmem>>
      %dma_start3A_214 = tpu.memref_squeeze %dma_start3A_213 : memref<1x80xi32, #tpu.memory_space<vmem>> -> memref<80xi32, #tpu.memory_space<vmem>>
      %dma_start3A_215 = arith.constant 0 : i32
      %dma_start3A_216 = arith.constant 0 : i32
      %dma_start3A_217 = tpu.memref_slice %arg2[%dma_start3A_215, %dma_start3A_216] : memref<10240x128xf32, #tpu.memory_space<hbm>> -> memref<10240x128xf32, #tpu.memory_space<hbm>>
      tpu.enqueue_indirect_dma source(%dma_start3A_217 : memref<10240x128xf32, #tpu.memory_space<hbm>>) target(%dma_start3A_211 : memref<80x128xf32, #tpu.memory_space<vmem>>) offsets(%dma_start3A_214 : memref<80xi32, #tpu.memory_space<vmem>>) semaphore(%arg13 : memref<!tpu.dma_semaphore, #tpu.memory_space<semaphore_mem>>)
    } else {
    }
    %eq3A_135 = arith.constant 1 : i32
    %eq3A_136 = arith.cmpi eq, %arg0, %eq3A_135 : i32
    %convert_element_type3A_137 = arith.extui %eq3A_136 : i1 to i32
    %cond3A_138 = arith.constant 0 : i32
    %cond3A_139 = arith.cmpi ne, %convert_element_type3A_137, %cond3A_138 : i32
    scf.if %cond3A_139 {
      %rem3A_205 = arith.constant 0 : i32
      %rem3A_206 = arith.constant 6 : i32
      %rem3A_207 = arith.remsi %rem3A_205, %rem3A_206 : i32
      %dma_start3A_208 = arith.constant 0 : i32
      %dma_start3A_209 = arith.constant 0 : i32
      %dma_start3A_210 = tpu.memref_slice %arg9[%rem3A_132, %dma_start3A_208, %dma_start3A_209] : memref<4x80x128xf32, #tpu.memory_space<vmem>> -> memref<1x80x128xf32, #tpu.memory_space<vmem>>
      %dma_start3A_211 = tpu.memref_squeeze %dma_start3A_210 : memref<1x80x128xf32, #tpu.memory_space<vmem>> -> memref<80x128xf32, #tpu.memory_space<vmem>>
      %dma_start3A_212 = arith.constant 0 : i32
      %dma_start3A_213 = tpu.memref_slice %arg7[%rem3A_207, %dma_start3A_212] : memref<6x80xi32, #tpu.memory_space<vmem>> -> memref<1x80xi32, #tpu.memory_space<vmem>>
      %dma_start3A_214 = tpu.memref_squeeze %dma_start3A_213 : memref<1x80xi32, #tpu.memory_space<vmem>> -> memref<80xi32, #tpu.memory_space<vmem>>
      %dma_start3A_215 = arith.constant 0 : i32
      %dma_start3A_216 = arith.constant 0 : i32
      %dma_start3A_217 = tpu.memref_slice %arg3[%dma_start3A_215, %dma_start3A_216] : memref<10240x128xf32, #tpu.memory_space<hbm>> -> memref<10240x128xf32, #tpu.memory_space<hbm>>
      tpu.enqueue_indirect_dma source(%dma_start3A_217 : memref<10240x128xf32, #tpu.memory_space<hbm>>) target(%dma_start3A_211 : memref<80x128xf32, #tpu.memory_space<vmem>>) offsets(%dma_start3A_214 : memref<80xi32, #tpu.memory_space<vmem>>) semaphore(%arg13 : memref<!tpu.dma_semaphore, #tpu.memory_space<semaphore_mem>>)
    } else {
    }
    %dma_wait3A_140 = arith.constant 0 : i32
    %dma_wait3A_141 = arith.constant 0 : i32
    %dma_wait3A_142 = tpu.memref_slice %arg7[%dma_wait3A_140, %dma_wait3A_141] : memref<6x80xi32, #tpu.memory_space<vmem>> -> memref<1x80xi32, #tpu.memory_space<vmem>>
    %dma_wait3A_143 = tpu.memref_squeeze %dma_wait3A_142 : memref<1x80xi32, #tpu.memory_space<vmem>> -> memref<80xi32, #tpu.memory_space<vmem>>
    %dma_wait3A_144 = arith.constant 0 : i32
    %dma_wait3A_145 = tpu.memref_slice %arg4[%dma_wait3A_144] : memref<320000xi32, #tpu.memory_space<hbm>> -> memref<80xi32, #tpu.memory_space<hbm>>
    %dma_wait3A_146 = arith.constant 0 : i32
    %dma_wait3A_147 = tpu.memref_slice %arg7[%dma_wait3A_140, %dma_wait3A_146] : memref<6x80xi32, #tpu.memory_space<vmem>> -> memref<1x80xi32, #tpu.memory_space<vmem>>
    %dma_wait3A_148 = tpu.memref_squeeze %dma_wait3A_147 : memref<1x80xi32, #tpu.memory_space<vmem>> -> memref<80xi32, #tpu.memory_space<vmem>>
    %dma_wait3A_149 = arith.constant 0 : i32
    %dma_wait3A_150 = tpu.memref_slice %arg4[%dma_wait3A_149] : memref<320000xi32, #tpu.memory_space<hbm>> -> memref<80xi32, #tpu.memory_space<hbm>>
    tpu.wait_dma2 semaphore(%arg11 : memref<!tpu.dma_semaphore, #tpu.memory_space<semaphore_mem>>) src(%dma_wait3A_150 : memref<80xi32, #tpu.memory_space<hbm>>) dst(%dma_wait3A_148 : memref<80xi32, #tpu.memory_space<vmem>>)
    %rem3A_151 = arith.constant 1 : i32
    %rem3A_152 = arith.constant 4 : i32
    %rem3A_153 = arith.remsi %rem3A_151, %rem3A_152 : i32
    %eq3A_154 = arith.constant 0 : i32
    %eq3A_155 = arith.cmpi eq, %arg0, %eq3A_154 : i32
    %convert_element_type3A_156 = arith.extui %eq3A_155 : i1 to i32
    %cond3A_157 = arith.constant 0 : i32
    %cond3A_158 = arith.cmpi ne, %convert_element_type3A_156, %cond3A_157 : i32
    scf.if %cond3A_158 {
      %rem3A_205 = arith.constant 1 : i32
      %rem3A_206 = arith.constant 6 : i32
      %rem3A_207 = arith.remsi %rem3A_205, %rem3A_206 : i32
      %dma_start3A_208 = arith.constant 0 : i32
      %dma_start3A_209 = arith.constant 0 : i32
      %dma_start3A_210 = tpu.memref_slice %arg9[%rem3A_153, %dma_start3A_208, %dma_start3A_209] : memref<4x80x128xf32, #tpu.memory_space<vmem>> -> memref<1x80x128xf32, #tpu.memory_space<vmem>>
      %dma_start3A_211 = tpu.memref_squeeze %dma_start3A_210 : memref<1x80x128xf32, #tpu.memory_space<vmem>> -> memref<80x128xf32, #tpu.memory_space<vmem>>
      %dma_start3A_212 = arith.constant 0 : i32
      %dma_start3A_213 = tpu.memref_slice %arg7[%rem3A_207, %dma_start3A_212] : memref<6x80xi32, #tpu.memory_space<vmem>> -> memref<1x80xi32, #tpu.memory_space<vmem>>
      %dma_start3A_214 = tpu.memref_squeeze %dma_start3A_213 : memref<1x80xi32, #tpu.memory_space<vmem>> -> memref<80xi32, #tpu.memory_space<vmem>>
      %dma_start3A_215 = arith.constant 0 : i32
      %dma_start3A_216 = arith.constant 0 : i32
      %dma_start3A_217 = tpu.memref_slice %arg2[%dma_start3A_215, %dma_start3A_216] : memref<10240x128xf32, #tpu.memory_space<hbm>> -> memref<10240x128xf32, #tpu.memory_space<hbm>>
      tpu.enqueue_indirect_dma source(%dma_start3A_217 : memref<10240x128xf32, #tpu.memory_space<hbm>>) target(%dma_start3A_211 : memref<80x128xf32, #tpu.memory_space<vmem>>) offsets(%dma_start3A_214 : memref<80xi32, #tpu.memory_space<vmem>>) semaphore(%arg13 : memref<!tpu.dma_semaphore, #tpu.memory_space<semaphore_mem>>)
    } else {
    }
    %eq3A_159 = arith.constant 1 : i32
    %eq3A_160 = arith.cmpi eq, %arg0, %eq3A_159 : i32
    %convert_element_type3A_161 = arith.extui %eq3A_160 : i1 to i32
    %cond3A_162 = arith.constant 0 : i32
    %cond3A_163 = arith.cmpi ne, %convert_element_type3A_161, %cond3A_162 : i32
    scf.if %cond3A_163 {
      %rem3A_205 = arith.constant 1 : i32
      %rem3A_206 = arith.constant 6 : i32
      %rem3A_207 = arith.remsi %rem3A_205, %rem3A_206 : i32
      %dma_start3A_208 = arith.constant 0 : i32
      %dma_start3A_209 = arith.constant 0 : i32
      %dma_start3A_210 = tpu.memref_slice %arg9[%rem3A_153, %dma_start3A_208, %dma_start3A_209] : memref<4x80x128xf32, #tpu.memory_space<vmem>> -> memref<1x80x128xf32, #tpu.memory_space<vmem>>
      %dma_start3A_211 = tpu.memref_squeeze %dma_start3A_210 : memref<1x80x128xf32, #tpu.memory_space<vmem>> -> memref<80x128xf32, #tpu.memory_space<vmem>>
      %dma_start3A_212 = arith.constant 0 : i32
      %dma_start3A_213 = tpu.memref_slice %arg7[%rem3A_207, %dma_start3A_212] : memref<6x80xi32, #tpu.memory_space<vmem>> -> memref<1x80xi32, #tpu.memory_space<vmem>>
      %dma_start3A_214 = tpu.memref_squeeze %dma_start3A_213 : memref<1x80xi32, #tpu.memory_space<vmem>> -> memref<80xi32, #tpu.memory_space<vmem>>
      %dma_start3A_215 = arith.constant 0 : i32
      %dma_start3A_216 = arith.constant 0 : i32
      %dma_start3A_217 = tpu.memref_slice %arg3[%dma_start3A_215, %dma_start3A_216] : memref<10240x128xf32, #tpu.memory_space<hbm>> -> memref<10240x128xf32, #tpu.memory_space<hbm>>
      tpu.enqueue_indirect_dma source(%dma_start3A_217 : memref<10240x128xf32, #tpu.memory_space<hbm>>) target(%dma_start3A_211 : memref<80x128xf32, #tpu.memory_space<vmem>>) offsets(%dma_start3A_214 : memref<80xi32, #tpu.memory_space<vmem>>) semaphore(%arg13 : memref<!tpu.dma_semaphore, #tpu.memory_space<semaphore_mem>>)
    } else {
    }
    %scan3A_164 = arith.constant 0 : i32
    %scan3A_165 = arith.constant 0 : i32
    %scan3A_166 = arith.constant 125 : i32
    %scan3A_167 = arith.addi %scan3A_165, %scan3A_166 : i32
    %scan3A_168 = arith.constant 1 : i32
    scf.for %scan3A_205 = %scan3A_165 to %scan3A_167 step %scan3A_168  : i32 {
      %ge3A = arith.constant 2 : i32
      %ge3A_206 = arith.cmpi sge, %scan3A_205, %ge3A : i32
      %convert_element_type3A_207 = arith.extui %ge3A_206 : i1 to i32
      %cond3A_208 = arith.constant 0 : i32
      %cond3A_209 = arith.cmpi ne, %convert_element_type3A_207, %cond3A_208 : i32
      scf.if %cond3A_209 {
        %dma_wait3A_260 = arith.constant 0 : i32
        %dma_wait3A_261 = arith.constant 0 : i32
        %dma_wait3A_262 = arith.constant 0 : i32
        %dma_wait3A_263 = arith.constant 0 : i32
        %dma_wait3A_264 = tpu.memref_slice %arg9[%dma_wait3A_260, %dma_wait3A_262, %dma_wait3A_263] : memref<4x80x128xf32, #tpu.memory_space<vmem>> -> memref<1x80x128xf32, #tpu.memory_space<vmem>>
        %dma_wait3A_265 = tpu.memref_squeeze %dma_wait3A_264 : memref<1x80x128xf32, #tpu.memory_space<vmem>> -> memref<80x128xf32, #tpu.memory_space<vmem>>
        %dma_wait3A_266 = arith.constant 0 : i32
        %dma_wait3A_267 = tpu.memref_slice %arg8[%dma_wait3A_261, %dma_wait3A_266] : memref<6x80xi32, #tpu.memory_space<vmem>> -> memref<1x80xi32, #tpu.memory_space<vmem>>
        %dma_wait3A_268 = tpu.memref_squeeze %dma_wait3A_267 : memref<1x80xi32, #tpu.memory_space<vmem>> -> memref<80xi32, #tpu.memory_space<vmem>>
        %dma_wait3A_269 = arith.constant 0 : i32
        %dma_wait3A_270 = arith.constant 0 : i32
        %dma_wait3A_271 = tpu.memref_slice %arg10[%dma_wait3A_269, %dma_wait3A_270] : memref<10240x128xf32, #tpu.memory_space<vmem_shared>> -> memref<10240x128xf32, #tpu.memory_space<vmem_shared>>
        tpu.wait_indirect_dma semaphore(%arg14 : memref<!tpu.dma_semaphore, #tpu.memory_space<semaphore_mem>>) src(%dma_wait3A_265 : memref<80x128xf32, #tpu.memory_space<vmem>>) dst(%dma_wait3A_271 : memref<10240x128xf32, #tpu.memory_space<vmem_shared>>)
      } else {
      }
      %add3A_210 = arith.constant 4 : i32
      %add3A_211 = arith.addi %scan3A_205, %add3A_210 : i32
      %lt3A = arith.constant 125 : i32
      %lt3A_212 = arith.cmpi slt, %add3A_211, %lt3A : i32
      %convert_element_type3A_213 = arith.extui %lt3A_212 : i1 to i32
      %cond3A_214 = arith.constant 0 : i32
      %cond3A_215 = arith.cmpi ne, %convert_element_type3A_213, %cond3A_214 : i32
      scf.if %cond3A_215 {
        %add3A_260 = arith.constant 4 : i32
        %add3A_261 = arith.addi %scan3A_205, %add3A_260 : i32
        %rem3A_262 = arith.constant 6 : i32
        %rem3A_263 = arith.remsi %add3A_261, %rem3A_262 : i32
        %mul3A_264 = arith.constant 80 : i32
        %mul3A_265 = arith.muli %add3A_261, %mul3A_264 : i32
        %add3A_266 = arith.addi %mul3A_2, %mul3A_265 : i32
        %dma_start3A_267 = arith.constant 0 : i32
        %dma_start3A_268 = tpu.memref_slice %arg7[%rem3A_263, %dma_start3A_267] : memref<6x80xi32, #tpu.memory_space<vmem>> -> memref<1x80xi32, #tpu.memory_space<vmem>>
        %dma_start3A_269 = tpu.memref_squeeze %dma_start3A_268 : memref<1x80xi32, #tpu.memory_space<vmem>> -> memref<80xi32, #tpu.memory_space<vmem>>
        %dma_start3A_270 = tpu.memref_slice %arg4[%add3A_266] : memref<320000xi32, #tpu.memory_space<hbm>> -> memref<80xi32, #tpu.memory_space<hbm>>
        %dma_start3A_271 = arith.constant 0 : i32
        %dma_start3A_272 = tpu.memref_slice %arg7[%rem3A_263, %dma_start3A_271] : memref<6x80xi32, #tpu.memory_space<vmem>> -> memref<1x80xi32, #tpu.memory_space<vmem>>
        %dma_start3A_273 = tpu.memref_squeeze %dma_start3A_272 : memref<1x80xi32, #tpu.memory_space<vmem>> -> memref<80xi32, #tpu.memory_space<vmem>>
        %dma_start3A_274 = tpu.memref_slice %arg4[%add3A_266] : memref<320000xi32, #tpu.memory_space<hbm>> -> memref<80xi32, #tpu.memory_space<hbm>>
        tpu.enqueue_dma source(%dma_start3A_274 : memref<80xi32, #tpu.memory_space<hbm>>) target(%dma_start3A_273 : memref<80xi32, #tpu.memory_space<vmem>>) target_semaphore(%arg11 : memref<!tpu.dma_semaphore, #tpu.memory_space<semaphore_mem>>)
        %add3A_275 = arith.constant 160000 : i32
        %add3A_276 = arith.addi %add3A_275, %add3A_266 : i32
        %dma_start3A_277 = arith.constant 0 : i32
        %dma_start3A_278 = tpu.memref_slice %arg8[%rem3A_263, %dma_start3A_277] : memref<6x80xi32, #tpu.memory_space<vmem>> -> memref<1x80xi32, #tpu.memory_space<vmem>>
        %dma_start3A_279 = tpu.memref_squeeze %dma_start3A_278 : memref<1x80xi32, #tpu.memory_space<vmem>> -> memref<80xi32, #tpu.memory_space<vmem>>
        %dma_start3A_280 = tpu.memref_slice %arg4[%add3A_276] : memref<320000xi32, #tpu.memory_space<hbm>> -> memref<80xi32, #tpu.memory_space<hbm>>
        %dma_start3A_281 = arith.constant 0 : i32
        %dma_start3A_282 = tpu.memref_slice %arg8[%rem3A_263, %dma_start3A_281] : memref<6x80xi32, #tpu.memory_space<vmem>> -> memref<1x80xi32, #tpu.memory_space<vmem>>
        %dma_start3A_283 = tpu.memref_squeeze %dma_start3A_282 : memref<1x80xi32, #tpu.memory_space<vmem>> -> memref<80xi32, #tpu.memory_space<vmem>>
        %dma_start3A_284 = tpu.memref_slice %arg4[%add3A_276] : memref<320000xi32, #tpu.memory_space<hbm>> -> memref<80xi32, #tpu.memory_space<hbm>>
        tpu.enqueue_dma source(%dma_start3A_284 : memref<80xi32, #tpu.memory_space<hbm>>) target(%dma_start3A_283 : memref<80xi32, #tpu.memory_space<vmem>>) target_semaphore(%arg12 : memref<!tpu.dma_semaphore, #tpu.memory_space<semaphore_mem>>)
      } else {
      }
      %add3A_216 = arith.constant 2 : i32
      %add3A_217 = arith.addi %scan3A_205, %add3A_216 : i32
      %lt3A_218 = arith.constant 125 : i32
      %lt3A_219 = arith.cmpi slt, %add3A_217, %lt3A_218 : i32
      %convert_element_type3A_220 = arith.extui %lt3A_219 : i1 to i32
      %cond3A_221 = arith.constant 0 : i32
      %cond3A_222 = arith.cmpi ne, %convert_element_type3A_220, %cond3A_221 : i32
      scf.if %cond3A_222 {
        %dma_wait3A_260 = arith.constant 0 : i32
        %dma_wait3A_261 = arith.constant 0 : i32
        %dma_wait3A_262 = tpu.memref_slice %arg7[%dma_wait3A_260, %dma_wait3A_261] : memref<6x80xi32, #tpu.memory_space<vmem>> -> memref<1x80xi32, #tpu.memory_space<vmem>>
        %dma_wait3A_263 = tpu.memref_squeeze %dma_wait3A_262 : memref<1x80xi32, #tpu.memory_space<vmem>> -> memref<80xi32, #tpu.memory_space<vmem>>
        %dma_wait3A_264 = arith.constant 0 : i32
        %dma_wait3A_265 = tpu.memref_slice %arg4[%dma_wait3A_264] : memref<320000xi32, #tpu.memory_space<hbm>> -> memref<80xi32, #tpu.memory_space<hbm>>
        %dma_wait3A_266 = arith.constant 0 : i32
        %dma_wait3A_267 = tpu.memref_slice %arg7[%dma_wait3A_260, %dma_wait3A_266] : memref<6x80xi32, #tpu.memory_space<vmem>> -> memref<1x80xi32, #tpu.memory_space<vmem>>
        %dma_wait3A_268 = tpu.memref_squeeze %dma_wait3A_267 : memref<1x80xi32, #tpu.memory_space<vmem>> -> memref<80xi32, #tpu.memory_space<vmem>>
        %dma_wait3A_269 = arith.constant 0 : i32
        %dma_wait3A_270 = tpu.memref_slice %arg4[%dma_wait3A_269] : memref<320000xi32, #tpu.memory_space<hbm>> -> memref<80xi32, #tpu.memory_space<hbm>>
        tpu.wait_dma2 semaphore(%arg11 : memref<!tpu.dma_semaphore, #tpu.memory_space<semaphore_mem>>) src(%dma_wait3A_270 : memref<80xi32, #tpu.memory_space<hbm>>) dst(%dma_wait3A_268 : memref<80xi32, #tpu.memory_space<vmem>>)
        %add3A_271 = arith.constant 2 : i32
        %add3A_272 = arith.addi %scan3A_205, %add3A_271 : i32
        %rem3A_273 = arith.constant 4 : i32
        %rem3A_274 = arith.remsi %add3A_272, %rem3A_273 : i32
        %eq3A_275 = arith.constant 0 : i32
        %eq3A_276 = arith.cmpi eq, %arg0, %eq3A_275 : i32
        %convert_element_type3A_277 = arith.extui %eq3A_276 : i1 to i32
        %cond3A_278 = arith.constant 0 : i32
        %cond3A_279 = arith.cmpi ne, %convert_element_type3A_277, %cond3A_278 : i32
        scf.if %cond3A_279 {
          %rem3A_285 = arith.constant 6 : i32
          %rem3A_286 = arith.remsi %add3A_272, %rem3A_285 : i32
          %dma_start3A_287 = arith.constant 0 : i32
          %dma_start3A_288 = arith.constant 0 : i32
          %dma_start3A_289 = tpu.memref_slice %arg9[%rem3A_274, %dma_start3A_287, %dma_start3A_288] : memref<4x80x128xf32, #tpu.memory_space<vmem>> -> memref<1x80x128xf32, #tpu.memory_space<vmem>>
          %dma_start3A_290 = tpu.memref_squeeze %dma_start3A_289 : memref<1x80x128xf32, #tpu.memory_space<vmem>> -> memref<80x128xf32, #tpu.memory_space<vmem>>
          %dma_start3A_291 = arith.constant 0 : i32
          %dma_start3A_292 = tpu.memref_slice %arg7[%rem3A_286, %dma_start3A_291] : memref<6x80xi32, #tpu.memory_space<vmem>> -> memref<1x80xi32, #tpu.memory_space<vmem>>
          %dma_start3A_293 = tpu.memref_squeeze %dma_start3A_292 : memref<1x80xi32, #tpu.memory_space<vmem>> -> memref<80xi32, #tpu.memory_space<vmem>>
          %dma_start3A_294 = arith.constant 0 : i32
          %dma_start3A_295 = arith.constant 0 : i32
          %dma_start3A_296 = tpu.memref_slice %arg2[%dma_start3A_294, %dma_start3A_295] : memref<10240x128xf32, #tpu.memory_space<hbm>> -> memref<10240x128xf32, #tpu.memory_space<hbm>>
          tpu.enqueue_indirect_dma source(%dma_start3A_296 : memref<10240x128xf32, #tpu.memory_space<hbm>>) target(%dma_start3A_290 : memref<80x128xf32, #tpu.memory_space<vmem>>) offsets(%dma_start3A_293 : memref<80xi32, #tpu.memory_space<vmem>>) semaphore(%arg13 : memref<!tpu.dma_semaphore, #tpu.memory_space<semaphore_mem>>)
        } else {
        }
        %eq3A_280 = arith.constant 1 : i32
        %eq3A_281 = arith.cmpi eq, %arg0, %eq3A_280 : i32
        %convert_element_type3A_282 = arith.extui %eq3A_281 : i1 to i32
        %cond3A_283 = arith.constant 0 : i32
        %cond3A_284 = arith.cmpi ne, %convert_element_type3A_282, %cond3A_283 : i32
        scf.if %cond3A_284 {
          %rem3A_285 = arith.constant 6 : i32
          %rem3A_286 = arith.remsi %add3A_272, %rem3A_285 : i32
          %dma_start3A_287 = arith.constant 0 : i32
          %dma_start3A_288 = arith.constant 0 : i32
          %dma_start3A_289 = tpu.memref_slice %arg9[%rem3A_274, %dma_start3A_287, %dma_start3A_288] : memref<4x80x128xf32, #tpu.memory_space<vmem>> -> memref<1x80x128xf32, #tpu.memory_space<vmem>>
          %dma_start3A_290 = tpu.memref_squeeze %dma_start3A_289 : memref<1x80x128xf32, #tpu.memory_space<vmem>> -> memref<80x128xf32, #tpu.memory_space<vmem>>
          %dma_start3A_291 = arith.constant 0 : i32
          %dma_start3A_292 = tpu.memref_slice %arg7[%rem3A_286, %dma_start3A_291] : memref<6x80xi32, #tpu.memory_space<vmem>> -> memref<1x80xi32, #tpu.memory_space<vmem>>
          %dma_start3A_293 = tpu.memref_squeeze %dma_start3A_292 : memref<1x80xi32, #tpu.memory_space<vmem>> -> memref<80xi32, #tpu.memory_space<vmem>>
          %dma_start3A_294 = arith.constant 0 : i32
          %dma_start3A_295 = arith.constant 0 : i32
          %dma_start3A_296 = tpu.memref_slice %arg3[%dma_start3A_294, %dma_start3A_295] : memref<10240x128xf32, #tpu.memory_space<hbm>> -> memref<10240x128xf32, #tpu.memory_space<hbm>>
          tpu.enqueue_indirect_dma source(%dma_start3A_296 : memref<10240x128xf32, #tpu.memory_space<hbm>>) target(%dma_start3A_290 : memref<80x128xf32, #tpu.memory_space<vmem>>) offsets(%dma_start3A_293 : memref<80xi32, #tpu.memory_space<vmem>>) semaphore(%arg13 : memref<!tpu.dma_semaphore, #tpu.memory_space<semaphore_mem>>)
        } else {
        }
      } else {
      }
      %dma_wait3A_223 = arith.constant 0 : i32
      %dma_wait3A_224 = arith.constant 0 : i32
      %dma_wait3A_225 = arith.constant 0 : i32
      %dma_wait3A_226 = arith.constant 0 : i32
      %dma_wait3A_227 = tpu.memref_slice %arg9[%dma_wait3A_224, %dma_wait3A_225, %dma_wait3A_226] : memref<4x80x128xf32, #tpu.memory_space<vmem>> -> memref<1x80x128xf32, #tpu.memory_space<vmem>>
      %dma_wait3A_228 = tpu.memref_squeeze %dma_wait3A_227 : memref<1x80x128xf32, #tpu.memory_space<vmem>> -> memref<80x128xf32, #tpu.memory_space<vmem>>
      %dma_wait3A_229 = arith.constant 0 : i32
      %dma_wait3A_230 = tpu.memref_slice %arg7[%dma_wait3A_223, %dma_wait3A_229] : memref<6x80xi32, #tpu.memory_space<vmem>> -> memref<1x80xi32, #tpu.memory_space<vmem>>
      %dma_wait3A_231 = tpu.memref_squeeze %dma_wait3A_230 : memref<1x80xi32, #tpu.memory_space<vmem>> -> memref<80xi32, #tpu.memory_space<vmem>>
      %dma_wait3A_232 = arith.constant 0 : i32
      %dma_wait3A_233 = arith.constant 0 : i32
      %dma_wait3A_234 = tpu.memref_slice %arg2[%dma_wait3A_232, %dma_wait3A_233] : memref<10240x128xf32, #tpu.memory_space<hbm>> -> memref<10240x128xf32, #tpu.memory_space<hbm>>
      tpu.wait_indirect_dma semaphore(%arg13 : memref<!tpu.dma_semaphore, #tpu.memory_space<semaphore_mem>>) src(%dma_wait3A_234 : memref<10240x128xf32, #tpu.memory_space<hbm>>) dst(%dma_wait3A_228 : memref<80x128xf32, #tpu.memory_space<vmem>>)
      %dma_wait3A_235 = arith.constant 0 : i32
      %dma_wait3A_236 = arith.constant 0 : i32
      %dma_wait3A_237 = tpu.memref_slice %arg7[%dma_wait3A_235, %dma_wait3A_236] : memref<6x80xi32, #tpu.memory_space<vmem>> -> memref<1x80xi32, #tpu.memory_space<vmem>>
      %dma_wait3A_238 = tpu.memref_squeeze %dma_wait3A_237 : memref<1x80xi32, #tpu.memory_space<vmem>> -> memref<80xi32, #tpu.memory_space<vmem>>
      %dma_wait3A_239 = arith.constant 0 : i32
      %dma_wait3A_240 = tpu.memref_slice %arg4[%dma_wait3A_239] : memref<320000xi32, #tpu.memory_space<hbm>> -> memref<80xi32, #tpu.memory_space<hbm>>
      %dma_wait3A_241 = arith.constant 0 : i32
      %dma_wait3A_242 = tpu.memref_slice %arg7[%dma_wait3A_235, %dma_wait3A_241] : memref<6x80xi32, #tpu.memory_space<vmem>> -> memref<1x80xi32, #tpu.memory_space<vmem>>
      %dma_wait3A_243 = tpu.memref_squeeze %dma_wait3A_242 : memref<1x80xi32, #tpu.memory_space<vmem>> -> memref<80xi32, #tpu.memory_space<vmem>>
      %dma_wait3A_244 = arith.constant 0 : i32
      %dma_wait3A_245 = tpu.memref_slice %arg4[%dma_wait3A_244] : memref<320000xi32, #tpu.memory_space<hbm>> -> memref<80xi32, #tpu.memory_space<hbm>>
      tpu.wait_dma2 semaphore(%arg12 : memref<!tpu.dma_semaphore, #tpu.memory_space<semaphore_mem>>) src(%dma_wait3A_245 : memref<80xi32, #tpu.memory_space<hbm>>) dst(%dma_wait3A_243 : memref<80xi32, #tpu.memory_space<vmem>>)
      %rem3A_246 = arith.constant 4 : i32
      %rem3A_247 = arith.remsi %scan3A_205, %rem3A_246 : i32
      %rem3A_248 = arith.constant 6 : i32
      %rem3A_249 = arith.remsi %scan3A_205, %rem3A_248 : i32
      %dma_start3A_250 = arith.constant 0 : i32
      %dma_start3A_251 = arith.constant 0 : i32
      %dma_start3A_252 = tpu.memref_slice %arg9[%rem3A_247, %dma_start3A_250, %dma_start3A_251] : memref<4x80x128xf32, #tpu.memory_space<vmem>> -> memref<1x80x128xf32, #tpu.memory_space<vmem>>
      %dma_start3A_253 = tpu.memref_squeeze %dma_start3A_252 : memref<1x80x128xf32, #tpu.memory_space<vmem>> -> memref<80x128xf32, #tpu.memory_space<vmem>>
      %dma_start3A_254 = arith.constant 0 : i32
      %dma_start3A_255 = tpu.memref_slice %arg8[%rem3A_249, %dma_start3A_254] : memref<6x80xi32, #tpu.memory_space<vmem>> -> memref<1x80xi32, #tpu.memory_space<vmem>>
      %dma_start3A_256 = tpu.memref_squeeze %dma_start3A_255 : memref<1x80xi32, #tpu.memory_space<vmem>> -> memref<80xi32, #tpu.memory_space<vmem>>
      %dma_start3A_257 = arith.constant 0 : i32
      %dma_start3A_258 = arith.constant 0 : i32
      %dma_start3A_259 = tpu.memref_slice %arg10[%dma_start3A_257, %dma_start3A_258] : memref<10240x128xf32, #tpu.memory_space<vmem_shared>> -> memref<10240x128xf32, #tpu.memory_space<vmem_shared>>
      tpu.enqueue_indirect_dma source(%dma_start3A_253 : memref<80x128xf32, #tpu.memory_space<vmem>>) target(%dma_start3A_259 : memref<10240x128xf32, #tpu.memory_space<vmem_shared>>) offsets(%dma_start3A_256 : memref<80xi32, #tpu.memory_space<vmem>>) semaphore(%arg14 : memref<!tpu.dma_semaphore, #tpu.memory_space<semaphore_mem>>) {add = true}
    }
    %scan3A_169 = arith.constant 125 : i32
    %dma_wait3A_170 = arith.constant 0 : i32
    %dma_wait3A_171 = arith.constant 0 : i32
    %dma_wait3A_172 = arith.constant 0 : i32
    %dma_wait3A_173 = arith.constant 0 : i32
    %dma_wait3A_174 = tpu.memref_slice %arg9[%dma_wait3A_170, %dma_wait3A_172, %dma_wait3A_173] : memref<4x80x128xf32, #tpu.memory_space<vmem>> -> memref<1x80x128xf32, #tpu.memory_space<vmem>>
    %dma_wait3A_175 = tpu.memref_squeeze %dma_wait3A_174 : memref<1x80x128xf32, #tpu.memory_space<vmem>> -> memref<80x128xf32, #tpu.memory_space<vmem>>
    %dma_wait3A_176 = arith.constant 0 : i32
    %dma_wait3A_177 = tpu.memref_slice %arg8[%dma_wait3A_171, %dma_wait3A_176] : memref<6x80xi32, #tpu.memory_space<vmem>> -> memref<1x80xi32, #tpu.memory_space<vmem>>
    %dma_wait3A_178 = tpu.memref_squeeze %dma_wait3A_177 : memref<1x80xi32, #tpu.memory_space<vmem>> -> memref<80xi32, #tpu.memory_space<vmem>>
    %dma_wait3A_179 = arith.constant 0 : i32
    %dma_wait3A_180 = arith.constant 0 : i32
    %dma_wait3A_181 = tpu.memref_slice %arg10[%dma_wait3A_179, %dma_wait3A_180] : memref<10240x128xf32, #tpu.memory_space<vmem_shared>> -> memref<10240x128xf32, #tpu.memory_space<vmem_shared>>
    tpu.wait_indirect_dma semaphore(%arg14 : memref<!tpu.dma_semaphore, #tpu.memory_space<semaphore_mem>>) src(%dma_wait3A_175 : memref<80x128xf32, #tpu.memory_space<vmem>>) dst(%dma_wait3A_181 : memref<10240x128xf32, #tpu.memory_space<vmem_shared>>)
    %dma_wait3A_182 = arith.constant 0 : i32
    %dma_wait3A_183 = arith.constant 0 : i32
    %dma_wait3A_184 = arith.constant 0 : i32
    %dma_wait3A_185 = arith.constant 0 : i32
    %dma_wait3A_186 = tpu.memref_slice %arg9[%dma_wait3A_182, %dma_wait3A_184, %dma_wait3A_185] : memref<4x80x128xf32, #tpu.memory_space<vmem>> -> memref<1x80x128xf32, #tpu.memory_space<vmem>>
    %dma_wait3A_187 = tpu.memref_squeeze %dma_wait3A_186 : memref<1x80x128xf32, #tpu.memory_space<vmem>> -> memref<80x128xf32, #tpu.memory_space<vmem>>
    %dma_wait3A_188 = arith.constant 0 : i32
    %dma_wait3A_189 = tpu.memref_slice %arg8[%dma_wait3A_183, %dma_wait3A_188] : memref<6x80xi32, #tpu.memory_space<vmem>> -> memref<1x80xi32, #tpu.memory_space<vmem>>
    %dma_wait3A_190 = tpu.memref_squeeze %dma_wait3A_189 : memref<1x80xi32, #tpu.memory_space<vmem>> -> memref<80xi32, #tpu.memory_space<vmem>>
    %dma_wait3A_191 = arith.constant 0 : i32
    %dma_wait3A_192 = arith.constant 0 : i32
    %dma_wait3A_193 = tpu.memref_slice %arg10[%dma_wait3A_191, %dma_wait3A_192] : memref<10240x128xf32, #tpu.memory_space<vmem_shared>> -> memref<10240x128xf32, #tpu.memory_space<vmem_shared>>
    tpu.wait_indirect_dma semaphore(%arg14 : memref<!tpu.dma_semaphore, #tpu.memory_space<semaphore_mem>>) src(%dma_wait3A_187 : memref<80x128xf32, #tpu.memory_space<vmem>>) dst(%dma_wait3A_193 : memref<10240x128xf32, #tpu.memory_space<vmem_shared>>)
    %barrier3A_194 = arith.constant 0 : index
    tpu.barrier barrier_id(%barrier3A_194)
    %eq3A_195 = arith.constant 0 : i32
    %eq3A_196 = arith.cmpi eq, %arg0, %eq3A_195 : i32
    %convert_element_type3A_197 = arith.extui %eq3A_196 : i1 to i32
    %cond3A_198 = arith.constant 0 : i32
    %cond3A_199 = arith.cmpi ne, %convert_element_type3A_197, %cond3A_198 : i32
    scf.if %cond3A_199 {
      "tpu.region"() ({
        %run_scoped3A_205 = tpu.sem_alloc : memref<!tpu.dma_semaphore, #tpu.memory_space<semaphore_mem>>
        %dma_start3A_206 = arith.constant 0 : i32
        %dma_start3A_207 = tpu.memref_slice %arg5[%mul3A_0, %dma_start3A_206] : memref<10240x128xf32, #tpu.memory_space<hbm>> -> memref<640x128xf32, #tpu.memory_space<hbm>>
        %dma_start3A_208 = arith.constant 0 : i32
        %dma_start3A_209 = tpu.memref_slice %arg10[%mul3A_0, %dma_start3A_208] : memref<10240x128xf32, #tpu.memory_space<vmem_shared>> -> memref<640x128xf32, #tpu.memory_space<vmem_shared>>
        tpu.enqueue_dma source(%dma_start3A_209 : memref<640x128xf32, #tpu.memory_space<vmem_shared>>) target(%dma_start3A_207 : memref<640x128xf32, #tpu.memory_space<hbm>>) target_semaphore(%run_scoped3A_205 : memref<!tpu.dma_semaphore, #tpu.memory_space<semaphore_mem>>)
        %dma_wait3A_210 = arith.constant 0 : i32
        %dma_wait3A_211 = tpu.memref_slice %arg5[%mul3A_0, %dma_wait3A_210] : memref<10240x128xf32, #tpu.memory_space<hbm>> -> memref<640x128xf32, #tpu.memory_space<hbm>>
        %dma_wait3A_212 = arith.constant 0 : i32
        %dma_wait3A_213 = tpu.memref_slice %arg10[%mul3A_0, %dma_wait3A_212] : memref<10240x128xf32, #tpu.memory_space<vmem_shared>> -> memref<640x128xf32, #tpu.memory_space<vmem_shared>>
        tpu.wait_dma2 semaphore(%run_scoped3A_205 : memref<!tpu.dma_semaphore, #tpu.memory_space<semaphore_mem>>) src(%dma_wait3A_213 : memref<640x128xf32, #tpu.memory_space<vmem_shared>>) dst(%dma_wait3A_211 : memref<640x128xf32, #tpu.memory_space<hbm>>)
        tpu.yield
      }) : () -> ()
    } else {
    }
    %eq3A_200 = arith.constant 1 : i32
    %eq3A_201 = arith.cmpi eq, %arg0, %eq3A_200 : i32
    %convert_element_type3A_202 = arith.extui %eq3A_201 : i1 to i32
    %cond3A_203 = arith.constant 0 : i32
    %cond3A_204 = arith.cmpi ne, %convert_element_type3A_202, %cond3A_203 : i32
    scf.if %cond3A_204 {
      "tpu.region"() ({
        %run_scoped3A_205 = tpu.sem_alloc : memref<!tpu.dma_semaphore, #tpu.memory_space<semaphore_mem>>
        %dma_start3A_206 = arith.constant 0 : i32
        %dma_start3A_207 = tpu.memref_slice %arg6[%mul3A_0, %dma_start3A_206] : memref<10240x128xf32, #tpu.memory_space<hbm>> -> memref<640x128xf32, #tpu.memory_space<hbm>>
        %dma_start3A_208 = arith.constant 0 : i32
        %dma_start3A_209 = tpu.memref_slice %arg10[%mul3A_0, %dma_start3A_208] : memref<10240x128xf32, #tpu.memory_space<vmem_shared>> -> memref<640x128xf32, #tpu.memory_space<vmem_shared>>
        tpu.enqueue_dma source(%dma_start3A_209 : memref<640x128xf32, #tpu.memory_space<vmem_shared>>) target(%dma_start3A_207 : memref<640x128xf32, #tpu.memory_space<hbm>>) target_semaphore(%run_scoped3A_205 : memref<!tpu.dma_semaphore, #tpu.memory_space<semaphore_mem>>)
        %dma_wait3A_210 = arith.constant 0 : i32
        %dma_wait3A_211 = tpu.memref_slice %arg6[%mul3A_0, %dma_wait3A_210] : memref<10240x128xf32, #tpu.memory_space<hbm>> -> memref<640x128xf32, #tpu.memory_space<hbm>>
        %dma_wait3A_212 = arith.constant 0 : i32
        %dma_wait3A_213 = tpu.memref_slice %arg10[%mul3A_0, %dma_wait3A_212] : memref<10240x128xf32, #tpu.memory_space<vmem_shared>> -> memref<640x128xf32, #tpu.memory_space<vmem_shared>>
        tpu.wait_dma2 semaphore(%run_scoped3A_205 : memref<!tpu.dma_semaphore, #tpu.memory_space<semaphore_mem>>) src(%dma_wait3A_213 : memref<640x128xf32, #tpu.memory_space<vmem_shared>>) dst(%dma_wait3A_211 : memref<640x128xf32, #tpu.memory_space<hbm>>)
        tpu.yield
      }) : () -> ()
    } else {
    }
    return
  }
}

module attributes {stable_mosaic.version = 14 : i64} {
  func.func @_mm_s_body(%arg0: i32, %arg1: memref<400x256xf32, #tpu.memory_space<vmem>>, %arg2: memref<256x256xf32, #tpu.memory_space<vmem>>, %arg3: memref<1x256xf32, #tpu.memory_space<vmem>>, %arg4: memref<400x256xf32, #tpu.memory_space<vmem>>) attributes {dimension_semantics = [#tpu.dimension_semantics<arbitrary>], iteration_bounds = array<i64: 25>, scalar_prefetch = 0 : i64, scratch_operands = 0 : i64, tpu.core_type = #tpu.core_type<tc>, window_params = [{transform_indices = @transform_0, window_bounds = array<i64: 400, 256>}, {pipeline_mode = #tpu.pipeline_mode<synchronous>, transform_indices = @transform_1, window_bounds = array<i64: 256, 256>}, {pipeline_mode = #tpu.pipeline_mode<synchronous>, transform_indices = @transform_2, window_bounds = array<i64: 1, 256>}, {transform_indices = @transform_3, window_bounds = array<i64: 400, 256>}]} {
    %get3A = arith.constant 0 : index
    %get3A_0 = arith.constant 0 : index
    %get3A_1 = vector.load %arg1[%get3A, %get3A_0] : memref<400x256xf32, #tpu.memory_space<vmem>>, vector<400x256xf32>
    %get3A_2 = arith.constant 0 : index
    %get3A_3 = arith.constant 0 : index
    %get3A_4 = vector.load %arg2[%get3A_2, %get3A_3] : memref<256x256xf32, #tpu.memory_space<vmem>>, vector<256x256xf32>
    %dot_general3A = arith.constant dense<0.000000e+00> : vector<400x256xf32>
    %dot_general3A_5 = tpu.matmul %get3A_1, %get3A_4, %dot_general3A {dimension_numbers = #tpu.dot_dimension_numbers<[1], [0], [0], [1], [0, 0, 1, 1], [], []>, transpose_lhs_hint = false} : vector<400x256xf32>, vector<256x256xf32>, vector<400x256xf32> -> vector<400x256xf32>
    %get3A_6 = arith.constant 0 : index
    %get3A_7 = arith.constant 0 : index
    %get3A_8 = vector.load %arg3[%get3A_6, %get3A_7] : memref<1x256xf32, #tpu.memory_space<vmem>>, vector<1x256xf32>
    %add3A = vector.broadcast %get3A_8 : vector<1x256xf32> to vector<400x256xf32>
    %add3A_9 = arith.addf %dot_general3A_5, %add3A : vector<400x256xf32>
    %swap3A = arith.constant 0 : index
    %swap3A_10 = arith.constant 0 : index
    %swap3A_11 = vector.load %arg4[%swap3A, %swap3A_10] : memref<400x256xf32, #tpu.memory_space<vmem>>, vector<400x256xf32>
    tpu.vector_store %arg4[%swap3A, %swap3A_10], %add3A_9 {strides = array<i32>} : memref<400x256xf32, #tpu.memory_space<vmem>>, vector<400x256xf32>,
    return
  }
  func.func @transform_0(%arg0: i32) -> (i32, i32) {
    %c0_i32 = arith.constant 0 : i32
    %c0_i32_0 = arith.constant 0 : i32
    return %arg0, %c0_i32 : i32, i32
  }
  func.func @transform_1(%arg0: i32) -> (i32, i32) {
    %c0_i32 = arith.constant 0 : i32
    %c0_i32_0 = arith.constant 0 : i32
    %c0_i32_1 = arith.constant 0 : i32
    return %c0_i32, %c0_i32_0 : i32, i32
  }
  func.func @transform_2(%arg0: i32) -> (i32, i32) {
    %c0_i32 = arith.constant 0 : i32
    %c0_i32_0 = arith.constant 0 : i32
    %c0_i32_1 = arith.constant 0 : i32
    return %c0_i32, %c0_i32_0 : i32, i32
  }
  func.func @transform_3(%arg0: i32) -> (i32, i32) {
    %c0_i32 = arith.constant 0 : i32
    %c0_i32_0 = arith.constant 0 : i32
    return %arg0, %c0_i32 : i32, i32
  }
}

module attributes {stable_mosaic.version = 14 : i64} {
  func.func @_mm_y_body(%arg0: i32, %arg1: memref<400x256xf32, #tpu.memory_space<vmem>>, %arg2: memref<256x256xf32, #tpu.memory_space<vmem>>, %arg3: memref<400x128xf32, #tpu.memory_space<vmem>>, %arg4: memref<400x128xf32, #tpu.memory_space<vmem>>) attributes {dimension_semantics = [#tpu.dimension_semantics<arbitrary>], iteration_bounds = array<i64: 25>, scalar_prefetch = 0 : i64, scratch_operands = 0 : i64, tpu.core_type = #tpu.core_type<tc>, window_params = [{transform_indices = @transform_0, window_bounds = array<i64: 400, 256>}, {pipeline_mode = #tpu.pipeline_mode<synchronous>, transform_indices = @transform_1, window_bounds = array<i64: 256, 256>}, {transform_indices = @transform_2, window_bounds = array<i64: 400, 128>}, {transform_indices = @transform_3, window_bounds = array<i64: 400, 128>}]} {
    %get3A = arith.constant 0 : index
    %get3A_0 = arith.constant 0 : index
    %get3A_1 = vector.load %arg1[%get3A, %get3A_0] : memref<400x256xf32, #tpu.memory_space<vmem>>, vector<400x256xf32>
    %get3A_2 = arith.constant 0 : index
    %get3A_3 = arith.constant 0 : index
    %get3A_4 = vector.load %arg2[%get3A_2, %get3A_3] : memref<256x256xf32, #tpu.memory_space<vmem>>, vector<256x256xf32>
    %dot_general3A = arith.constant dense<0.000000e+00> : vector<400x256xf32>
    %dot_general3A_5 = tpu.matmul %get3A_1, %get3A_4, %dot_general3A {dimension_numbers = #tpu.dot_dimension_numbers<[1], [0], [0], [1], [0, 0, 1, 1], [], []>, transpose_lhs_hint = false} : vector<400x256xf32>, vector<256x256xf32>, vector<400x256xf32> -> vector<400x256xf32>
    %slice3A = vector.extract_strided_slice %dot_general3A_5 {offsets = [0, 0], sizes = [400, 128], strides = [1, 1]} : vector<400x256xf32> to vector<400x128xf32>
    %swap3A = arith.constant 0 : index
    %swap3A_6 = arith.constant 0 : index
    %swap3A_7 = vector.load %arg3[%swap3A, %swap3A_6] : memref<400x128xf32, #tpu.memory_space<vmem>>, vector<400x128xf32>
    tpu.vector_store %arg3[%swap3A, %swap3A_6], %slice3A {strides = array<i32>} : memref<400x128xf32, #tpu.memory_space<vmem>>, vector<400x128xf32>,
    %slice3A_8 = vector.extract_strided_slice %dot_general3A_5 {offsets = [0, 128], sizes = [400, 128], strides = [1, 1]} : vector<400x256xf32> to vector<400x128xf32>
    %swap3A_9 = arith.constant 0 : index
    %swap3A_10 = arith.constant 0 : index
    %swap3A_11 = vector.load %arg4[%swap3A_9, %swap3A_10] : memref<400x128xf32, #tpu.memory_space<vmem>>, vector<400x128xf32>
    tpu.vector_store %arg4[%swap3A_9, %swap3A_10], %slice3A_8 {strides = array<i32>} : memref<400x128xf32, #tpu.memory_space<vmem>>, vector<400x128xf32>,
    return
  }
  func.func @transform_0(%arg0: i32) -> (i32, i32) {
    %c0_i32 = arith.constant 0 : i32
    %c0_i32_0 = arith.constant 0 : i32
    return %arg0, %c0_i32 : i32, i32
  }
  func.func @transform_1(%arg0: i32) -> (i32, i32) {
    %c0_i32 = arith.constant 0 : i32
    %c0_i32_0 = arith.constant 0 : i32
    %c0_i32_1 = arith.constant 0 : i32
    return %c0_i32, %c0_i32_0 : i32, i32
  }
  func.func @transform_2(%arg0: i32) -> (i32, i32) {
    %c0_i32 = arith.constant 0 : i32
    %c0_i32_0 = arith.constant 0 : i32
    return %arg0, %c0_i32 : i32, i32
  }
  func.func @transform_3(%arg0: i32) -> (i32, i32) {
    %c0_i32 = arith.constant 0 : i32
    %c0_i32_0 = arith.constant 0 : i32
    return %arg0, %c0_i32 : i32, i32
  }
}

module attributes {stable_mosaic.version = 14 : i64} {
  func.func @_mid_y_body(%arg0: i32, %arg1: memref<400x256xf32, #tpu.memory_space<vmem>>, %arg2: memref<400x128xf32, #tpu.memory_space<vmem>>, %arg3: memref<400x128xf32, #tpu.memory_space<vmem>>, %arg4: memref<400x1xf32, #tpu.memory_space<vmem>>, %arg5: memref<400x1xf32, #tpu.memory_space<vmem>>, %arg6: memref<256x256xf32, #tpu.memory_space<vmem>>, %arg7: memref<400x128xf32, #tpu.memory_space<vmem>>, %arg8: memref<400x128xf32, #tpu.memory_space<vmem>>) attributes {dimension_semantics = [#tpu.dimension_semantics<arbitrary>], iteration_bounds = array<i64: 25>, scalar_prefetch = 0 : i64, scratch_operands = 0 : i64, tpu.core_type = #tpu.core_type<tc>, window_params = [{transform_indices = @transform_0, window_bounds = array<i64: 400, 256>}, {transform_indices = @transform_1, window_bounds = array<i64: 400, 128>}, {transform_indices = @transform_2, window_bounds = array<i64: 400, 128>}, {transform_indices = @transform_3, window_bounds = array<i64: 400, 1>}, {transform_indices = @transform_4, window_bounds = array<i64: 400, 1>}, {pipeline_mode = #tpu.pipeline_mode<synchronous>, transform_indices = @transform_5, window_bounds = array<i64: 256, 256>}, {transform_indices = @transform_6, window_bounds = array<i64: 400, 128>}, {transform_indices = @transform_7, window_bounds = array<i64: 400, 128>}]} {
    %get3A = arith.constant 0 : index
    %get3A_0 = arith.constant 0 : index
    %get3A_1 = vector.load %arg4[%get3A, %get3A_0] : memref<400x1xf32, #tpu.memory_space<vmem>>, vector<400x1xf32>
    %get3A_2 = arith.constant 0 : index
    %get3A_3 = arith.constant 0 : index
    %get3A_4 = vector.load %arg5[%get3A_2, %get3A_3] : memref<400x1xf32, #tpu.memory_space<vmem>>, vector<400x1xf32>
    %add3A = arith.addf %get3A_1, %get3A_4 : vector<400x1xf32>
    %max3A = arith.constant 1.000000e+00 : f32
    %max3A_5 = vector.broadcast %max3A : f32 to vector<400x1xf32>
    %max3A_6 = arith.maximumf %add3A, %max3A_5 : vector<400x1xf32>
    %div3A = arith.constant 1.000000e+00 : f32
    %div3A_7 = vector.broadcast %div3A : f32 to vector<400x1xf32>
    %div3A_8 = arith.divf %div3A_7, %max3A_6 : vector<400x1xf32>
    %get3A_9 = arith.constant 0 : index
    %get3A_10 = arith.constant 0 : index
    %get3A_11 = vector.load %arg2[%get3A_9, %get3A_10] : memref<400x128xf32, #tpu.memory_space<vmem>>, vector<400x128xf32>
    %get3A_12 = arith.constant 0 : index
    %get3A_13 = arith.constant 0 : index
    %get3A_14 = vector.load %arg3[%get3A_12, %get3A_13] : memref<400x128xf32, #tpu.memory_space<vmem>>, vector<400x128xf32>
    %concatenate3A = tpu.concatenate %get3A_11, %get3A_14 in 1 : vector<400x128xf32>, vector<400x128xf32> -> vector<400x256xf32>
    %mul3A = vector.broadcast %div3A_8 : vector<400x1xf32> to vector<400x256xf32>
    %mul3A_15 = arith.mulf %concatenate3A, %mul3A : vector<400x256xf32>
    %get3A_16 = arith.constant 0 : index
    %get3A_17 = arith.constant 0 : index
    %get3A_18 = vector.load %arg1[%get3A_16, %get3A_17] : memref<400x256xf32, #tpu.memory_space<vmem>>, vector<400x256xf32>
    %add3A_19 = arith.addf %get3A_18, %mul3A_15 : vector<400x256xf32>
    %max3A_20 = arith.constant 0.000000e+00 : f32
    %max3A_21 = vector.broadcast %max3A_20 : f32 to vector<400x256xf32>
    %max3A_22 = arith.maximumf %add3A_19, %max3A_21 : vector<400x256xf32>
    %get3A_23 = arith.constant 0 : index
    %get3A_24 = arith.constant 0 : index
    %get3A_25 = vector.load %arg6[%get3A_23, %get3A_24] : memref<256x256xf32, #tpu.memory_space<vmem>>, vector<256x256xf32>
    %dot_general3A = arith.constant dense<0.000000e+00> : vector<400x256xf32>
    %dot_general3A_26 = tpu.matmul %max3A_22, %get3A_25, %dot_general3A {dimension_numbers = #tpu.dot_dimension_numbers<[1], [0], [0], [1], [0, 0, 1, 1], [], []>, transpose_lhs_hint = false} : vector<400x256xf32>, vector<256x256xf32>, vector<400x256xf32> -> vector<400x256xf32>
    %slice3A = vector.extract_strided_slice %dot_general3A_26 {offsets = [0, 0], sizes = [400, 128], strides = [1, 1]} : vector<400x256xf32> to vector<400x128xf32>
    %swap3A = arith.constant 0 : index
    %swap3A_27 = arith.constant 0 : index
    %swap3A_28 = vector.load %arg7[%swap3A, %swap3A_27] : memref<400x128xf32, #tpu.memory_space<vmem>>, vector<400x128xf32>
    tpu.vector_store %arg7[%swap3A, %swap3A_27], %slice3A {strides = array<i32>} : memref<400x128xf32, #tpu.memory_space<vmem>>, vector<400x128xf32>,
    %slice3A_29 = vector.extract_strided_slice %dot_general3A_26 {offsets = [0, 128], sizes = [400, 128], strides = [1, 1]} : vector<400x256xf32> to vector<400x128xf32>
    %swap3A_30 = arith.constant 0 : index
    %swap3A_31 = arith.constant 0 : index
    %swap3A_32 = vector.load %arg8[%swap3A_30, %swap3A_31] : memref<400x128xf32, #tpu.memory_space<vmem>>, vector<400x128xf32>
    tpu.vector_store %arg8[%swap3A_30, %swap3A_31], %slice3A_29 {strides = array<i32>} : memref<400x128xf32, #tpu.memory_space<vmem>>, vector<400x128xf32>,
    return
  }
  func.func @transform_0(%arg0: i32) -> (i32, i32) {
    %c0_i32 = arith.constant 0 : i32
    %c0_i32_0 = arith.constant 0 : i32
    return %arg0, %c0_i32 : i32, i32
  }
  func.func @transform_1(%arg0: i32) -> (i32, i32) {
    %c0_i32 = arith.constant 0 : i32
    %c0_i32_0 = arith.constant 0 : i32
    return %arg0, %c0_i32 : i32, i32
  }
  func.func @transform_2(%arg0: i32) -> (i32, i32) {
    %c0_i32 = arith.constant 0 : i32
    %c0_i32_0 = arith.constant 0 : i32
    return %arg0, %c0_i32 : i32, i32
  }
  func.func @transform_3(%arg0: i32) -> (i32, i32) {
    %c0_i32 = arith.constant 0 : i32
    %c0_i32_0 = arith.constant 0 : i32
    return %arg0, %c0_i32 : i32, i32
  }
  func.func @transform_4(%arg0: i32) -> (i32, i32) {
    %c0_i32 = arith.constant 0 : i32
    %c0_i32_0 = arith.constant 0 : i32
    return %arg0, %c0_i32 : i32, i32
  }
  func.func @transform_5(%arg0: i32) -> (i32, i32) {
    %c0_i32 = arith.constant 0 : i32
    %c0_i32_0 = arith.constant 0 : i32
    %c0_i32_1 = arith.constant 0 : i32
    return %c0_i32, %c0_i32_0 : i32, i32
  }
  func.func @transform_6(%arg0: i32) -> (i32, i32) {
    %c0_i32 = arith.constant 0 : i32
    %c0_i32_0 = arith.constant 0 : i32
    return %arg0, %c0_i32 : i32, i32
  }
  func.func @transform_7(%arg0: i32) -> (i32, i32) {
    %c0_i32 = arith.constant 0 : i32
    %c0_i32_0 = arith.constant 0 : i32
    return %arg0, %c0_i32 : i32, i32
  }
}

module attributes {stable_mosaic.version = 14 : i64} {
  func.func @_mid_s_body(%arg0: i32, %arg1: memref<400x256xf32, #tpu.memory_space<vmem>>, %arg2: memref<400x128xf32, #tpu.memory_space<vmem>>, %arg3: memref<400x128xf32, #tpu.memory_space<vmem>>, %arg4: memref<400x1xf32, #tpu.memory_space<vmem>>, %arg5: memref<400x1xf32, #tpu.memory_space<vmem>>, %arg6: memref<256x256xf32, #tpu.memory_space<vmem>>, %arg7: memref<1x256xf32, #tpu.memory_space<vmem>>, %arg8: memref<400x256xf32, #tpu.memory_space<vmem>>) attributes {dimension_semantics = [#tpu.dimension_semantics<arbitrary>], iteration_bounds = array<i64: 25>, scalar_prefetch = 0 : i64, scratch_operands = 0 : i64, tpu.core_type = #tpu.core_type<tc>, window_params = [{transform_indices = @transform_0, window_bounds = array<i64: 400, 256>}, {transform_indices = @transform_1, window_bounds = array<i64: 400, 128>}, {transform_indices = @transform_2, window_bounds = array<i64: 400, 128>}, {transform_indices = @transform_3, window_bounds = array<i64: 400, 1>}, {transform_indices = @transform_4, window_bounds = array<i64: 400, 1>}, {pipeline_mode = #tpu.pipeline_mode<synchronous>, transform_indices = @transform_5, window_bounds = array<i64: 256, 256>}, {pipeline_mode = #tpu.pipeline_mode<synchronous>, transform_indices = @transform_6, window_bounds = array<i64: 1, 256>}, {transform_indices = @transform_7, window_bounds = array<i64: 400, 256>}]} {
    %get3A = arith.constant 0 : index
    %get3A_0 = arith.constant 0 : index
    %get3A_1 = vector.load %arg4[%get3A, %get3A_0] : memref<400x1xf32, #tpu.memory_space<vmem>>, vector<400x1xf32>
    %get3A_2 = arith.constant 0 : index
    %get3A_3 = arith.constant 0 : index
    %get3A_4 = vector.load %arg5[%get3A_2, %get3A_3] : memref<400x1xf32, #tpu.memory_space<vmem>>, vector<400x1xf32>
    %add3A = arith.addf %get3A_1, %get3A_4 : vector<400x1xf32>
    %max3A = arith.constant 1.000000e+00 : f32
    %max3A_5 = vector.broadcast %max3A : f32 to vector<400x1xf32>
    %max3A_6 = arith.maximumf %add3A, %max3A_5 : vector<400x1xf32>
    %div3A = arith.constant 1.000000e+00 : f32
    %div3A_7 = vector.broadcast %div3A : f32 to vector<400x1xf32>
    %div3A_8 = arith.divf %div3A_7, %max3A_6 : vector<400x1xf32>
    %get3A_9 = arith.constant 0 : index
    %get3A_10 = arith.constant 0 : index
    %get3A_11 = vector.load %arg2[%get3A_9, %get3A_10] : memref<400x128xf32, #tpu.memory_space<vmem>>, vector<400x128xf32>
    %get3A_12 = arith.constant 0 : index
    %get3A_13 = arith.constant 0 : index
    %get3A_14 = vector.load %arg3[%get3A_12, %get3A_13] : memref<400x128xf32, #tpu.memory_space<vmem>>, vector<400x128xf32>
    %concatenate3A = tpu.concatenate %get3A_11, %get3A_14 in 1 : vector<400x128xf32>, vector<400x128xf32> -> vector<400x256xf32>
    %mul3A = vector.broadcast %div3A_8 : vector<400x1xf32> to vector<400x256xf32>
    %mul3A_15 = arith.mulf %concatenate3A, %mul3A : vector<400x256xf32>
    %get3A_16 = arith.constant 0 : index
    %get3A_17 = arith.constant 0 : index
    %get3A_18 = vector.load %arg1[%get3A_16, %get3A_17] : memref<400x256xf32, #tpu.memory_space<vmem>>, vector<400x256xf32>
    %add3A_19 = arith.addf %get3A_18, %mul3A_15 : vector<400x256xf32>
    %max3A_20 = arith.constant 0.000000e+00 : f32
    %max3A_21 = vector.broadcast %max3A_20 : f32 to vector<400x256xf32>
    %max3A_22 = arith.maximumf %add3A_19, %max3A_21 : vector<400x256xf32>
    %get3A_23 = arith.constant 0 : index
    %get3A_24 = arith.constant 0 : index
    %get3A_25 = vector.load %arg6[%get3A_23, %get3A_24] : memref<256x256xf32, #tpu.memory_space<vmem>>, vector<256x256xf32>
    %dot_general3A = arith.constant dense<0.000000e+00> : vector<400x256xf32>
    %dot_general3A_26 = tpu.matmul %max3A_22, %get3A_25, %dot_general3A {dimension_numbers = #tpu.dot_dimension_numbers<[1], [0], [0], [1], [0, 0, 1, 1], [], []>, transpose_lhs_hint = false} : vector<400x256xf32>, vector<256x256xf32>, vector<400x256xf32> -> vector<400x256xf32>
    %get3A_27 = arith.constant 0 : index
    %get3A_28 = arith.constant 0 : index
    %get3A_29 = vector.load %arg7[%get3A_27, %get3A_28] : memref<1x256xf32, #tpu.memory_space<vmem>>, vector<1x256xf32>
    %add3A_30 = vector.broadcast %get3A_29 : vector<1x256xf32> to vector<400x256xf32>
    %add3A_31 = arith.addf %dot_general3A_26, %add3A_30 : vector<400x256xf32>
    %swap3A = arith.constant 0 : index
    %swap3A_32 = arith.constant 0 : index
    %swap3A_33 = vector.load %arg8[%swap3A, %swap3A_32] : memref<400x256xf32, #tpu.memory_space<vmem>>, vector<400x256xf32>
    tpu.vector_store %arg8[%swap3A, %swap3A_32], %add3A_31 {strides = array<i32>} : memref<400x256xf32, #tpu.memory_space<vmem>>, vector<400x256xf32>,
    return
  }
  func.func @transform_0(%arg0: i32) -> (i32, i32) {
    %c0_i32 = arith.constant 0 : i32
    %c0_i32_0 = arith.constant 0 : i32
    return %arg0, %c0_i32 : i32, i32
  }
  func.func @transform_1(%arg0: i32) -> (i32, i32) {
    %c0_i32 = arith.constant 0 : i32
    %c0_i32_0 = arith.constant 0 : i32
    return %arg0, %c0_i32 : i32, i32
  }
  func.func @transform_2(%arg0: i32) -> (i32, i32) {
    %c0_i32 = arith.constant 0 : i32
    %c0_i32_0 = arith.constant 0 : i32
    return %arg0, %c0_i32 : i32, i32
  }
  func.func @transform_3(%arg0: i32) -> (i32, i32) {
    %c0_i32 = arith.constant 0 : i32
    %c0_i32_0 = arith.constant 0 : i32
    return %arg0, %c0_i32 : i32, i32
  }
  func.func @transform_4(%arg0: i32) -> (i32, i32) {
    %c0_i32 = arith.constant 0 : i32
    %c0_i32_0 = arith.constant 0 : i32
    return %arg0, %c0_i32 : i32, i32
  }
  func.func @transform_5(%arg0: i32) -> (i32, i32) {
    %c0_i32 = arith.constant 0 : i32
    %c0_i32_0 = arith.constant 0 : i32
    %c0_i32_1 = arith.constant 0 : i32
    return %c0_i32, %c0_i32_0 : i32, i32
  }
  func.func @transform_6(%arg0: i32) -> (i32, i32) {
    %c0_i32 = arith.constant 0 : i32
    %c0_i32_0 = arith.constant 0 : i32
    %c0_i32_1 = arith.constant 0 : i32
    return %c0_i32, %c0_i32_0 : i32, i32
  }
  func.func @transform_7(%arg0: i32) -> (i32, i32) {
    %c0_i32 = arith.constant 0 : i32
    %c0_i32_0 = arith.constant 0 : i32
    return %arg0, %c0_i32 : i32, i32
  }
}

module attributes {stable_mosaic.version = 14 : i64} {
  func.func @_fin_body(%arg0: i32, %arg1: memref<400x256xf32, #tpu.memory_space<vmem>>, %arg2: memref<400x128xf32, #tpu.memory_space<vmem>>, %arg3: memref<400x128xf32, #tpu.memory_space<vmem>>, %arg4: memref<400x1xf32, #tpu.memory_space<vmem>>, %arg5: memref<400x1xf32, #tpu.memory_space<vmem>>, %arg6: memref<400x256xf32, #tpu.memory_space<vmem>>) attributes {dimension_semantics = [#tpu.dimension_semantics<arbitrary>], iteration_bounds = array<i64: 25>, scalar_prefetch = 0 : i64, scratch_operands = 0 : i64, tpu.core_type = #tpu.core_type<tc>, window_params = [{transform_indices = @transform_0, window_bounds = array<i64: 400, 256>}, {transform_indices = @transform_1, window_bounds = array<i64: 400, 128>}, {transform_indices = @transform_2, window_bounds = array<i64: 400, 128>}, {transform_indices = @transform_3, window_bounds = array<i64: 400, 1>}, {transform_indices = @transform_4, window_bounds = array<i64: 400, 1>}, {transform_indices = @transform_5, window_bounds = array<i64: 400, 256>}]} {
    %get3A = arith.constant 0 : index
    %get3A_0 = arith.constant 0 : index
    %get3A_1 = vector.load %arg4[%get3A, %get3A_0] : memref<400x1xf32, #tpu.memory_space<vmem>>, vector<400x1xf32>
    %get3A_2 = arith.constant 0 : index
    %get3A_3 = arith.constant 0 : index
    %get3A_4 = vector.load %arg5[%get3A_2, %get3A_3] : memref<400x1xf32, #tpu.memory_space<vmem>>, vector<400x1xf32>
    %add3A = arith.addf %get3A_1, %get3A_4 : vector<400x1xf32>
    %max3A = arith.constant 1.000000e+00 : f32
    %max3A_5 = vector.broadcast %max3A : f32 to vector<400x1xf32>
    %max3A_6 = arith.maximumf %add3A, %max3A_5 : vector<400x1xf32>
    %div3A = arith.constant 1.000000e+00 : f32
    %div3A_7 = vector.broadcast %div3A : f32 to vector<400x1xf32>
    %div3A_8 = arith.divf %div3A_7, %max3A_6 : vector<400x1xf32>
    %get3A_9 = arith.constant 0 : index
    %get3A_10 = arith.constant 0 : index
    %get3A_11 = vector.load %arg1[%get3A_9, %get3A_10] : memref<400x256xf32, #tpu.memory_space<vmem>>, vector<400x256xf32>
    %get3A_12 = arith.constant 0 : index
    %get3A_13 = arith.constant 0 : index
    %get3A_14 = vector.load %arg2[%get3A_12, %get3A_13] : memref<400x128xf32, #tpu.memory_space<vmem>>, vector<400x128xf32>
    %get3A_15 = arith.constant 0 : index
    %get3A_16 = arith.constant 0 : index
    %get3A_17 = vector.load %arg3[%get3A_15, %get3A_16] : memref<400x128xf32, #tpu.memory_space<vmem>>, vector<400x128xf32>
    %concatenate3A = tpu.concatenate %get3A_14, %get3A_17 in 1 : vector<400x128xf32>, vector<400x128xf32> -> vector<400x256xf32>
    %mul3A = vector.broadcast %div3A_8 : vector<400x1xf32> to vector<400x256xf32>
    %mul3A_18 = arith.mulf %concatenate3A, %mul3A : vector<400x256xf32>
    %add3A_19 = arith.addf %get3A_11, %mul3A_18 : vector<400x256xf32>
    %swap3A = arith.constant 0 : index
    %swap3A_20 = arith.constant 0 : index
    %swap3A_21 = vector.load %arg6[%swap3A, %swap3A_20] : memref<400x256xf32, #tpu.memory_space<vmem>>, vector<400x256xf32>
    tpu.vector_store %arg6[%swap3A, %swap3A_20], %add3A_19 {strides = array<i32>} : memref<400x256xf32, #tpu.memory_space<vmem>>, vector<400x256xf32>,
    return
  }
  func.func @transform_0(%arg0: i32) -> (i32, i32) {
    %c0_i32 = arith.constant 0 : i32
    %c0_i32_0 = arith.constant 0 : i32
    return %arg0, %c0_i32 : i32, i32
  }
  func.func @transform_1(%arg0: i32) -> (i32, i32) {
    %c0_i32 = arith.constant 0 : i32
    %c0_i32_0 = arith.constant 0 : i32
    return %arg0, %c0_i32 : i32, i32
  }
  func.func @transform_2(%arg0: i32) -> (i32, i32) {
    %c0_i32 = arith.constant 0 : i32
    %c0_i32_0 = arith.constant 0 : i32
    return %arg0, %c0_i32 : i32, i32
  }
  func.func @transform_3(%arg0: i32) -> (i32, i32) {
    %c0_i32 = arith.constant 0 : i32
    %c0_i32_0 = arith.constant 0 : i32
    return %arg0, %c0_i32 : i32, i32
  }
  func.func @transform_4(%arg0: i32) -> (i32, i32) {
    %c0_i32 = arith.constant 0 : i32
    %c0_i32_0 = arith.constant 0 : i32
    return %arg0, %c0_i32 : i32, i32
  }
  func.func @transform_5(%arg0: i32) -> (i32, i32) {
    %c0_i32 = arith.constant 0 : i32
    %c0_i32_0 = arith.constant 0 : i32
    return %arg0, %c0_i32 : i32, i32
  }
}

</mosaic_0001>

<sc_bundles>
// kernel: kernel.10.cloned.1.call-start
scs
__scs_entry_jumppad:
0x0: {  	(pc) =	sbr.rel $0x88, $3  }
0x1: {  	(tag) =	ssettag $0x0;
	lr =	simm.s32 $0x1  }
0x2: {  	[smem:$0x3F99] =	sst lr;
	_ =	strace $0xD0000000  }
0x3: {  	_ = 	snop  }
0x4: {  	_ = 	snop  }
0x5: {  	_ = 	snop  }
0x6: {  	_ = 	snop  }
0x7: {  	_ = 	snop  }
__scs_overlays_trampoline_lowered:
0x8: {  	[smem:$0x3FA8] =	sst s0  }
0x9: {  	[smem:$0x3FA9] =	sst s1  }
0xa: {  	[smem:$0x3FAA] =	sst s2  }
0xb: {  	[smem:$0x3FAB] =	sst s3  }
0xc: {  	[smem:$0x3FAC] =	sst s4  }
0xd: {  	[smem:$0x3FAD] =	sst s5  }
0xe: {  	[smem:$0x3FAE] =	sst s6  }
0xf: {  	[smem:$0x3FAF] =	sst s7  }
0x10: {  	[smem:$0x3FB0] =	sst s8  }
0x11: {  	[smem:$0x3FB1] =	sst s9;
	s0 =	simm.s32 @!p0 $0x0  }
0x12: {  	s1 =	sld [smem:$0x3F97];
	s0 =	simm.s32 @p0 $0x1  }
0x13: {  	[smem:$0x3FB2] =	sst s0;
	s0 =	simm.s32 @!p1 $0x0  }
0x14: {  	s2 =	sld [smem:$0x3F96];
	s0 =	simm.s32 @p1 $0x1  }
0x15: {  	[smem:$0x3FB3] =	sst s0;
	s0 =	simm.s32 @!p2 $0x0  }
0x16: {  	s3 =	sld [smem:$0x3FDB];
	s0 =	simm.s32 @p2 $0x1  }
0x17: {  	s4 =	simm.s32 $0x1BF5;
	[smem:$0x3FB5] =	sst s0  }
0x18: {  	s0 =	sld [smem:$0x3F98];
	_ =	swait.ge [sflag:s4], $0x0  }
0x19: {  	s7 =	sld [smem:$0x3F99]  }
0x1a: {  	s8 =	sadd.s32 $0xFFFFE003, lr  }
0x1b: {  	s9 =	sadd.s32 $0xFFFFFEF7, lr;
	s5 =	simm.s32 $0xFFFFFFFF;
	p2 =	slt.u32 s8, $0xFFFFF086  }
0x1c: {  	p1 =	slt.u32 s9, $0xF7A;
	s5 =	simm.s32 @!p2 $0x0  }
0x1d: {  	s5 =	simm.s32 @p1 $0x1;
	p0 =	seq.s32 s7, s2  }
0x1e: {  	s7 =	smul.u32 @!p0 $0xF7A, s2;
	p2 =	seq.s32 @!p0 s5, $0x0  }
0x1f: {  	s9 =	smul.u32 $0xF7A, s1;
	s8 =	simm.s32 @!p0 $0x1BF5;
	p2 =	por !p2, p0  }
0x20: {  	[sflag:s8] =	ssyncset.s32 @!p0 $0xFFFFF086;
	s6 =	sadd.s32 @!p0 s3, s7;
	s7 =	simm.s32 @!p0 $0x108  }
0x21: {  	s3 =	sadd.s32 s3, s9;
	s6 =	sadd.s32 @!p0 $0x88, s6;
	s7 =	simm.s32 @p2 $0x1082  }
0x22: {  	[simem:s7], [sflag:s8] =	dma.local @!p0 [hbm:s6], $0xF7A  }
0x23: {  	s9 =	sor.u32 $0xD0000000, s2;
	s6 =	simm.s32 $0x108;
	_ =	swait.ge @!p0 [sflag:s8], $0x0  }
0x24: {  	s3 =	sadd.s32 $0x88, s3;
	s6 =	simm.s32 @!p1 $0x1082;
	[sflag:s4] =	ssyncset.s32 $0xFFFFF086  }
0x25: {  	[simem:s6], [sflag:s4] =	dma.local [hbm:s3], $0xF7A  }
0x26: {  	[smem:$0x3F99] =	sst s1;
	(tag) =	ssettag s2;
	_ =	strace s9  }
0x27: {  	s1 =	sld [smem:$0x3FA9]  }
0x28: {  	s2 =	sld [smem:$0x3FAA]  }
0x29: {  	s4 =	sld [smem:$0x3FAC]  }
0x2a: {  	p0 =	seq.s32 s5, $0x0;
	s5 =	sld [smem:$0x3FAD]  }
0x2b: {  	s6 =	sld [smem:$0x3FAE]  }
0x2c: {  	s7 =	sld [smem:$0x3FAF]  }
0x2d: {  	s3 =	simm.s32 $0x108;
	s8 =	sld [smem:$0x3FB0]  }
0x2e: {  	s3 =	simm.s32 @!p0 $0x1082;
	s9 =	sld [smem:$0x3FB1]  }
0x2f: {  	lr =	sadd.s32 s0, s3;
	s0 =	sld [smem:$0x3FA8]  }
0x30: {  	s3 =	sld [smem:$0x3FAB]  }
0x31: {  	[smem:$0x3FB4] =	sst s10  }
0x32: {  	s10 =	sld [smem:$0x3FB2];
	_ =	sdelay $0x3  }
0x33: {  	p0 =	seq.s32 s10, $0x1;
	s10 =	sld [smem:$0x3FB4];
	_ =	sdelay $0x3  }
0x34: {  	[smem:$0x3FB4] =	sst s10  }
0x35: {  	s10 =	sld [smem:$0x3FB3];
	_ =	sdelay $0x3  }
0x36: {  	p1 =	seq.s32 s10, $0x1;
	s10 =	sld [smem:$0x3FB4];
	_ =	sdelay $0x3  }
0x37: {  	[smem:$0x3FB4] =	sst s10  }
0x38: {  	s10 =	sld [smem:$0x3FB5]  }
0x39: {  	_ = 	snop;
	(pc) =	sbr.ind lr, $3  }
0x3a: {  	_ = 	snop  }
0x3b: {  	_ = 	snop  }
0x3c: {  	p2 =	seq.s32 s10, $0x1;
	s10 =	sld [smem:$0x3FB4]  }
0x3d: {  	_ =	shalt  }
0x3e: {  	_ =	shalt  }
0x3f: {  	_ =	shalt  }
0x40: {  	_ =	shalt  }
0x41: {  	_ =	shalt  }
0x42: {  	_ =	shalt  }
0x43: {  	_ =	shalt  }
0x44: {  	_ =	shalt  }
0x45: {  	_ =	shalt  }
0x46: {  	_ =	shalt  }
0x47: {  	_ =	shalt  }
0x48: {  	_ =	shalt  }
0x49: {  	_ =	shalt  }
0x4a: {  	_ =	shalt  }
0x4b: {  	_ =	shalt  }
0x4c: {  	_ =	shalt  }
0x4d: {  	_ =	shalt  }
0x4e: {  	_ =	shalt  }
0x4f: {  	_ =	shalt  }
0x50: {  	_ =	shalt  }
0x51: {  	_ =	shalt  }
0x52: {  	_ =	shalt  }
0x53: {  	_ =	shalt  }
0x54: {  	_ =	shalt  }
0x55: {  	_ =	shalt  }
0x56: {  	_ =	shalt  }
0x57: {  	_ =	shalt  }
0x58: {  	_ =	shalt  }
0x59: {  	_ =	shalt  }
0x5a: {  	_ =	shalt  }
0x5b: {  	_ =	shalt  }
0x5c: {  	_ =	shalt  }
0x5d: {  	_ =	shalt  }
0x5e: {  	_ =	shalt  }
0x5f: {  	_ =	shalt  }
0x60: {  	_ =	shalt  }
0x61: {  	_ =	shalt  }
0x62: {  	_ =	shalt  }
0x63: {  	_ =	shalt  }
0x64: {  	_ =	shalt  }
0x65: {  	_ =	shalt  }
0x66: {  	_ =	shalt  }
0x67: {  	_ =	shalt  }
0x68: {  	_ =	shalt  }
0x69: {  	_ =	shalt  }
0x6a: {  	_ =	shalt  }
0x6b: {  	_ =	shalt  }
0x6c: {  	_ =	shalt  }
0x6d: {  	_ =	shalt  }
0x6e: {  	_ =	shalt  }
0x6f: {  	_ =	shalt  }
0x70: {  	_ =	shalt  }
0x71: {  	_ =	shalt  }
0x72: {  	_ =	shalt  }
0x73: {  	_ =	shalt  }
0x74: {  	_ =	shalt  }
0x75: {  	_ =	shalt  }
0x76: {  	_ =	shalt  }
0x77: {  	_ =	shalt  }
0x78: {  	_ =	shalt  }
0x79: {  	_ =	shalt  }
0x7a: {  	_ =	shalt  }
0x7b: {  	_ =	shalt  }
0x7c: {  	_ =	shalt  }
0x7d: {  	_ =	shalt  }
0x7e: {  	_ =	shalt  }
0x7f: {  	_ =	shalt  }
0x80: {  	_ =	shalt  }
0x81: {  	_ =	shalt  }
0x82: {  	_ =	shalt  }
0x83: {  	_ =	shalt  }
0x84: {  	_ =	shalt  }
0x85: {  	_ =	shalt  }
0x86: {  	_ =	shalt  }
0x87: {  	_ =	shalt  }
.Lfunc_end0:
.L_simem_size_0:
called_computation_lowered:
.L_overlay_start_0:
0x88: {  	s2 =	sld [smem:$0x3FD9]  }
0x89: {  	s3 =	sld [smem:$0x3FFE];
	_ =	sdelay $0x1  }
0x8a: {  	s1 =	srdreg.scid  }
0x8b: {  	s0 =	sand.u32 $0x1, s1  }
0x8c: {  	s16 =	sshll.u32 s0, $0xA;
	s2 =	sadd.s32 s3, s2  }
0x8d: {  	s2 =	sadd.s32 s2, s16  }
0x8e: {  	[smem:$0x3FC0] =	sst s2  }
0x8f: {  	_ = 	snop  }
0x90: {  	(tm) =	ssettm $0x1  }
0x91: {  	s17 =	sld [smem:$0x3FFB];
	_ =	sdelay $0x3  }
0x92: {  	_ =	strace s17  }
0x93: {  	s2 =	sld [smem:$0x3FFC];
	_ =	sdelay $0x3  }
0x94: {  	_ =	strace s2  }
0x95: {  	s2 =	sld [smem:$0x3FFD];
	_ =	sdelay $0x3  }
0x96: {  	_ =	strace s2  }
0x97: {  	_ =	strace $0x8FFFFFFF  }
0x98: {  	s18 =	sld [smem:$0x3FDB];
	_ =	sdelay $0x1  }
0x99: {  	s19 =	simm.s32 $_scs_section_size  }
0x9a: {  	s4 =	simm.s32 $_size__tile_overlayer_lowered;
	s5 =	simm.s32 $_tile_overlayer_lowered  }
0x9b: {  	s22 =	simm.s32 $0x1BFF;
	s21 =	sshll.u32 s5, $0x1;
	s2 =	sadd.s32 s19, s18  }
0x9c: {  	s6 =	simm.s32 $0x0;
	s20 =	sshll.u32 s4, $0x1;
	s4 =	sadd.s32 s21, s2  }
0x9d: {  	[timem:s6], [sflag:s22] =	dma.local [hbm:s4], s20  }
0x9e: {  	_ =	swait.ge [sflag:s22], s20  }
0x9f: {  	s3 =	ssub.s32 $0x0, s20;
	[sflag:s22] =	ssyncset.done $0x0  }
0xa0: {  	[sflag:s22] =	ssyncadd.s32 s3;
	_ =	sdelay $0x1  }
0xa1: {  	s23 =	simm.s32 $0x1B8B  }
0xa2: {  	_ =	swait.ge [sflag:s23], $0x1  }
0xa3: {  	[sflag:s23] =	ssyncset.done $0x0  }
0xa4: {  	s25 =	simm.s32 $0x1B8E;
	s24 =	sld [smem:$0x3FFE];
	[sflag:s23] =	ssyncadd.s32 $0xFFFFFFFF  }
0xa5: {  	s26 =	simm.s32 $execute0_lowered;
	[smem:$0x3FD2] =	sst s25  }
0xa6: {  	s4 =	sshll.u32 s26, $0x1;
	_ =	strace $0x80000046;
	[dreg:$0x1] =	wrdreg $0xFFFFFFFF  }
0xa7: {  	s28 =	simm.s32 $_size_execute0_lowered;
	s2 =	sadd.s32 s2, s4;
	[dreg:$0x0] =	wrdreg $0x0  }
0xa8: {  	s4 =	sshll.u32 s28, $0x1;
	[dreg:$0x2] =	wrdreg s2  }
0xa9: {  	[dreg:$0x3] =	wrdreg s4  }
0xaa: {  	[dreg:$0x4] =	wrdreg $0xC0  }
0xab: {  	_ =	task [dreg:s6], $0x5FFFF  }
0xac: {  	[dreg:$0x1] =	wrdreg $0xFFFFFFFF  }
0xad: {  	[dreg:$0x0] =	wrdreg $0x60  }
0xae: {  	[dreg:$0x2] =	wrdreg s24  }
0xaf: {  	[dreg:$0x3] =	wrdreg $0x66800  }
0xb0: {  	[dreg:$0x4] =	wrdreg $0x9  }
0xb1: {  	_ =	task.clear_ibuf [dreg:s6], $0x5FFFF;
	_ =	strace $0x90000046  }
0xb2: {  	s29 =	simm.s32 $0x9;
	_ =	strace $0x80000048  }
0xb3: {  	_ =	swait.ge [sflag:s29], $0x1  }
0xb4: {  	[sflag:s29] =	ssyncadd.s32 $0xFFFFFFFF  }
0xb5: {  	_ =	strace $0x90000048  }
0xb6: {  	_ =	sfence  }
0xb7: {  	s30 =	sld [smem:$0x0];
	_ =	sdelay $0x2  }
0xb8: {  	s31 =	sshll.u32 s1, $0xD;
	s1 =	sshrl.u32 s1, $0x2  }
0xb9: {  	s3 =	sand.u32 $0x4000, s31;
	s1 =	sadd.s32 s1, s30  }
0xba: {  	s0 =	sor.u32 s3, s0;
	s1 =	sshll.u32 s1, $0x11  }
0xbb: {  	s0 =	sor.u32 s1, s0  }
0xbc: {  	s0 =	sadd.s32 $0x8F2B, s0  }
0xbd: {  	[sflag:s0] =	ssyncadd.remote.s32 $0x1  }
0xbe: {  	_ =	sfence.sel $0xFFFF  }
0xbf: {  	[dreg:$0x0] =	wrdreg $0xFFFFFFFF;
	(pc) =	sbr.abs _section_cstart, $3  }
0xc0: {  	[dreg:$0x1] =	wrdreg $0xFFFFFFFF  }
0xc1: {  	_ =	task.clear_ibuf [dreg:s6], $0x2FFFF;
	_ =	strace $0x9FFFFFFF  }
0xc2: {  	(tm) =	ssettm $0x7FFFFFFF  }
0xc3: {  	_ =	shalt  }
tec
execute0_lowered:
.L_overlay_start_1:
0x0: {  	(tag) =	ssettag $0x1  }
0x1: {  	s7 =	rddreg [dreg:$0x0]  }
0x2: {  	s0 =	srdreg.scid;
	s6 =	rddreg [dreg:$0x1];
	s2 =	simm.s32 $0x0  }
0x3: {  	s11 =	simm.s32 $0x400;
	s12 =	simm.s32 $0x14000;
	s13 =	simm.s32 $0x3C00  }
0x4: {  	s14 =	simm.s32 $0x6400;
	s15 =	simm.s32 $0x0;
	s5 =	sand.u32 $0x1, s0  }
0x5: {  	s0 =	stileid.u32;
	[smem:$0x7FF] =	sst s2;
	s1 =	sshll.u32 s5, $0x4  }
0x6: {  	s4 =	ssub.s32 $0x2, s5;
	s8 =	sshrl.u32 s0, $0x3;
	s10 =	smul.u32 $0x5000, s0  }
0x7: {  	s29 =	sshll.u32 s0, $0x7;
	p0 =	seq.s32 s5, $0x1;
	s31 =	smul.u32 $0x50, s0  }
0x8: {  	s3 =	sor.u32 s0, s1;
	s1 =	rddreg [dreg:$0x2];
	s8 =	smul.u32 $0x50000, s8  }
0x9: {  	s9 =	sshrl.u32 s4, $0x1;
	_ =	strace $0x80000047;
	s3 =	smul.u32 $0x1388, s3  }
0xa: {  	s9 =	ssub.s32 s4, s9;
	s4 =	sand.u32 $0x380, s29;
	s8 =	sshrl.u32 s8, $0x2  }
0xb: {  	s30 =	sshrl.u32 s10, $0x2;
	s10 =	simm.s32 $0x80;
	s8 =	sadd.s32 s8, s6  }
0xc: {  	s5 =	sadd.s32 s30, s6;
	s4 =	sadd.s32 s4, s8;
	s8 =	simm.s32 $0xF800  }
0xd: {  	s3 =	sshrl.u32 s3, $0x3;
	s6 =	smax.u32 s9, $0x1;
	s8 =	simm.s32 @!p0 $0xFE00  }
0xe: {  	s9 =	simm.s32 $0x1400;
	s3 =	sadd.s32 s7, s3;
	s7 =	sadd.s32 s8, s7  }
0xf: {  	v0 =	vimm.f32 $0.0e+00;
	v1 =	vimm.f32 $1.000000000e+00;
	vm0 =	vcmask $0x3F20;
	s3 =	sadd.s32 $0xA820, s3;
	s8 =	simm.s32 $0x1;
	s7 =	sadd.s32 s7, s31  }
.LBB2_1:
0x10: {  	[tilespmem:s2], [sflag:$0x1] =	stream.linear.gather [hbm4b:s3+s2], $0x1388, $0x38;
	[tilespmem:$0x8E80] =	vst v63  }
0x11: {  	_ =	swait.ge [sflag:s8], $0x1388  }
0x12: {  	[sflag:s8] =	ssyncset.done $0x0  }
0x13: {  	s16 =	simm.s32 $0x0;
	[sflag:s8] =	ssyncadd.s32 $0xFFFFEC78  }
.LBB2_2:
0x14: {  	p0 =	sne.s32 s16, $0x9FC0  }
.Ltmp0:
0x15: {  	_ = 	snop;
	(pc) =	sbr.rel @p0 .LBB2_2-.Ltmp0, $3  }
0x16: {  	_ =	sdelay $0x1  }
0x17: {  	s17 =	sshra.s32 s16, $0x2  }
0x18: {  	s16 =	sadd.s32 $0x40, s16;
	[tilespmem:s17+$0x1400] =	vst v0  }
0x19: {  	s17 =	simm.s32 $0x0;
	s16 =	simm.s32 $0x40  }
.LBB2_4:
0x1a: {  	p0 =	sne.s32 s16, $0x4DC0;
	v2 =	vld [tilespmem:s17+$0x0];
	_ =	sdelay $0x3  }
.Ltmp1:
0x1b: {  	(pc) =	sbr.rel @p0 .LBB2_4-.Ltmp1, $2  }
0x1c: {  	_ =	sdelay $0x2  }
0x1d: {  	s17 =	sshra.s32 s16, $0x2;
	s16 =	sadd.s32 $0x40, s16;
	[tilespmem:v2+s9+$0x0] =	vst.idx.add.f32.msk $0xffff, v1  }
0x1e: {  	v2 =	vld [tilespmem:s17+$0x0];
	_ =	sdelay $0x7  }
0x1f: {  	[tilespmem:v2+s9+$0x0] =	vst.idx.add.f32.msk $0xffff, v1  }
0x20: {  	v2 =	vld [tilespmem:$0x1378];
	_ =	sdelay $0x7  }
0x21: {  	[tilespmem:v2+s9+$0x0] =	vst.idx.add.f32.msk vm0, v1  }
0x22: {  	[spmem:s4] =	stream.strided.scatter [tilespmem:s9], [sflag:$0x1], $0x2800, s11, s10, $0x38;
	[tilespmem:$0x8E80] =	vst v63  }
0x23: {  	_ =	swait.ge [sflag:s8], $0x2800  }
0x24: {  	[sflag:s8] =	ssyncset.done $0x0  }
0x25: {  	[sflag:s8] =	ssyncadd.s32 $0xFFFFD800  }
0x26: {  	[bflag:$0x0] =	sbarrier.arrive $0xFFFF  }
0x27: {  	[tilespmem:s13], [sflag:$0x1] =	stream.strided.gather [spmem:s5], $0x2800, s12, s9, $0x38;
	[tilespmem:$0x8E80] =	vst v63  }
0x28: {  	s16 =	simm.s32 $0x0;
	_ =	swait.ge [sflag:s8], $0x2800  }
0x29: {  	s31 =	sand.u32 $0x70, s16;
	s16 =	sand.u32 $0x1C00, s16;
	[sflag:s8] =	ssyncset.done $0x0  }
0x2a: {  	s16 =	sor.u32 s31, s16;
	[sflag:s8] =	ssyncadd.s32 $0xFFFFD800  }
0x2b: {  	v2 =	vld [tilespmem:s16+$0x3C00];
	_ =	sdelay $0x1  }
0x2c: {  	v3 =	vld [tilespmem:s16+$0x3C80];
	_ =	sdelay $0x1  }
0x2d: {  	v4 =	vld [tilespmem:s16+$0x3D00]  }
0x2e: {  	v2 =	vadd.f32 $0.0e+00, v2  }
0x2f: {  	v5 =	vld [tilespmem:s16+$0x3D80]  }
0x30: {  	v2 =	vadd.f32 v3, v2  }
0x31: {  	v3 =	vld [tilespmem:s16+$0x3E00]  }
0x32: {  	v2 =	vadd.f32 v4, v2  }
0x33: {  	v56 =	vld [tilespmem:s16+$0x3E80]  }
0x34: {  	v2 =	vadd.f32 v5, v2  }
0x35: {  	v57 =	vld [tilespmem:s16+$0x3F00]  }
0x36: {  	v2 =	vadd.f32 v3, v2  }
0x37: {  	v3 =	vld [tilespmem:s16+$0x3F80]  }
0x38: {  	v2 =	vadd.f32 v56, v2  }
0x39: {  	v58 =	vld [tilespmem:s16+$0x5000]  }
0x3a: {  	v2 =	vadd.f32 v57, v2  }
0x3b: {  	v59 =	vld [tilespmem:s16+$0x5080]  }
0x3c: {  	v2 =	vadd.f32 v3, v2  }
0x3d: {  	v3 =	vld [tilespmem:s16+$0x5100]  }
0x3e: {  	v2 =	vadd.f32 v58, v2  }
0x3f: {  	v60 =	vld [tilespmem:s16+$0x5180]  }
0x40: {  	v2 =	vadd.f32 v59, v2  }
0x41: {  	v61 =	vld [tilespmem:s16+$0x5200]  }
0x42: {  	v2 =	vadd.f32 v3, v2  }
0x43: {  	v3 =	vld [tilespmem:s16+$0x5280]  }
0x44: {  	v2 =	vadd.f32 v60, v2  }
0x45: {  	v62 =	vld [tilespmem:s16+$0x5300]  }
0x46: {  	v2 =	vadd.f32 v61, v2  }
0x47: {  	v63 =	vld [tilespmem:s16+$0x5380]  }
0x48: {  	v2 =	vadd.f32 v3, v2;
	_ =	sdelay $0x1  }
0x49: {  	v2 =	vadd.f32 v62, v2  }
0x4a: {  	s18 =	simm.s32 $0x10  }
0x4b: {  	s17 =	simm.s32 $0x80;
	s19 =	sand.u32 $0x70, s18;
	v2 =	vadd.f32 v63, v2  }
0x4c: {  	s20 =	sand.u32 $0x1C00, s17;
	s18 =	simm.s32 $0x20;
	s16 =	simm.s32 $0x6400  }
.LBB2_6:
0x4d: {  	p0 =	sne.s32 s18, $0x270;
	s19 =	sor.u32 s19, s20;
	[tilespmem:s16+$0x0] =	vst v2  }
0x4e: {  	v2 =	vld [tilespmem:s19+$0x3C00];
	_ =	sdelay $0x1  }
0x4f: {  	v3 =	vld [tilespmem:s19+$0x3C80];
	_ =	sdelay $0x1  }
0x50: {  	v4 =	vld [tilespmem:s19+$0x3D00]  }
0x51: {  	v2 =	vadd.f32 $0.0e+00, v2  }
0x52: {  	v5 =	vld [tilespmem:s19+$0x3D80]  }
0x53: {  	v2 =	vadd.f32 v3, v2  }
0x54: {  	v3 =	vld [tilespmem:s19+$0x3E00]  }
0x55: {  	v2 =	vadd.f32 v4, v2  }
0x56: {  	v4 =	vld [tilespmem:s19+$0x3E80]  }
0x57: {  	v2 =	vadd.f32 v5, v2  }
0x58: {  	v5 =	vld [tilespmem:s19+$0x3F00]  }
0x59: {  	v2 =	vadd.f32 v3, v2  }
0x5a: {  	v3 =	vld [tilespmem:s19+$0x3F80]  }
0x5b: {  	v2 =	vadd.f32 v4, v2  }
0x5c: {  	v4 =	vld [tilespmem:s19+$0x5000]  }
0x5d: {  	v2 =	vadd.f32 v5, v2  }
0x5e: {  	v5 =	vld [tilespmem:s19+$0x5080]  }
0x5f: {  	v2 =	vadd.f32 v3, v2  }
0x60: {  	v3 =	vld [tilespmem:s19+$0x5100]  }
0x61: {  	v2 =	vadd.f32 v4, v2  }
0x62: {  	v4 =	vld [tilespmem:s19+$0x5180]  }
0x63: {  	v2 =	vadd.f32 v5, v2  }
0x64: {  	v5 =	vld [tilespmem:s19+$0x5200]  }
0x65: {  	v2 =	vadd.f32 v3, v2  }
0x66: {  	v3 =	vld [tilespmem:s19+$0x5280]  }
0x67: {  	v2 =	vadd.f32 v4, v2  }
0x68: {  	v4 =	vld [tilespmem:s19+$0x5300]  }
0x69: {  	v2 =	vadd.f32 v5, v2  }
0x6a: {  	v5 =	vld [tilespmem:s19+$0x5380]  }
0x6b: {  	v2 =	vadd.f32 v3, v2  }
.Ltmp2:
0x6c: {  	(pc) =	sbr.rel @p0 .LBB2_6-.Ltmp2, $3  }
0x6d: {  	v2 =	vadd.f32 v4, v2;
	_ =	sdelay $0x1  }
0x6e: {  	s17 =	sadd.s32 $0x80, s17;
	s16 =	sadd.s32 $0x10, s16;
	v2 =	vadd.f32 v5, v2  }
0x6f: {  	s20 =	sand.u32 $0x1C00, s17;
	s19 =	sand.u32 $0x70, s18;
	s18 =	sadd.s32 $0x10, s18  }
0x70: {  	s17 =	sor.u32 s19, s20;
	[tilespmem:s16+$0x0] =	vst v2  }
0x71: {  	v2 =	vld [tilespmem:s17+$0x3C00];
	_ =	sdelay $0x1  }
0x72: {  	v3 =	vld [tilespmem:s17+$0x3C80];
	_ =	sdelay $0x1  }
0x73: {  	v4 =	vld [tilespmem:s17+$0x3D00]  }
0x74: {  	v2 =	vadd.f32 $0.0e+00, v2  }
0x75: {  	v5 =	vld [tilespmem:s17+$0x3D80]  }
0x76: {  	v2 =	vadd.f32 v3, v2  }
0x77: {  	v3 =	vld [tilespmem:s17+$0x3E00]  }
0x78: {  	v2 =	vadd.f32 v4, v2  }
0x79: {  	v56 =	vld [tilespmem:s17+$0x3E80]  }
0x7a: {  	v2 =	vadd.f32 v5, v2  }
0x7b: {  	v57 =	vld [tilespmem:s17+$0x3F00]  }
0x7c: {  	v2 =	vadd.f32 v3, v2  }
0x7d: {  	v3 =	vld [tilespmem:s17+$0x3F80]  }
0x7e: {  	v2 =	vadd.f32 v56, v2  }
0x7f: {  	v58 =	vld [tilespmem:s17+$0x5000]  }
0x80: {  	v2 =	vadd.f32 v57, v2  }
0x81: {  	v59 =	vld [tilespmem:s17+$0x5080]  }
0x82: {  	v2 =	vadd.f32 v3, v2  }
0x83: {  	v3 =	vld [tilespmem:s17+$0x5100]  }
0x84: {  	v2 =	vadd.f32 v58, v2  }
0x85: {  	v60 =	vld [tilespmem:s17+$0x5180]  }
0x86: {  	v2 =	vadd.f32 v59, v2  }
0x87: {  	v61 =	vld [tilespmem:s17+$0x5200]  }
0x88: {  	v2 =	vadd.f32 v3, v2  }
0x89: {  	v3 =	vld [tilespmem:s17+$0x5280]  }
0x8a: {  	v2 =	vadd.f32 v60, v2  }
0x8b: {  	v62 =	vld [tilespmem:s17+$0x5300]  }
0x8c: {  	v2 =	vadd.f32 v61, v2  }
0x8d: {  	v63 =	vld [tilespmem:s17+$0x5380]  }
0x8e: {  	v2 =	vadd.f32 v3, v2;
	_ =	sdelay $0x1  }
0x8f: {  	v2 =	vadd.f32 v62, v2;
	_ =	sdelay $0x1  }
0x90: {  	s15 =	sadd.s32 $0x1, s15;
	v2 =	vadd.f32 v63, v2  }
0x91: {  	s31 =	sadd.s32 $0x10, s16;
	p0 =	sne.s32 s15, s6  }
.Ltmp3:
0x92: {  	[tilespmem:s31+$0x0] =	vst v2;
	(pc) =	sbr.rel @p0 .LBB2_1-.Ltmp3, $4  }
0x93: {  	[hbm4b:s7+s2] =	stream.linear.scatter [tilespmem:s14], [sflag:$0x1], $0x280, $0x38;
	[tilespmem:$0x8E80] =	vst v63  }
0x94: {  	_ =	swait.ge [sflag:s8], $0x280  }
0x95: {  	[sflag:s8] =	ssyncset.done $0x0  }
0x96: {  	[sflag:s8] =	ssyncadd.s32 $0xFFFFFD80  }
0x97: {  	_ =	sfence.sel $0x180000  }
0x98: {  	[bflag:$0x0] =	sbarrier.arrive $0xFFFF  }
0x99: {  	p0 =	sne.s32 s0, $0x0;
	_ =	strace $0x90000047  }
0x9a: {  	s0 =	sadd.s32 @!p0 $0x100000, s1;
	[bflag:$0x2] =	sbarrier.arrive $0xFFFF  }
0x9b: {  	[sflag:s0] =	ssyncadd.tile.s32 @!p0 $0x1;
	_ =	shalt  }
.Lfunc_end2:
_tile_overlayer_lowered:
.L_overlay_start_2:
0x9c: {  	(tag) =	ssettag $0x2  }
0x9d: {  	s0 =	rddreg [dreg:$0x0];
	s2 =	stileid.u32  }
0x9e: {  	s1 =	rddreg [dreg:$0x1];
	p0 =	sne.s32 s2, $0x0  }
0x9f: {  	s3 =	rddreg [dreg:$0x2];
	[bflag:$0x3] =	sbarrier.arrive $0xFFFF;
	s2 =	simm.s32 @!p0 $0x1C01  }
0xa0: {  	[timem:s3], [sflag:s2] =	dma.local @!p0 [hbm:s0], s1  }
0xa1: {  	s0 =	simm.s32 @!p0 $0x1  }
0xa2: {  	_ =	swait.ge @!p0 [sflag:s0], s1  }
0xa3: {  	s1 =	ssub.s32 @!p0 $0x0, s1;
	[sflag:s0] =	ssyncset.done @!p0 $0x0  }
0xa4: {  	[sflag:s0] =	ssyncadd.s32 @!p0 s1  }
0xa5: {  	[bflag:$0x3] =	sbarrier.arrive $0xFFFF  }
0xa6: {  	_ =	shalt  }

// kernel: kernel.13.cloned.1.call-start
scs
__scs_entry_jumppad:
0x0: {  	(pc) =	sbr.rel $0x88, $3  }
0x1: {  	(tag) =	ssettag $0x0;
	lr =	simm.s32 $0x1  }
0x2: {  	[smem:$0x3F99] =	sst lr;
	_ =	strace $0xD0000000  }
0x3: {  	_ = 	snop  }
0x4: {  	_ = 	snop  }
0x5: {  	_ = 	snop  }
0x6: {  	_ = 	snop  }
0x7: {  	_ = 	snop  }
__scs_overlays_trampoline_lowered:
0x8: {  	[smem:$0x3FA8] =	sst s0  }
0x9: {  	[smem:$0x3FA9] =	sst s1  }
0xa: {  	[smem:$0x3FAA] =	sst s2  }
0xb: {  	[smem:$0x3FAB] =	sst s3  }
0xc: {  	[smem:$0x3FAC] =	sst s4  }
0xd: {  	[smem:$0x3FAD] =	sst s5  }
0xe: {  	[smem:$0x3FAE] =	sst s6  }
0xf: {  	[smem:$0x3FAF] =	sst s7  }
0x10: {  	[smem:$0x3FB0] =	sst s8  }
0x11: {  	[smem:$0x3FB1] =	sst s9;
	s0 =	simm.s32 @!p0 $0x0  }
0x12: {  	s1 =	sld [smem:$0x3F97];
	s0 =	simm.s32 @p0 $0x1  }
0x13: {  	[smem:$0x3FB2] =	sst s0;
	s0 =	simm.s32 @!p1 $0x0  }
0x14: {  	s2 =	sld [smem:$0x3F96];
	s0 =	simm.s32 @p1 $0x1  }
0x15: {  	[smem:$0x3FB3] =	sst s0;
	s0 =	simm.s32 @!p2 $0x0  }
0x16: {  	s3 =	sld [smem:$0x3FDB];
	s0 =	simm.s32 @p2 $0x1  }
0x17: {  	s4 =	simm.s32 $0x1BF5;
	[smem:$0x3FB5] =	sst s0  }
0x18: {  	s0 =	sld [smem:$0x3F98];
	_ =	swait.ge [sflag:s4], $0x0  }
0x19: {  	s7 =	sld [smem:$0x3F99]  }
0x1a: {  	s8 =	sadd.s32 $0xFFFFE003, lr  }
0x1b: {  	s9 =	sadd.s32 $0xFFFFFEF7, lr;
	s5 =	simm.s32 $0xFFFFFFFF;
	p2 =	slt.u32 s8, $0xFFFFF086  }
0x1c: {  	p1 =	slt.u32 s9, $0xF7A;
	s5 =	simm.s32 @!p2 $0x0  }
0x1d: {  	s5 =	simm.s32 @p1 $0x1;
	p0 =	seq.s32 s7, s2  }
0x1e: {  	s7 =	smul.u32 @!p0 $0xF7A, s2;
	p2 =	seq.s32 @!p0 s5, $0x0  }
0x1f: {  	s9 =	smul.u32 $0xF7A, s1;
	s8 =	simm.s32 @!p0 $0x1BF5;
	p2 =	por !p2, p0  }
0x20: {  	[sflag:s8] =	ssyncset.s32 @!p0 $0xFFFFF086;
	s6 =	sadd.s32 @!p0 s3, s7;
	s7 =	simm.s32 @!p0 $0x108  }
0x21: {  	s3 =	sadd.s32 s3, s9;
	s6 =	sadd.s32 @!p0 $0x88, s6;
	s7 =	simm.s32 @p2 $0x1082  }
0x22: {  	[simem:s7], [sflag:s8] =	dma.local @!p0 [hbm:s6], $0xF7A  }
0x23: {  	s9 =	sor.u32 $0xD0000000, s2;
	s6 =	simm.s32 $0x108;
	_ =	swait.ge @!p0 [sflag:s8], $0x0  }
0x24: {  	s3 =	sadd.s32 $0x88, s3;
	s6 =	simm.s32 @!p1 $0x1082;
	[sflag:s4] =	ssyncset.s32 $0xFFFFF086  }
0x25: {  	[simem:s6], [sflag:s4] =	dma.local [hbm:s3], $0xF7A  }
0x26: {  	[smem:$0x3F99] =	sst s1;
	(tag) =	ssettag s2;
	_ =	strace s9  }
0x27: {  	s1 =	sld [smem:$0x3FA9]  }
0x28: {  	s2 =	sld [smem:$0x3FAA]  }
0x29: {  	s4 =	sld [smem:$0x3FAC]  }
0x2a: {  	p0 =	seq.s32 s5, $0x0;
	s5 =	sld [smem:$0x3FAD]  }
0x2b: {  	s6 =	sld [smem:$0x3FAE]  }
0x2c: {  	s7 =	sld [smem:$0x3FAF]  }
0x2d: {  	s3 =	simm.s32 $0x108;
	s8 =	sld [smem:$0x3FB0]  }
0x2e: {  	s3 =	simm.s32 @!p0 $0x1082;
	s9 =	sld [smem:$0x3FB1]  }
0x2f: {  	lr =	sadd.s32 s0, s3;
	s0 =	sld [smem:$0x3FA8]  }
0x30: {  	s3 =	sld [smem:$0x3FAB]  }
0x31: {  	[smem:$0x3FB4] =	sst s10  }
0x32: {  	s10 =	sld [smem:$0x3FB2];
	_ =	sdelay $0x3  }
0x33: {  	p0 =	seq.s32 s10, $0x1;
	s10 =	sld [smem:$0x3FB4];
	_ =	sdelay $0x3  }
0x34: {  	[smem:$0x3FB4] =	sst s10  }
0x35: {  	s10 =	sld [smem:$0x3FB3];
	_ =	sdelay $0x3  }
0x36: {  	p1 =	seq.s32 s10, $0x1;
	s10 =	sld [smem:$0x3FB4];
	_ =	sdelay $0x3  }
0x37: {  	[smem:$0x3FB4] =	sst s10  }
0x38: {  	s10 =	sld [smem:$0x3FB5]  }
0x39: {  	_ = 	snop;
	(pc) =	sbr.ind lr, $3  }
0x3a: {  	_ = 	snop  }
0x3b: {  	_ = 	snop  }
0x3c: {  	p2 =	seq.s32 s10, $0x1;
	s10 =	sld [smem:$0x3FB4]  }
0x3d: {  	_ =	shalt  }
0x3e: {  	_ =	shalt  }
0x3f: {  	_ =	shalt  }
0x40: {  	_ =	shalt  }
0x41: {  	_ =	shalt  }
0x42: {  	_ =	shalt  }
0x43: {  	_ =	shalt  }
0x44: {  	_ =	shalt  }
0x45: {  	_ =	shalt  }
0x46: {  	_ =	shalt  }
0x47: {  	_ =	shalt  }
0x48: {  	_ =	shalt  }
0x49: {  	_ =	shalt  }
0x4a: {  	_ =	shalt  }
0x4b: {  	_ =	shalt  }
0x4c: {  	_ =	shalt  }
0x4d: {  	_ =	shalt  }
0x4e: {  	_ =	shalt  }
0x4f: {  	_ =	shalt  }
0x50: {  	_ =	shalt  }
0x51: {  	_ =	shalt  }
0x52: {  	_ =	shalt  }
0x53: {  	_ =	shalt  }
0x54: {  	_ =	shalt  }
0x55: {  	_ =	shalt  }
0x56: {  	_ =	shalt  }
0x57: {  	_ =	shalt  }
0x58: {  	_ =	shalt  }
0x59: {  	_ =	shalt  }
0x5a: {  	_ =	shalt  }
0x5b: {  	_ =	shalt  }
0x5c: {  	_ =	shalt  }
0x5d: {  	_ =	shalt  }
0x5e: {  	_ =	shalt  }
0x5f: {  	_ =	shalt  }
0x60: {  	_ =	shalt  }
0x61: {  	_ =	shalt  }
0x62: {  	_ =	shalt  }
0x63: {  	_ =	shalt  }
0x64: {  	_ =	shalt  }
0x65: {  	_ =	shalt  }
0x66: {  	_ =	shalt  }
0x67: {  	_ =	shalt  }
0x68: {  	_ =	shalt  }
0x69: {  	_ =	shalt  }
0x6a: {  	_ =	shalt  }
0x6b: {  	_ =	shalt  }
0x6c: {  	_ =	shalt  }
0x6d: {  	_ =	shalt  }
0x6e: {  	_ =	shalt  }
0x6f: {  	_ =	shalt  }
0x70: {  	_ =	shalt  }
0x71: {  	_ =	shalt  }
0x72: {  	_ =	shalt  }
0x73: {  	_ =	shalt  }
0x74: {  	_ =	shalt  }
0x75: {  	_ =	shalt  }
0x76: {  	_ =	shalt  }
0x77: {  	_ =	shalt  }
0x78: {  	_ =	shalt  }
0x79: {  	_ =	shalt  }
0x7a: {  	_ =	shalt  }
0x7b: {  	_ =	shalt  }
0x7c: {  	_ =	shalt  }
0x7d: {  	_ =	shalt  }
0x7e: {  	_ =	shalt  }
0x7f: {  	_ =	shalt  }
0x80: {  	_ =	shalt  }
0x81: {  	_ =	shalt  }
0x82: {  	_ =	shalt  }
0x83: {  	_ =	shalt  }
0x84: {  	_ =	shalt  }
0x85: {  	_ =	shalt  }
0x86: {  	_ =	shalt  }
0x87: {  	_ =	shalt  }
.Lfunc_end0:
.L_simem_size_0:
called_computation.1_lowered:
.L_overlay_start_0:
0x88: {  	s2 =	sld [smem:$0x3FD9]  }
0x89: {  	s3 =	sld [smem:$0x3FFE];
	_ =	sdelay $0x1  }
0x8a: {  	s1 =	srdreg.scid  }
0x8b: {  	s0 =	sand.u32 $0x1, s1  }
0x8c: {  	s17 =	sshll.u32 s0, $0xA;
	s2 =	sadd.s32 s3, s2  }
0x8d: {  	s2 =	sadd.s32 s2, s17  }
0x8e: {  	[smem:$0x3FC0] =	sst s2  }
0x8f: {  	_ = 	snop  }
0x90: {  	s18 =	sld [smem:$0x3FD0];
	(tm) =	ssettm $0x1  }
0x91: {  	s19 =	sld [smem:$0x3FFB];
	_ =	sdelay $0x3  }
0x92: {  	_ =	strace s19  }
0x93: {  	s2 =	sld [smem:$0x3FFC];
	_ =	sdelay $0x3  }
0x94: {  	_ =	strace s2  }
0x95: {  	s2 =	sld [smem:$0x3FFD];
	_ =	sdelay $0x3  }
0x96: {  	_ =	strace s2  }
0x97: {  	_ =	strace $0x8FFFFFFF  }
0x98: {  	s20 =	sld [smem:$0x3FDB];
	_ =	sdelay $0x1  }
0x99: {  	s4 =	simm.s32 $_scs_section_size  }
0x9a: {  	s5 =	simm.s32 $_size__tile_overlayer_lowered;
	s6 =	simm.s32 $_tile_overlayer_lowered  }
0x9b: {  	s7 =	simm.s32 $0x1BFF;
	s21 =	sshll.u32 s6, $0x1;
	s4 =	sadd.s32 s4, s20  }
0x9c: {  	s22 =	simm.s32 $0x0;
	s5 =	sshll.u32 s5, $0x1;
	s6 =	sadd.s32 s21, s4  }
0x9d: {  	[timem:s22], [sflag:s7] =	dma.local [hbm:s6], s5  }
0x9e: {  	_ =	swait.ge [sflag:s7], s5  }
0x9f: {  	s5 =	ssub.s32 $0x0, s5;
	[sflag:s7] =	ssyncset.done $0x0  }
0xa0: {  	[sflag:s7] =	ssyncadd.s32 s5;
	_ =	sdelay $0x1  }
0xa1: {  	s23 =	simm.s32 $0x1B8B  }
0xa2: {  	_ =	swait.ge [sflag:s23], $0x1  }
0xa3: {  	[sflag:s23] =	ssyncset.done $0x0  }
0xa4: {  	[sflag:s23] =	ssyncadd.s32 $0xFFFFFFFF  }
0xa5: {  	s5 =	sld [smem:$0x0]  }
0xa6: {  	s6 =	sand.u32 $0xFFFFFFFE, s1  }
0xa7: {  	p0 =	sne.s32 s1, s6  }
0xa8: {  	s6 =	sshll.u32 @p0 s6, $0xE  }
0xa9: {  	s6 =	sadd.s32 @p0 $0x11B8D, s6;
	s7 =	sshll.u32 @p0 s5, $0x11  }
0xaa: {  	s6 =	sor.u32 @p0 s7, s6  }
0xab: {  	[sflag:s6] =	ssyncadd.remote.s32 @p0 $0x1;
	_ =	sdelay $0x1  }
0xac: {  	s6 =	simm.s32 @p0 $0x1B8D  }
0xad: {  	_ =	swait.eq @p0 [sflag:s6], $0x1  }
0xae: {  	[sflag:s6] =	ssyncadd.s32 @p0 $0xFFFFFFFF  }
0xaf: {  	s7 =	sshll.u32 @!p0 s1, $0xE  }
0xb0: {  	s7 =	sor.u32 @!p0 $0x4000, s7;
	s6 =	simm.s32 @!p0 $0x1B8D  }
0xb1: {  	s5 =	sshll.u32 @!p0 s5, $0x11;
	s7 =	sadd.s32 @!p0 $0x11B8D, s7;
	_ =	swait.eq @!p0 [sflag:s6], $0x1  }
0xb2: {  	s5 =	sor.u32 @!p0 s5, s7;
	[sflag:s6] =	ssyncadd.s32 @!p0 $0xFFFFFFFF  }
0xb3: {  	s25 =	simm.s32 $0x1B8E;
	s24 =	sld [smem:$0x3FFE];
	[sflag:s5] =	ssyncadd.remote.s32 @!p0 $0x1  }
0xb4: {  	s26 =	simm.s32 $execute0_lowered;
	[smem:$0x3FD2] =	sst s25  }
0xb5: {  	s6 =	sshll.u32 s26, $0x1;
	_ =	strace $0x80000049;
	[dreg:$0x1] =	wrdreg $0xFFFFFFFF  }
0xb6: {  	s28 =	simm.s32 $_size_execute0_lowered;
	s4 =	sadd.s32 s4, s6;
	[dreg:$0x0] =	wrdreg $0x0  }
0xb7: {  	s6 =	sshll.u32 s28, $0x1;
	[dreg:$0x2] =	wrdreg s4  }
0xb8: {  	[dreg:$0x3] =	wrdreg s6  }
0xb9: {  	[dreg:$0x4] =	wrdreg $0xC0  }
0xba: {  	_ =	task [dreg:s22], $0x5FFFF  }
0xbb: {  	[dreg:$0x1] =	wrdreg $0xFFFFFFFF  }
0xbc: {  	[dreg:$0x0] =	wrdreg $0x60  }
0xbd: {  	[dreg:$0x2] =	wrdreg s18  }
0xbe: {  	[dreg:$0x3] =	wrdreg s24  }
0xbf: {  	[dreg:$0x4] =	wrdreg $0xA8000  }
0xc0: {  	[dreg:$0x5] =	wrdreg $0xA  }
0xc1: {  	_ =	task.clear_ibuf [dreg:s22], $0x6FFFF;
	_ =	strace $0x90000049  }
0xc2: {  	s29 =	simm.s32 $0xA;
	_ =	strace $0x8000004B  }
0xc3: {  	_ =	swait.ge [sflag:s29], $0x1  }
0xc4: {  	[sflag:s29] =	ssyncadd.s32 $0xFFFFFFFF  }
0xc5: {  	_ =	strace $0x9000004B  }
0xc6: {  	_ =	sfence  }
0xc7: {  	s30 =	sld [smem:$0x0];
	_ =	sdelay $0x2  }
0xc8: {  	s31 =	sshll.u32 s1, $0xD;
	s1 =	sshrl.u32 s1, $0x2  }
0xc9: {  	s4 =	sand.u32 $0x4000, s31;
	s1 =	sadd.s32 s1, s30  }
0xca: {  	s0 =	sor.u32 s4, s0;
	s1 =	sshll.u32 s1, $0x11  }
0xcb: {  	s0 =	sor.u32 s1, s0  }
0xcc: {  	s0 =	sadd.s32 $0x8F2B, s0  }
0xcd: {  	[sflag:s0] =	ssyncadd.remote.s32 $0x1  }
0xce: {  	_ =	sfence.sel $0xFFFF  }
0xcf: {  	[dreg:$0x0] =	wrdreg $0xFFFFFFFF;
	(pc) =	sbr.abs _section_cstart, $3  }
0xd0: {  	[dreg:$0x1] =	wrdreg $0xFFFFFFFF  }
0xd1: {  	_ =	task.clear_ibuf [dreg:s22], $0x2FFFF;
	_ =	strace $0x9FFFFFFF  }
0xd2: {  	(tm) =	ssettm $0x7FFFFFFF  }
0xd3: {  	_ =	shalt  }
tec
execute0_lowered:
.L_overlay_start_1:
0x0: {  	(tag) =	ssettag $0x1  }
0x1: {  	s0 =	rddreg [dreg:$0x0]  }
0x2: {  	s2 =	rddreg [dreg:$0x1]  }
0x3: {  	s1 =	rddreg [dreg:$0x2]  }
0x4: {  	s3 =	simm.s32 $0x0;
	s9 =	stileid.u32;
	s5 =	srdreg.scid  }
0x5: {  	s28 =	simm.s32 $0x80;
	s29 =	simm.s32 $0x50;
	s31 =	simm.s32 $0x3  }
0x6: {  	s30 =	simm.s32 $0x0;
	[smem:$0x7FF] =	sst s3;
	s4 =	sadd.s32 $0x10400, s2  }
0x7: {  	s6 =	smul.u32 $0x50000, s9;
	s7 =	sadd.s32 $0x5A00, s2;
	s20 =	sadd.s32 $0x38400, s2  }
0x8: {  	s18 =	sand.u32 $0x1, s5;
	s2 =	sadd.s32 $0x60400, s2;
	s10 =	smul.u32 $0x2710, s9  }
0x9: {  	s26 =	smul.u32 $0x4E2, s9;
	_ =	strace $0x8000004A;
	s8 =	ssub.s32 $0x2, s18  }
0xa: {  	p0 =	seq.s32 s18, $0x0;
	s17 =	sshrl.u32 s6, $0x2;
	s19 =	sshrl.u32 s8, $0x1  }
0xb: {  	s12 =	sshrl.u32 s10, $0x3;
	s4 =	smov.u32 @p0 s0;
	s2 =	smov.u32 @p0 s20  }
0xc: {  	s0 =	sadd.s32 s26, s7;
	s26 =	simm.s32 $0x1;
	s5 =	sadd.s32 s17, s1  }
0xd: {  	s6 =	ssub.s32 s8, s19;
	s12 =	sadd.s32 s7, s12;
	s7 =	sadd.s32 $0x4E48, s0  }
0xe: {  	s0 =	simm.s32 $0x2;
	s21 =	sadd.s32 $0x2800, s5;
	s22 =	sadd.s32 $0x5000, s5  }
0xf: {  	s23 =	sadd.s32 $0x7800, s5;
	s24 =	sadd.s32 $0xA000, s5;
	s25 =	sadd.s32 $0xC800, s5  }
0x10: {  	s11 =	sadd.s32 $0xF000, s5;
	s13 =	sadd.s32 $0x11800, s5;
	s14 =	sadd.s32 $0x4E20, s12  }
0x11: {  	s15 =	sadd.s32 $0xA, s12;
	s16 =	sadd.s32 $0x4E2A, s12;
	[dreg:$0x4] =	wrdreg s21  }
.Ltmp0:
0x12: {  	s17 =	sadd.s32 $0x14, s12;
	[dreg:$0x5] =	wrdreg s22;
	(pc) =	sbr.rel .LBB2_1-.Ltmp0, $4  }
0x13: {  	s18 =	sadd.s32 $0x4E34, s12;
	s19 =	sadd.s32 $0x1E, s12;
	[dreg:$0x6] =	wrdreg s23  }
0x14: {  	s20 =	sadd.s32 $0x4E3E, s12;
	[dreg:$0x7] =	wrdreg s24;
	s22 =	smul.u32 $0x2800, s9  }
0x15: {  	[dreg:$0x8] =	wrdreg s25;
	s21 =	smax.u32 s6, $0x1;
	s24 =	simm.s32 $0x800  }
0x16: {  	v0 =	vimm.f32 $0.0e+00;
	s25 =	simm.s32 $0x5;
	s22 =	sadd.s32 s2, s22;
	s2 =	simm.s32 $0x4  }
.LBB2_9:
0x17: {  	_ =	swait.ge [sflag:s2], $0x2800  }
0x18: {  	[sflag:s2] =	ssyncset.done $0x0  }
0x19: {  	[sflag:s2] =	ssyncadd.s32 $0xFFFFD800  }
0x1a: {  	s6 =	stileid.u32;
	_ =	swait.ge [sflag:s2], $0x2800  }
0x1b: {  	s8 =	sshrl.u32 s5, $0x3;
	s30 =	sadd.s32 $0x1, s30;
	[sflag:s2] =	ssyncset.done $0x0  }
0x1c: {  	s6 =	sshll.u32 s6, $0x6;
	p0 =	sne.s32 s30, s21;
	[sflag:s2] =	ssyncadd.s32 $0xFFFFD800  }
.Ltmp1:
0x1d: {  	s6 =	sor.u32 $0x1C05, s6;
	[bflag:$0x0] =	sbarrier.arrive $0xFFFF;
	(pc) =	sbr.rel @!p0 .LBB2_10-.Ltmp1, $4  }
0x1e: {  	[hbm:s22], [sflag:s6] =	dma.local [spmem:s8], $0x2800  }
0x1f: {  	_ =	swait.ge [sflag:s25], $0x2800  }
0x20: {  	[sflag:s25] =	ssyncset.done $0x0  }
0x21: {  	[sflag:s25] =	ssyncadd.s32 $0xFFFFD800  }
.LBB2_1:
0x22: {  	s6 =	simm.s32 $0x0;
	s23 =	simm.s32 $0x200  }
.LBB2_2:
0x23: {  	p0 =	sne.s32 s23, $0x9E00;
	[tilespmem:s6+$0x870] =	vst v0  }
0x24: {  	[tilespmem:s6+$0x800] =	vst v0  }
0x25: {  	[tilespmem:s6+$0x810] =	vst v0  }
.Ltmp2:
0x26: {  	[tilespmem:s6+$0x820] =	vst v0;
	(pc) =	sbr.rel @p0 .LBB2_2-.Ltmp2, $4  }
0x27: {  	[tilespmem:s6+$0x830] =	vst v0  }
0x28: {  	[tilespmem:s6+$0x840] =	vst v0  }
0x29: {  	[tilespmem:s6+$0x850] =	vst v0  }
0x2a: {  	[tilespmem:s6+$0x860] =	vst v0;
	s6 =	sshra.s32 s23, $0x2;
	s23 =	sadd.s32 $0x200, s23  }
0x2b: {  	[tilespmem:s6+$0x870] =	vst v0  }
0x2c: {  	[tilespmem:s6+$0x800] =	vst v0  }
0x2d: {  	[tilespmem:s6+$0x810] =	vst v0  }
0x2e: {  	[tilespmem:s6+$0x820] =	vst v0  }
0x2f: {  	[tilespmem:s6+$0x830] =	vst v0  }
0x30: {  	[tilespmem:s6+$0x840] =	vst v0  }
0x31: {  	[tilespmem:s6+$0x850] =	vst v0  }
0x32: {  	[tilespmem:s6+$0x860] =	vst v0  }
0x33: {  	[spmem:s5] =	stream.linear.scatter [tilespmem:s24], [sflag:$0x5], $0x2800, $0x38;
	[tilespmem:$0x1E800] =	vst v63  }
0x34: {  	_ =	swait.ge [sflag:s25], $0x2800  }
0x35: {  	[sflag:s25] =	ssyncset.done $0x0  }
0x36: {  	s8 =	rddreg [dreg:$0x4];
	[sflag:s25] =	ssyncadd.s32 $0xFFFFD800  }
0x37: {  	[spmem:s8] =	stream.linear.scatter [tilespmem:s24], [sflag:$0x5], $0x2800, $0x38;
	[tilespmem:$0x1E800] =	vst v63  }
0x38: {  	_ =	swait.ge [sflag:s25], $0x2800  }
0x39: {  	[sflag:s25] =	ssyncset.done $0x0  }
0x3a: {  	s9 =	rddreg [dreg:$0x5];
	[sflag:s25] =	ssyncadd.s32 $0xFFFFD800  }
0x3b: {  	[spmem:s9] =	stream.linear.scatter [tilespmem:s24], [sflag:$0x5], $0x2800, $0x38;
	[tilespmem:$0x1E800] =	vst v63  }
0x3c: {  	_ =	swait.ge [sflag:s25], $0x2800  }
0x3d: {  	[sflag:s25] =	ssyncset.done $0x0  }
0x3e: {  	s10 =	rddreg [dreg:$0x6];
	[sflag:s25] =	ssyncadd.s32 $0xFFFFD800  }
0x3f: {  	[spmem:s10] =	stream.linear.scatter [tilespmem:s24], [sflag:$0x5], $0x2800, $0x38;
	[tilespmem:$0x1E800] =	vst v63  }
0x40: {  	_ =	swait.ge [sflag:s25], $0x2800  }
0x41: {  	[sflag:s25] =	ssyncset.done $0x0  }
0x42: {  	s23 =	rddreg [dreg:$0x7];
	[sflag:s25] =	ssyncadd.s32 $0xFFFFD800  }
0x43: {  	[spmem:s23] =	stream.linear.scatter [tilespmem:s24], [sflag:$0x5], $0x2800, $0x38;
	[tilespmem:$0x1E800] =	vst v63  }
0x44: {  	_ =	swait.ge [sflag:s25], $0x2800  }
0x45: {  	[sflag:s25] =	ssyncset.done $0x0  }
0x46: {  	s8 =	rddreg [dreg:$0x8];
	[sflag:s25] =	ssyncadd.s32 $0xFFFFD800  }
0x47: {  	[spmem:s8] =	stream.linear.scatter [tilespmem:s24], [sflag:$0x5], $0x2800, $0x38;
	[tilespmem:$0x1E800] =	vst v63  }
0x48: {  	_ =	swait.ge [sflag:s25], $0x2800  }
0x49: {  	[sflag:s25] =	ssyncset.done $0x0  }
0x4a: {  	[sflag:s25] =	ssyncadd.s32 $0xFFFFD800  }
0x4b: {  	[spmem:s11] =	stream.linear.scatter [tilespmem:s24], [sflag:$0x5], $0x2800, $0x38;
	[tilespmem:$0x1E800] =	vst v63  }
0x4c: {  	_ =	swait.ge [sflag:s25], $0x2800  }
0x4d: {  	[sflag:s25] =	ssyncset.done $0x0  }
0x4e: {  	[sflag:s25] =	ssyncadd.s32 $0xFFFFD800  }
0x4f: {  	[spmem:s13] =	stream.linear.scatter [tilespmem:s24], [sflag:$0x5], $0x2800, $0x38;
	[tilespmem:$0x1E800] =	vst v63  }
0x50: {  	_ =	swait.ge [sflag:s25], $0x2800  }
0x51: {  	[sflag:s25] =	ssyncset.done $0x0  }
0x52: {  	[sflag:s25] =	ssyncadd.s32 $0xFFFFD800  }
0x53: {  	s6 =	simm.s32 $0x0;
	[bflag:$0x0] =	sbarrier.arrive $0xFFFF  }
0x54: {  	[tilespmem:s6], [sflag:$0x1] =	stream.linear.gather [hbm4b:s12+s6], $0x50, $0x38;
	[tilespmem:$0x1E800] =	vst v63  }
0x55: {  	s8 =	simm.s32 $0x400  }
0x56: {  	[tilespmem:s8], [sflag:$0x2] =	stream.linear.gather [hbm4b:s14+s6], $0x50, $0x38;
	[tilespmem:$0x1E800] =	vst v63  }
0x57: {  	_ = 	snop  }
0x58: {  	[tilespmem:s28], [sflag:$0x1] =	stream.linear.gather [hbm4b:s15+s6], $0x50, $0x38;
	[tilespmem:$0x1E800] =	vst v63  }
0x59: {  	s9 =	simm.s32 $0x480  }
0x5a: {  	[tilespmem:s9], [sflag:$0x2] =	stream.linear.gather [hbm4b:s16+s6], $0x50, $0x38;
	[tilespmem:$0x1E800] =	vst v63  }
0x5b: {  	s10 =	simm.s32 $0x100  }
0x5c: {  	[tilespmem:s10], [sflag:$0x1] =	stream.linear.gather [hbm4b:s17+s6], $0x50, $0x38;
	[tilespmem:$0x1E800] =	vst v63  }
0x5d: {  	s23 =	simm.s32 $0x500  }
0x5e: {  	[tilespmem:s23], [sflag:$0x2] =	stream.linear.gather [hbm4b:s18+s6], $0x50, $0x38;
	[tilespmem:$0x1E800] =	vst v63  }
0x5f: {  	s9 =	simm.s32 $0x180  }
0x60: {  	[tilespmem:s9], [sflag:$0x1] =	stream.linear.gather [hbm4b:s19+s6], $0x50, $0x38;
	[tilespmem:$0x1E800] =	vst v63  }
0x61: {  	s10 =	simm.s32 $0x580  }
0x62: {  	[tilespmem:s10], [sflag:$0x2] =	stream.linear.gather [hbm4b:s20+s6], $0x50, $0x38;
	[tilespmem:$0x1E800] =	vst v63  }
0x63: {  	_ =	swait.ge [sflag:s26], $0x50  }
0x64: {  	[sflag:s26] =	ssyncset.done $0x0  }
0x65: {  	[sflag:s26] =	ssyncadd.s32 $0xFFFFFFB0  }
0x66: {  	[tilespmem:s24], [sflag:$0x3] =	stream.indirect.gather [hbm4b:s4+s29], $0x80, s6, s29, $0xb8;
	[tilespmem:$0x1E800] =	vst v63  }
.Ltmp3:
0x67: {  	_ =	swait.ge [sflag:s26], $0x50;
	(pc) =	sbr.rel .LBB2_4-.Ltmp3, $4  }
0x68: {  	[sflag:s26] =	ssyncset.done $0x0  }
0x69: {  	s23 =	simm.s32 $0x3000;
	[sflag:s26] =	ssyncadd.s32 $0xFFFFFFB0  }
0x6a: {  	[tilespmem:s23], [sflag:$0x3] =	stream.indirect.gather [hbm4b:s4+s29], $0x80, s28, s29, $0xb8;
	[tilespmem:$0x1E800] =	vst v63  }
0x6b: {  	s23 =	smov.u32 s7  }
.LBB2_5:
0x6c: {  	s8 =	sadd.s32 $0x4, s6  }
0x6d: {  	s9 =	smul.u32 $0xAB, s8;
	_ =	sdelay $0x1  }
0x6e: {  	s9 =	sshrl.u32 s9, $0xA  }
0x6f: {  	s9 =	sand.u32 $0x3F, s9  }
0x70: {  	s9 =	smul.u32 $0x6, s9;
	_ =	sdelay $0x1  }
0x71: {  	s8 =	ssub.s32 s8, s9  }
0x72: {  	s8 =	sand.u32 $0xFF, s8  }
0x73: {  	s10 =	sadd.s32 $0xFFFFB1E0, s23;
	s8 =	sshll.u32 s8, $0x7  }
0x74: {  	[tilespmem:s8], [sflag:$0x1] =	stream.linear.gather [hbm4b:s10+s3], $0x50, $0x38;
	[tilespmem:$0x1E800] =	vst v63  }
0x75: {  	s8 =	sor.u32 $0x400, s8  }
0x76: {  	[tilespmem:s8], [sflag:$0x2] =	stream.linear.gather [hbm4b:s23+s3], $0x50, $0x38;
	[tilespmem:$0x1E800] =	vst v63  }
.LBB2_7:
0x77: {  	s8 =	sadd.s32 $0x2, s6  }
0x78: {  	s9 =	smul.u32 $0xAB, s8;
	_ =	sdelay $0x1  }
0x79: {  	s9 =	sshrl.u32 s9, $0xA  }
0x7a: {  	s9 =	sand.u32 $0x3F, s9  }
0x7b: {  	s10 =	sand.u32 $0x3, s8;
	s9 =	smul.u32 $0x6, s9  }
0x7c: {  	s10 =	smul.u32 $0xA000, s10  }
0x7d: {  	_ =	swait.ge [sflag:s26], $0x50;
	s8 =	ssub.s32 s8, s9  }
0x7e: {  	[sflag:s26] =	ssyncset.done $0x0;
	s10 =	sshrl.u32 s10, $0x2;
	s8 =	sand.u32 $0xFF, s8  }
0x7f: {  	[sflag:s26] =	ssyncadd.s32 $0xFFFFFFB0;
	s9 =	sadd.s32 $0x800, s10;
	s8 =	sshll.u32 s8, $0x7  }
0x80: {  	[tilespmem:s9], [sflag:$0x3] =	stream.indirect.gather [hbm4b:s4+s29], $0x80, s8, s29, $0xb8;
	[tilespmem:$0x1E800] =	vst v63  }
.LBB2_8:
0x81: {  	s8 =	smul.u32 $0xAB, s6;
	_ =	sdelay $0x1  }
0x82: {  	s8 =	sshrl.u32 s8, $0xA  }
0x83: {  	s8 =	sand.u32 $0x3F, s8  }
0x84: {  	s8 =	smul.u32 $0x6, s8  }
0x85: {  	_ =	swait.ge [sflag:s31], $0x2800  }
0x86: {  	s9 =	sand.u32 $0x3, s6;
	s8 =	ssub.s32 s6, s8;
	s6 =	sadd.s32 $0x1, s6  }
0x87: {  	[sflag:s31] =	ssyncset.done $0x0;
	s9 =	smul.u32 $0xA000, s9;
	p0 =	sne.s32 s6, $0x7D  }
.Ltmp4:
0x88: {  	[sflag:s31] =	ssyncadd.s32 $0xFFFFD800;
	(pc) =	sbr.rel @!p0 .LBB2_9-.Ltmp4, $4  }
0x89: {  	s23 =	sadd.s32 $0xA, s23;
	_ =	swait.ge [sflag:s0], $0x50;
	s8 =	sand.u32 $0xF7, s8  }
0x8a: {  	s9 =	sshrl.u32 s9, $0x2;
	[sflag:s0] =	ssyncset.done $0x0;
	s8 =	sshll.u32 s8, $0x7  }
0x8b: {  	s9 =	sadd.s32 $0x800, s9;
	[sflag:s0] =	ssyncadd.s32 $0xFFFFFFB0;
	s8 =	sor.u32 $0x400, s8  }
0x8c: {  	[spmem:s1] =	stream.indirect.scatter.add.f32 [tilespmem:s9], [sflag:$0x4], $0x80, s8, s29, $0xb8;
	[tilespmem:$0x1E800] =	vst v63  }
.LBB2_4:
0x8d: {  	p0 =	slt.u32 s6, $0x2  }
0x8e: {  	p1 =	sgt.u32 @!p0 s6, $0x78  }
0x8f: {  	p1 =	por p0, !p1  }
.Ltmp5:
0x90: {  	_ = 	snop;
	(pc) =	sbr.rel @p1 .LBB2_5-.Ltmp5, $4  }
0x91: {  	s8 =	simm.s32 @!p0 $0x4  }
0x92: {  	_ =	swait.ge @!p0 [sflag:s8], $0x2800  }
0x93: {  	[sflag:s8] =	ssyncset.done @!p0 $0x0  }
0x94: {  	[sflag:s8] =	ssyncadd.s32 @!p0 $0xFFFFD800  }
0x95: {  	p0 =	sgt.u32 s6, $0x7A  }
.Ltmp6:
0x96: {  	_ = 	snop;
	(pc) =	sbr.rel @p0 .LBB2_8-.Ltmp6, $4  }
.Ltmp7:
0x97: {  	_ = 	snop;
	(pc) =	sbr.rel @!p0 .LBB2_7-.Ltmp7, $4  }
0x98: {  	_ = 	snop  }
0x99: {  	_ = 	snop  }
0x9a: {  	_ = 	snop  }
0x9b: {  	_ = 	snop  }
.LBB2_10:
0x9c: {  	_ =	sfence.sel $0x180000  }
0x9d: {  	[bflag:$0x0] =	sbarrier.arrive $0xFFFF  }
0x9e: {  	_ =	strace $0x9000004A  }
0x9f: {  	s0 =	stileid.u32;
	[bflag:$0x2] =	sbarrier.arrive $0xFFFF  }
0xa0: {  	p0 =	sne.s32 s0, $0x0;
	s0 =	rddreg [dreg:$0x3]  }
0xa1: {  	s0 =	sadd.s32 @!p0 $0x100000, s0  }
0xa2: {  	[sflag:s0] =	ssyncadd.tile.s32 @!p0 $0x1;
	_ =	shalt  }
.Lfunc_end2:
_tile_overlayer_lowered:
.L_overlay_start_2:
0xa3: {  	(tag) =	ssettag $0x2  }
0xa4: {  	s0 =	rddreg [dreg:$0x0];
	s2 =	stileid.u32  }
0xa5: {  	s1 =	rddreg [dreg:$0x1];
	p0 =	sne.s32 s2, $0x0  }
0xa6: {  	s3 =	rddreg [dreg:$0x2];
	[bflag:$0x3] =	sbarrier.arrive $0xFFFF;
	s2 =	simm.s32 @!p0 $0x1C05  }
0xa7: {  	[timem:s3], [sflag:s2] =	dma.local @!p0 [hbm:s0], s1  }
0xa8: {  	s0 =	simm.s32 @!p0 $0x5  }
0xa9: {  	_ =	swait.ge @!p0 [sflag:s0], s1  }
0xaa: {  	s1 =	ssub.s32 @!p0 $0x0, s1;
	[sflag:s0] =	ssyncset.done @!p0 $0x0  }
0xab: {  	[sflag:s0] =	ssyncadd.s32 @!p0 s1  }
0xac: {  	[bflag:$0x3] =	sbarrier.arrive $0xFFFF  }
0xad: {  	_ =	shalt  }

// kernel: kernel.16.cloned.1.call-start
scs
__scs_entry_jumppad:
0x0: {  	(pc) =	sbr.rel $0x88, $3  }
0x1: {  	(tag) =	ssettag $0x0;
	lr =	simm.s32 $0x1  }
0x2: {  	[smem:$0x3F99] =	sst lr;
	_ =	strace $0xD0000000  }
0x3: {  	_ = 	snop  }
0x4: {  	_ = 	snop  }
0x5: {  	_ = 	snop  }
0x6: {  	_ = 	snop  }
0x7: {  	_ = 	snop  }
__scs_overlays_trampoline_lowered:
0x8: {  	[smem:$0x3FA8] =	sst s0  }
0x9: {  	[smem:$0x3FA9] =	sst s1  }
0xa: {  	[smem:$0x3FAA] =	sst s2  }
0xb: {  	[smem:$0x3FAB] =	sst s3  }
0xc: {  	[smem:$0x3FAC] =	sst s4  }
0xd: {  	[smem:$0x3FAD] =	sst s5  }
0xe: {  	[smem:$0x3FAE] =	sst s6  }
0xf: {  	[smem:$0x3FAF] =	sst s7  }
0x10: {  	[smem:$0x3FB0] =	sst s8  }
0x11: {  	[smem:$0x3FB1] =	sst s9;
	s0 =	simm.s32 @!p0 $0x0  }
0x12: {  	s1 =	sld [smem:$0x3F97];
	s0 =	simm.s32 @p0 $0x1  }
0x13: {  	[smem:$0x3FB2] =	sst s0;
	s0 =	simm.s32 @!p1 $0x0  }
0x14: {  	s2 =	sld [smem:$0x3F96];
	s0 =	simm.s32 @p1 $0x1  }
0x15: {  	[smem:$0x3FB3] =	sst s0;
	s0 =	simm.s32 @!p2 $0x0  }
0x16: {  	s3 =	sld [smem:$0x3FDB];
	s0 =	simm.s32 @p2 $0x1  }
0x17: {  	s4 =	simm.s32 $0x1BF5;
	[smem:$0x3FB5] =	sst s0  }
0x18: {  	s0 =	sld [smem:$0x3F98];
	_ =	swait.ge [sflag:s4], $0x0  }
0x19: {  	s7 =	sld [smem:$0x3F99]  }
0x1a: {  	s8 =	sadd.s32 $0xFFFFE003, lr  }
0x1b: {  	s9 =	sadd.s32 $0xFFFFFEF7, lr;
	s5 =	simm.s32 $0xFFFFFFFF;
	p2 =	slt.u32 s8, $0xFFFFF086  }
0x1c: {  	p1 =	slt.u32 s9, $0xF7A;
	s5 =	simm.s32 @!p2 $0x0  }
0x1d: {  	s5 =	simm.s32 @p1 $0x1;
	p0 =	seq.s32 s7, s2  }
0x1e: {  	s7 =	smul.u32 @!p0 $0xF7A, s2;
	p2 =	seq.s32 @!p0 s5, $0x0  }
0x1f: {  	s9 =	smul.u32 $0xF7A, s1;
	s8 =	simm.s32 @!p0 $0x1BF5;
	p2 =	por !p2, p0  }
0x20: {  	[sflag:s8] =	ssyncset.s32 @!p0 $0xFFFFF086;
	s6 =	sadd.s32 @!p0 s3, s7;
	s7 =	simm.s32 @!p0 $0x108  }
0x21: {  	s3 =	sadd.s32 s3, s9;
	s6 =	sadd.s32 @!p0 $0x88, s6;
	s7 =	simm.s32 @p2 $0x1082  }
0x22: {  	[simem:s7], [sflag:s8] =	dma.local @!p0 [hbm:s6], $0xF7A  }
0x23: {  	s9 =	sor.u32 $0xD0000000, s2;
	s6 =	simm.s32 $0x108;
	_ =	swait.ge @!p0 [sflag:s8], $0x0  }
0x24: {  	s3 =	sadd.s32 $0x88, s3;
	s6 =	simm.s32 @!p1 $0x1082;
	[sflag:s4] =	ssyncset.s32 $0xFFFFF086  }
0x25: {  	[simem:s6], [sflag:s4] =	dma.local [hbm:s3], $0xF7A  }
0x26: {  	[smem:$0x3F99] =	sst s1;
	(tag) =	ssettag s2;
	_ =	strace s9  }
0x27: {  	s1 =	sld [smem:$0x3FA9]  }
0x28: {  	s2 =	sld [smem:$0x3FAA]  }
0x29: {  	s4 =	sld [smem:$0x3FAC]  }
0x2a: {  	p0 =	seq.s32 s5, $0x0;
	s5 =	sld [smem:$0x3FAD]  }
0x2b: {  	s6 =	sld [smem:$0x3FAE]  }
0x2c: {  	s7 =	sld [smem:$0x3FAF]  }
0x2d: {  	s3 =	simm.s32 $0x108;
	s8 =	sld [smem:$0x3FB0]  }
0x2e: {  	s3 =	simm.s32 @!p0 $0x1082;
	s9 =	sld [smem:$0x3FB1]  }
0x2f: {  	lr =	sadd.s32 s0, s3;
	s0 =	sld [smem:$0x3FA8]  }
0x30: {  	s3 =	sld [smem:$0x3FAB]  }
0x31: {  	[smem:$0x3FB4] =	sst s10  }
0x32: {  	s10 =	sld [smem:$0x3FB2];
	_ =	sdelay $0x3  }
0x33: {  	p0 =	seq.s32 s10, $0x1;
	s10 =	sld [smem:$0x3FB4];
	_ =	sdelay $0x3  }
0x34: {  	[smem:$0x3FB4] =	sst s10  }
0x35: {  	s10 =	sld [smem:$0x3FB3];
	_ =	sdelay $0x3  }
0x36: {  	p1 =	seq.s32 s10, $0x1;
	s10 =	sld [smem:$0x3FB4];
	_ =	sdelay $0x3  }
0x37: {  	[smem:$0x3FB4] =	sst s10  }
0x38: {  	s10 =	sld [smem:$0x3FB5]  }
0x39: {  	_ = 	snop;
	(pc) =	sbr.ind lr, $3  }
0x3a: {  	_ = 	snop  }
0x3b: {  	_ = 	snop  }
0x3c: {  	p2 =	seq.s32 s10, $0x1;
	s10 =	sld [smem:$0x3FB4]  }
0x3d: {  	_ =	shalt  }
0x3e: {  	_ =	shalt  }
0x3f: {  	_ =	shalt  }
0x40: {  	_ =	shalt  }
0x41: {  	_ =	shalt  }
0x42: {  	_ =	shalt  }
0x43: {  	_ =	shalt  }
0x44: {  	_ =	shalt  }
0x45: {  	_ =	shalt  }
0x46: {  	_ =	shalt  }
0x47: {  	_ =	shalt  }
0x48: {  	_ =	shalt  }
0x49: {  	_ =	shalt  }
0x4a: {  	_ =	shalt  }
0x4b: {  	_ =	shalt  }
0x4c: {  	_ =	shalt  }
0x4d: {  	_ =	shalt  }
0x4e: {  	_ =	shalt  }
0x4f: {  	_ =	shalt  }
0x50: {  	_ =	shalt  }
0x51: {  	_ =	shalt  }
0x52: {  	_ =	shalt  }
0x53: {  	_ =	shalt  }
0x54: {  	_ =	shalt  }
0x55: {  	_ =	shalt  }
0x56: {  	_ =	shalt  }
0x57: {  	_ =	shalt  }
0x58: {  	_ =	shalt  }
0x59: {  	_ =	shalt  }
0x5a: {  	_ =	shalt  }
0x5b: {  	_ =	shalt  }
0x5c: {  	_ =	shalt  }
0x5d: {  	_ =	shalt  }
0x5e: {  	_ =	shalt  }
0x5f: {  	_ =	shalt  }
0x60: {  	_ =	shalt  }
0x61: {  	_ =	shalt  }
0x62: {  	_ =	shalt  }
0x63: {  	_ =	shalt  }
0x64: {  	_ =	shalt  }
0x65: {  	_ =	shalt  }
0x66: {  	_ =	shalt  }
0x67: {  	_ =	shalt  }
0x68: {  	_ =	shalt  }
0x69: {  	_ =	shalt  }
0x6a: {  	_ =	shalt  }
0x6b: {  	_ =	shalt  }
0x6c: {  	_ =	shalt  }
0x6d: {  	_ =	shalt  }
0x6e: {  	_ =	shalt  }
0x6f: {  	_ =	shalt  }
0x70: {  	_ =	shalt  }
0x71: {  	_ =	shalt  }
0x72: {  	_ =	shalt  }
0x73: {  	_ =	shalt  }
0x74: {  	_ =	shalt  }
0x75: {  	_ =	shalt  }
0x76: {  	_ =	shalt  }
0x77: {  	_ =	shalt  }
0x78: {  	_ =	shalt  }
0x79: {  	_ =	shalt  }
0x7a: {  	_ =	shalt  }
0x7b: {  	_ =	shalt  }
0x7c: {  	_ =	shalt  }
0x7d: {  	_ =	shalt  }
0x7e: {  	_ =	shalt  }
0x7f: {  	_ =	shalt  }
0x80: {  	_ =	shalt  }
0x81: {  	_ =	shalt  }
0x82: {  	_ =	shalt  }
0x83: {  	_ =	shalt  }
0x84: {  	_ =	shalt  }
0x85: {  	_ =	shalt  }
0x86: {  	_ =	shalt  }
0x87: {  	_ =	shalt  }
.Lfunc_end0:
.L_simem_size_0:
called_computation.2_lowered:
.L_overlay_start_0:
0x88: {  	s2 =	sld [smem:$0x3FD9]  }
0x89: {  	s3 =	sld [smem:$0x3FFE];
	_ =	sdelay $0x1  }
0x8a: {  	s1 =	srdreg.scid  }
0x8b: {  	s0 =	sand.u32 $0x1, s1  }
0x8c: {  	s17 =	sshll.u32 s0, $0xA;
	s2 =	sadd.s32 s3, s2  }
0x8d: {  	s2 =	sadd.s32 s2, s17  }
0x8e: {  	[smem:$0x3FC0] =	sst s2  }
0x8f: {  	_ = 	snop  }
0x90: {  	s2 =	sld [smem:$0x3FD0];
	(tm) =	ssettm $0x1  }
0x91: {  	s18 =	sld [smem:$0x3FFB];
	_ =	sdelay $0x3  }
0x92: {  	_ =	strace s18  }
0x93: {  	s3 =	sld [smem:$0x3FFC];
	_ =	sdelay $0x3  }
0x94: {  	_ =	strace s3  }
0x95: {  	s3 =	sld [smem:$0x3FFD];
	_ =	sdelay $0x3  }
0x96: {  	_ =	strace s3  }
0x97: {  	_ =	strace $0x8FFFFFFF  }
0x98: {  	s19 =	sld [smem:$0x3FDB];
	_ =	sdelay $0x1  }
0x99: {  	s4 =	simm.s32 $_scs_section_size  }
0x9a: {  	s5 =	simm.s32 $_size__tile_overlayer_lowered;
	s6 =	simm.s32 $_tile_overlayer_lowered  }
0x9b: {  	s22 =	simm.s32 $0x1BFF;
	s21 =	sshll.u32 s6, $0x1;
	s3 =	sadd.s32 s4, s19  }
0x9c: {  	s7 =	simm.s32 $0x0;
	s20 =	sshll.u32 s5, $0x1;
	s5 =	sadd.s32 s21, s3  }
0x9d: {  	[timem:s7], [sflag:s22] =	dma.local [hbm:s5], s20  }
0x9e: {  	_ =	swait.ge [sflag:s22], s20  }
0x9f: {  	s4 =	ssub.s32 $0x0, s20;
	[sflag:s22] =	ssyncset.done $0x0  }
0xa0: {  	[sflag:s22] =	ssyncadd.s32 s4;
	_ =	sdelay $0x1  }
0xa1: {  	s23 =	simm.s32 $0x1B8B  }
0xa2: {  	_ =	swait.ge [sflag:s23], $0x1  }
0xa3: {  	[sflag:s23] =	ssyncset.done $0x0  }
0xa4: {  	s25 =	simm.s32 $0x1B8E;
	s24 =	sld [smem:$0x3FFE];
	[sflag:s23] =	ssyncadd.s32 $0xFFFFFFFF  }
0xa5: {  	s26 =	simm.s32 $execute0_lowered;
	[smem:$0x3FD2] =	sst s25  }
0xa6: {  	s5 =	sshll.u32 s26, $0x1;
	_ =	strace $0x8000004C;
	[dreg:$0x1] =	wrdreg $0xFFFFFFFF  }
0xa7: {  	s28 =	simm.s32 $_size_execute0_lowered;
	s3 =	sadd.s32 s3, s5;
	[dreg:$0x0] =	wrdreg $0x0  }
0xa8: {  	s5 =	sshll.u32 s28, $0x1;
	[dreg:$0x2] =	wrdreg s3  }
0xa9: {  	[dreg:$0x3] =	wrdreg s5  }
0xaa: {  	[dreg:$0x4] =	wrdreg $0xC0  }
0xab: {  	_ =	task [dreg:s7], $0x5FFFF  }
0xac: {  	[dreg:$0x1] =	wrdreg $0xFFFFFFFF  }
0xad: {  	[dreg:$0x0] =	wrdreg $0x60  }
0xae: {  	[dreg:$0x2] =	wrdreg s2  }
0xaf: {  	[dreg:$0x3] =	wrdreg s24  }
0xb0: {  	[dreg:$0x4] =	wrdreg $0xA8000  }
0xb1: {  	[dreg:$0x5] =	wrdreg $0x9  }
0xb2: {  	_ =	task.clear_ibuf [dreg:s7], $0x6FFFF;
	_ =	strace $0x9000004C  }
0xb3: {  	s29 =	simm.s32 $0x9;
	_ =	strace $0x8000004E  }
0xb4: {  	_ =	swait.ge [sflag:s29], $0x1  }
0xb5: {  	[sflag:s29] =	ssyncadd.s32 $0xFFFFFFFF  }
0xb6: {  	_ =	strace $0x9000004E  }
0xb7: {  	_ =	sfence  }
0xb8: {  	s30 =	sld [smem:$0x0];
	_ =	sdelay $0x2  }
0xb9: {  	s31 =	sshll.u32 s1, $0xD;
	s1 =	sshrl.u32 s1, $0x2  }
0xba: {  	s3 =	sand.u32 $0x4000, s31;
	s1 =	sadd.s32 s1, s30  }
0xbb: {  	s0 =	sor.u32 s3, s0;
	s1 =	sshll.u32 s1, $0x11  }
0xbc: {  	s0 =	sor.u32 s1, s0  }
0xbd: {  	s0 =	sadd.s32 $0x8F2B, s0  }
0xbe: {  	[sflag:s0] =	ssyncadd.remote.s32 $0x1  }
0xbf: {  	_ =	sfence.sel $0xFFFF  }
0xc0: {  	[dreg:$0x0] =	wrdreg $0xFFFFFFFF;
	(pc) =	sbr.abs _section_cstart, $3  }
0xc1: {  	[dreg:$0x1] =	wrdreg $0xFFFFFFFF  }
0xc2: {  	_ =	task.clear_ibuf [dreg:s7], $0x2FFFF;
	_ =	strace $0x9FFFFFFF  }
0xc3: {  	(tm) =	ssettm $0x7FFFFFFF  }
tec
execute0_lowered:
.L_overlay_start_1:
0x0: {  	(tag) =	ssettag $0x1  }
0x1: {  	s0 =	rddreg [dreg:$0x0]  }
0x2: {  	s2 =	rddreg [dreg:$0x1]  }
0x3: {  	s1 =	rddreg [dreg:$0x2]  }
0x4: {  	s3 =	simm.s32 $0x0;
	s9 =	stileid.u32;
	s5 =	srdreg.scid  }
0x5: {  	s28 =	simm.s32 $0x80;
	s29 =	simm.s32 $0x50;
	s31 =	simm.s32 $0x3  }
0x6: {  	s30 =	simm.s32 $0x0;
	[smem:$0x7FF] =	sst s3;
	s4 =	sadd.s32 $0xF800, s2  }
0x7: {  	s6 =	smul.u32 $0x50000, s9;
	s7 =	sadd.s32 $0x5A00, s2;
	s20 =	sadd.s32 $0x37800, s2  }
0x8: {  	s18 =	sand.u32 $0x1, s5;
	s2 =	sadd.s32 $0x5F800, s2;
	s10 =	smul.u32 $0x2710, s9  }
0x9: {  	s26 =	smul.u32 $0x4E2, s9;
	_ =	strace $0x8000004D;
	s8 =	ssub.s32 $0x2, s18  }
0xa: {  	p0 =	seq.s32 s18, $0x0;
	s17 =	sshrl.u32 s6, $0x2;
	s19 =	sshrl.u32 s8, $0x1  }
0xb: {  	s12 =	sshrl.u32 s10, $0x3;
	s4 =	smov.u32 @p0 s0;
	s2 =	smov.u32 @p0 s20  }
0xc: {  	s0 =	sadd.s32 s26, s7;
	s26 =	simm.s32 $0x1;
	s5 =	sadd.s32 s17, s1  }
0xd: {  	s6 =	ssub.s32 s8, s19;
	s12 =	sadd.s32 s7, s12;
	s7 =	sadd.s32 $0x4E48, s0  }
0xe: {  	s0 =	simm.s32 $0x2;
	s21 =	sadd.s32 $0x2800, s5;
	s22 =	sadd.s32 $0x5000, s5  }
0xf: {  	s23 =	sadd.s32 $0x7800, s5;
	s24 =	sadd.s32 $0xA000, s5;
	s25 =	sadd.s32 $0xC800, s5  }
0x10: {  	s11 =	sadd.s32 $0xF000, s5;
	s13 =	sadd.s32 $0x11800, s5;
	s14 =	sadd.s32 $0x4E20, s12  }
0x11: {  	s15 =	sadd.s32 $0xA, s12;
	s16 =	sadd.s32 $0x4E2A, s12;
	[dreg:$0x4] =	wrdreg s21  }
.Ltmp0:
0x12: {  	s17 =	sadd.s32 $0x14, s12;
	[dreg:$0x5] =	wrdreg s22;
	(pc) =	sbr.rel .LBB2_1-.Ltmp0, $4  }
0x13: {  	s18 =	sadd.s32 $0x4E34, s12;
	s19 =	sadd.s32 $0x1E, s12;
	[dreg:$0x6] =	wrdreg s23  }
0x14: {  	s20 =	sadd.s32 $0x4E3E, s12;
	[dreg:$0x7] =	wrdreg s24;
	s22 =	smul.u32 $0x2800, s9  }
0x15: {  	[dreg:$0x8] =	wrdreg s25;
	s21 =	smax.u32 s6, $0x1;
	s24 =	simm.s32 $0x800  }
0x16: {  	v0 =	vimm.f32 $0.0e+00;
	s25 =	simm.s32 $0x5;
	s22 =	sadd.s32 s2, s22;
	s2 =	simm.s32 $0x4  }
.LBB2_9:
0x17: {  	_ =	swait.ge [sflag:s2], $0x2800  }
0x18: {  	[sflag:s2] =	ssyncset.done $0x0  }
0x19: {  	[sflag:s2] =	ssyncadd.s32 $0xFFFFD800  }
0x1a: {  	s6 =	stileid.u32;
	_ =	swait.ge [sflag:s2], $0x2800  }
0x1b: {  	s8 =	sshrl.u32 s5, $0x3;
	s30 =	sadd.s32 $0x1, s30;
	[sflag:s2] =	ssyncset.done $0x0  }
0x1c: {  	s6 =	sshll.u32 s6, $0x6;
	p0 =	sne.s32 s30, s21;
	[sflag:s2] =	ssyncadd.s32 $0xFFFFD800  }
.Ltmp1:
0x1d: {  	s6 =	sor.u32 $0x1C05, s6;
	[bflag:$0x0] =	sbarrier.arrive $0xFFFF;
	(pc) =	sbr.rel @!p0 .LBB2_10-.Ltmp1, $4  }
0x1e: {  	[hbm:s22], [sflag:s6] =	dma.local [spmem:s8], $0x2800  }
0x1f: {  	_ =	swait.ge [sflag:s25], $0x2800  }
0x20: {  	[sflag:s25] =	ssyncset.done $0x0  }
0x21: {  	[sflag:s25] =	ssyncadd.s32 $0xFFFFD800  }
.LBB2_1:
0x22: {  	s6 =	simm.s32 $0x0;
	s23 =	simm.s32 $0x200  }
.LBB2_2:
0x23: {  	p0 =	sne.s32 s23, $0x9E00;
	[tilespmem:s6+$0x870] =	vst v0  }
0x24: {  	[tilespmem:s6+$0x800] =	vst v0  }
0x25: {  	[tilespmem:s6+$0x810] =	vst v0  }
.Ltmp2:
0x26: {  	[tilespmem:s6+$0x820] =	vst v0;
	(pc) =	sbr.rel @p0 .LBB2_2-.Ltmp2, $4  }
0x27: {  	[tilespmem:s6+$0x830] =	vst v0  }
0x28: {  	[tilespmem:s6+$0x840] =	vst v0  }
0x29: {  	[tilespmem:s6+$0x850] =	vst v0  }
0x2a: {  	[tilespmem:s6+$0x860] =	vst v0;
	s6 =	sshra.s32 s23, $0x2;
	s23 =	sadd.s32 $0x200, s23  }
0x2b: {  	[tilespmem:s6+$0x870] =	vst v0  }
0x2c: {  	[tilespmem:s6+$0x800] =	vst v0  }
0x2d: {  	[tilespmem:s6+$0x810] =	vst v0  }
0x2e: {  	[tilespmem:s6+$0x820] =	vst v0  }
0x2f: {  	[tilespmem:s6+$0x830] =	vst v0  }
0x30: {  	[tilespmem:s6+$0x840] =	vst v0  }
0x31: {  	[tilespmem:s6+$0x850] =	vst v0  }
0x32: {  	[tilespmem:s6+$0x860] =	vst v0  }
0x33: {  	[spmem:s5] =	stream.linear.scatter [tilespmem:s24], [sflag:$0x5], $0x2800, $0x38;
	[tilespmem:$0x1E800] =	vst v63  }
0x34: {  	_ =	swait.ge [sflag:s25], $0x2800  }
0x35: {  	[sflag:s25] =	ssyncset.done $0x0  }
0x36: {  	s8 =	rddreg [dreg:$0x4];
	[sflag:s25] =	ssyncadd.s32 $0xFFFFD800  }
0x37: {  	[spmem:s8] =	stream.linear.scatter [tilespmem:s24], [sflag:$0x5], $0x2800, $0x38;
	[tilespmem:$0x1E800] =	vst v63  }
0x38: {  	_ =	swait.ge [sflag:s25], $0x2800  }
0x39: {  	[sflag:s25] =	ssyncset.done $0x0  }
0x3a: {  	s9 =	rddreg [dreg:$0x5];
	[sflag:s25] =	ssyncadd.s32 $0xFFFFD800  }
0x3b: {  	[spmem:s9] =	stream.linear.scatter [tilespmem:s24], [sflag:$0x5], $0x2800, $0x38;
	[tilespmem:$0x1E800] =	vst v63  }
0x3c: {  	_ =	swait.ge [sflag:s25], $0x2800  }
0x3d: {  	[sflag:s25] =	ssyncset.done $0x0  }
0x3e: {  	s10 =	rddreg [dreg:$0x6];
	[sflag:s25] =	ssyncadd.s32 $0xFFFFD800  }
0x3f: {  	[spmem:s10] =	stream.linear.scatter [tilespmem:s24], [sflag:$0x5], $0x2800, $0x38;
	[tilespmem:$0x1E800] =	vst v63  }
0x40: {  	_ =	swait.ge [sflag:s25], $0x2800  }
0x41: {  	[sflag:s25] =	ssyncset.done $0x0  }
0x42: {  	s23 =	rddreg [dreg:$0x7];
	[sflag:s25] =	ssyncadd.s32 $0xFFFFD800  }
0x43: {  	[spmem:s23] =	stream.linear.scatter [tilespmem:s24], [sflag:$0x5], $0x2800, $0x38;
	[tilespmem:$0x1E800] =	vst v63  }
0x44: {  	_ =	swait.ge [sflag:s25], $0x2800  }
0x45: {  	[sflag:s25] =	ssyncset.done $0x0  }
0x46: {  	s8 =	rddreg [dreg:$0x8];
	[sflag:s25] =	ssyncadd.s32 $0xFFFFD800  }
0x47: {  	[spmem:s8] =	stream.linear.scatter [tilespmem:s24], [sflag:$0x5], $0x2800, $0x38;
	[tilespmem:$0x1E800] =	vst v63  }
0x48: {  	_ =	swait.ge [sflag:s25], $0x2800  }
0x49: {  	[sflag:s25] =	ssyncset.done $0x0  }
0x4a: {  	[sflag:s25] =	ssyncadd.s32 $0xFFFFD800  }
0x4b: {  	[spmem:s11] =	stream.linear.scatter [tilespmem:s24], [sflag:$0x5], $0x2800, $0x38;
	[tilespmem:$0x1E800] =	vst v63  }
0x4c: {  	_ =	swait.ge [sflag:s25], $0x2800  }
0x4d: {  	[sflag:s25] =	ssyncset.done $0x0  }
0x4e: {  	[sflag:s25] =	ssyncadd.s32 $0xFFFFD800  }
0x4f: {  	[spmem:s13] =	stream.linear.scatter [tilespmem:s24], [sflag:$0x5], $0x2800, $0x38;
	[tilespmem:$0x1E800] =	vst v63  }
0x50: {  	_ =	swait.ge [sflag:s25], $0x2800  }
0x51: {  	[sflag:s25] =	ssyncset.done $0x0  }
0x52: {  	[sflag:s25] =	ssyncadd.s32 $0xFFFFD800  }
0x53: {  	s6 =	simm.s32 $0x0;
	[bflag:$0x0] =	sbarrier.arrive $0xFFFF  }
0x54: {  	[tilespmem:s6], [sflag:$0x1] =	stream.linear.gather [hbm4b:s12+s6], $0x50, $0x38;
	[tilespmem:$0x1E800] =	vst v63  }
0x55: {  	s8 =	simm.s32 $0x400  }
0x56: {  	[tilespmem:s8], [sflag:$0x2] =	stream.linear.gather [hbm4b:s14+s6], $0x50, $0x38;
	[tilespmem:$0x1E800] =	vst v63  }
0x57: {  	_ = 	snop  }
0x58: {  	[tilespmem:s28], [sflag:$0x1] =	stream.linear.gather [hbm4b:s15+s6], $0x50, $0x38;
	[tilespmem:$0x1E800] =	vst v63  }
0x59: {  	s9 =	simm.s32 $0x480  }
0x5a: {  	[tilespmem:s9], [sflag:$0x2] =	stream.linear.gather [hbm4b:s16+s6], $0x50, $0x38;
	[tilespmem:$0x1E800] =	vst v63  }
0x5b: {  	s10 =	simm.s32 $0x100  }
0x5c: {  	[tilespmem:s10], [sflag:$0x1] =	stream.linear.gather [hbm4b:s17+s6], $0x50, $0x38;
	[tilespmem:$0x1E800] =	vst v63  }
0x5d: {  	s23 =	simm.s32 $0x500  }
0x5e: {  	[tilespmem:s23], [sflag:$0x2] =	stream.linear.gather [hbm4b:s18+s6], $0x50, $0x38;
	[tilespmem:$0x1E800] =	vst v63  }
0x5f: {  	s9 =	simm.s32 $0x180  }
0x60: {  	[tilespmem:s9], [sflag:$0x1] =	stream.linear.gather [hbm4b:s19+s6], $0x50, $0x38;
	[tilespmem:$0x1E800] =	vst v63  }
0x61: {  	s10 =	simm.s32 $0x580  }
0x62: {  	[tilespmem:s10], [sflag:$0x2] =	stream.linear.gather [hbm4b:s20+s6], $0x50, $0x38;
	[tilespmem:$0x1E800] =	vst v63  }
0x63: {  	_ =	swait.ge [sflag:s26], $0x50  }
0x64: {  	[sflag:s26] =	ssyncset.done $0x0  }
0x65: {  	[sflag:s26] =	ssyncadd.s32 $0xFFFFFFB0  }
0x66: {  	[tilespmem:s24], [sflag:$0x3] =	stream.indirect.gather [hbm4b:s4+s29], $0x80, s6, s29, $0xb8;
	[tilespmem:$0x1E800] =	vst v63  }
.Ltmp3:
0x67: {  	_ =	swait.ge [sflag:s26], $0x50;
	(pc) =	sbr.rel .LBB2_4-.Ltmp3, $4  }
0x68: {  	[sflag:s26] =	ssyncset.done $0x0  }
0x69: {  	s23 =	simm.s32 $0x3000;
	[sflag:s26] =	ssyncadd.s32 $0xFFFFFFB0  }
0x6a: {  	[tilespmem:s23], [sflag:$0x3] =	stream.indirect.gather [hbm4b:s4+s29], $0x80, s28, s29, $0xb8;
	[tilespmem:$0x1E800] =	vst v63  }
0x6b: {  	s23 =	smov.u32 s7  }
.LBB2_5:
0x6c: {  	s8 =	sadd.s32 $0x4, s6  }
0x6d: {  	s9 =	smul.u32 $0xAB, s8;
	_ =	sdelay $0x1  }
0x6e: {  	s9 =	sshrl.u32 s9, $0xA  }
0x6f: {  	s9 =	sand.u32 $0x3F, s9  }
0x70: {  	s9 =	smul.u32 $0x6, s9;
	_ =	sdelay $0x1  }
0x71: {  	s8 =	ssub.s32 s8, s9  }
0x72: {  	s8 =	sand.u32 $0xFF, s8  }
0x73: {  	s10 =	sadd.s32 $0xFFFFB1E0, s23;
	s8 =	sshll.u32 s8, $0x7  }
0x74: {  	[tilespmem:s8], [sflag:$0x1] =	stream.linear.gather [hbm4b:s10+s3], $0x50, $0x38;
	[tilespmem:$0x1E800] =	vst v63  }
0x75: {  	s8 =	sor.u32 $0x400, s8  }
0x76: {  	[tilespmem:s8], [sflag:$0x2] =	stream.linear.gather [hbm4b:s23+s3], $0x50, $0x38;
	[tilespmem:$0x1E800] =	vst v63  }
.LBB2_7:
0x77: {  	s8 =	sadd.s32 $0x2, s6  }
0x78: {  	s9 =	smul.u32 $0xAB, s8;
	_ =	sdelay $0x1  }
0x79: {  	s9 =	sshrl.u32 s9, $0xA  }
0x7a: {  	s9 =	sand.u32 $0x3F, s9  }
0x7b: {  	s10 =	sand.u32 $0x3, s8;
	s9 =	smul.u32 $0x6, s9  }
0x7c: {  	s10 =	smul.u32 $0xA000, s10  }
0x7d: {  	_ =	swait.ge [sflag:s26], $0x50;
	s8 =	ssub.s32 s8, s9  }
0x7e: {  	[sflag:s26] =	ssyncset.done $0x0;
	s10 =	sshrl.u32 s10, $0x2;
	s8 =	sand.u32 $0xFF, s8  }
0x7f: {  	[sflag:s26] =	ssyncadd.s32 $0xFFFFFFB0;
	s9 =	sadd.s32 $0x800, s10;
	s8 =	sshll.u32 s8, $0x7  }
0x80: {  	[tilespmem:s9], [sflag:$0x3] =	stream.indirect.gather [hbm4b:s4+s29], $0x80, s8, s29, $0xb8;
	[tilespmem:$0x1E800] =	vst v63  }
.LBB2_8:
0x81: {  	s8 =	smul.u32 $0xAB, s6;
	_ =	sdelay $0x1  }
0x82: {  	s8 =	sshrl.u32 s8, $0xA  }
0x83: {  	s8 =	sand.u32 $0x3F, s8  }
0x84: {  	s8 =	smul.u32 $0x6, s8  }
0x85: {  	_ =	swait.ge [sflag:s31], $0x2800  }
0x86: {  	s9 =	sand.u32 $0x3, s6;
	s8 =	ssub.s32 s6, s8;
	s6 =	sadd.s32 $0x1, s6  }
0x87: {  	[sflag:s31] =	ssyncset.done $0x0;
	s9 =	smul.u32 $0xA000, s9;
	p0 =	sne.s32 s6, $0x7D  }
.Ltmp4:
0x88: {  	[sflag:s31] =	ssyncadd.s32 $0xFFFFD800;
	(pc) =	sbr.rel @!p0 .LBB2_9-.Ltmp4, $4  }
0x89: {  	s23 =	sadd.s32 $0xA, s23;
	_ =	swait.ge [sflag:s0], $0x50;
	s8 =	sand.u32 $0xF7, s8  }
0x8a: {  	s9 =	sshrl.u32 s9, $0x2;
	[sflag:s0] =	ssyncset.done $0x0;
	s8 =	sshll.u32 s8, $0x7  }
0x8b: {  	s9 =	sadd.s32 $0x800, s9;
	[sflag:s0] =	ssyncadd.s32 $0xFFFFFFB0;
	s8 =	sor.u32 $0x400, s8  }
0x8c: {  	[spmem:s1] =	stream.indirect.scatter.add.f32 [tilespmem:s9], [sflag:$0x4], $0x80, s8, s29, $0xb8;
	[tilespmem:$0x1E800] =	vst v63  }
.LBB2_4:
0x8d: {  	p0 =	slt.u32 s6, $0x2  }
0x8e: {  	p1 =	sgt.u32 @!p0 s6, $0x78  }
0x8f: {  	p1 =	por p0, !p1  }
.Ltmp5:
0x90: {  	_ = 	snop;
	(pc) =	sbr.rel @p1 .LBB2_5-.Ltmp5, $4  }
0x91: {  	s8 =	simm.s32 @!p0 $0x4  }
0x92: {  	_ =	swait.ge @!p0 [sflag:s8], $0x2800  }
0x93: {  	[sflag:s8] =	ssyncset.done @!p0 $0x0  }
0x94: {  	[sflag:s8] =	ssyncadd.s32 @!p0 $0xFFFFD800  }
0x95: {  	p0 =	sgt.u32 s6, $0x7A  }
.Ltmp6:
0x96: {  	_ = 	snop;
	(pc) =	sbr.rel @p0 .LBB2_8-.Ltmp6, $4  }
.Ltmp7:
0x97: {  	_ = 	snop;
	(pc) =	sbr.rel @!p0 .LBB2_7-.Ltmp7, $4  }
0x98: {  	_ = 	snop  }
0x99: {  	_ = 	snop  }
0x9a: {  	_ = 	snop  }
0x9b: {  	_ = 	snop  }
.LBB2_10:
0x9c: {  	_ =	sfence.sel $0x180000  }
0x9d: {  	[bflag:$0x0] =	sbarrier.arrive $0xFFFF  }
0x9e: {  	_ =	strace $0x9000004D  }
0x9f: {  	s0 =	stileid.u32;
	[bflag:$0x2] =	sbarrier.arrive $0xFFFF  }
0xa0: {  	p0 =	sne.s32 s0, $0x0;
	s0 =	rddreg [dreg:$0x3]  }
0xa1: {  	s0 =	sadd.s32 @!p0 $0x100000, s0  }
0xa2: {  	[sflag:s0] =	ssyncadd.tile.s32 @!p0 $0x1;
	_ =	shalt  }
.Lfunc_end2:
_tile_overlayer_lowered:
.L_overlay_start_2:
0xa3: {  	(tag) =	ssettag $0x2  }
0xa4: {  	s0 =	rddreg [dreg:$0x0];
	s2 =	stileid.u32  }
0xa5: {  	s1 =	rddreg [dreg:$0x1];
	p0 =	sne.s32 s2, $0x0  }
0xa6: {  	s3 =	rddreg [dreg:$0x2];
	[bflag:$0x3] =	sbarrier.arrive $0xFFFF;
	s2 =	simm.s32 @!p0 $0x1C05  }
0xa7: {  	[timem:s3], [sflag:s2] =	dma.local @!p0 [hbm:s0], s1  }
0xa8: {  	s0 =	simm.s32 @!p0 $0x5  }
0xa9: {  	_ =	swait.ge @!p0 [sflag:s0], s1  }
0xaa: {  	s1 =	ssub.s32 @!p0 $0x0, s1;
	[sflag:s0] =	ssyncset.done @!p0 $0x0  }
0xab: {  	[sflag:s0] =	ssyncadd.s32 @!p0 s1  }
0xac: {  	[bflag:$0x3] =	sbarrier.arrive $0xFFFF  }
0xad: {  	_ =	shalt  }

</sc_bundles>
